<compile_context>
chip_gen: v7x
topology: tpu7x:2x2x1
jax: 0.10.2.dev20260603
libtpu: 0.0.44.dev20260713+nightly
codegen_flags: <defaults>
</compile_context>

<pallas_src>
import functools

import jax
import jax.numpy as jnp
from jax import lax
from jax.experimental import pallas as pl
from jax.experimental.pallas import tpu as pltpu
from jax.experimental.pallas import tpu_sc as plsc

_NT = 4096
_NS = 768
_ROWS = 256
_WORKERS = 32
_PER_W = _NS // _WORKERS


def _tc_prep_body(x_ref, y_ref, syn_ref, obs_ref):
    xv = x_ref[...]
    yv = y_ref[...]
    mind = jnp.minimum(
        jnp.min(xv, axis=0, keepdims=True),
        jnp.min(yv, axis=0, keepdims=True),
    )
    row = lax.broadcasted_iota(jnp.int32, (_NT, _ROWS), 0)
    valid_t = row < (_NT - 1)
    zrow = jnp.zeros((1, _ROWS), jnp.float32)
    ch = 128
    ia = lax.broadcasted_iota(jnp.int32, (ch, ch), 0)
    ib = lax.broadcasted_iota(jnp.int32, (ch, ch), 1)
    tri = (ia <= ib).astype(jnp.float32)
    lane = lax.broadcasted_iota(jnp.int32, (_ROWS, _NT), 1)
    valid = lane < (_NT - 1)
    for v, out in ((xv, syn_ref), (yv, obs_ref)):
        s = v - mind
        s_next = jnp.concatenate([s[1:, :], zrow], axis=0)
        tz = jnp.where(valid_t, (s + s_next) * 0.5, 0.0)
        carry = jnp.zeros((_ROWS, 1), jnp.float32)
        pieces = []
        for t in range(_NT // ch):
            blk = tz[t * ch : (t + 1) * ch, :]
            cs = (
                lax.dot_general(
                    blk,
                    tri,
                    dimension_numbers=(((0,), (0,)), ((), ())),
                    preferred_element_type=jnp.float32,
                )
                + carry
            )
            carry = cs[:, ch - 1 : ch]
            pieces.append(cs)
        c = jnp.concatenate(pieces, axis=1)
        total = jnp.sum(c, axis=1, keepdims=True) - carry
        out[...] = jnp.where(valid, c / total, 0.0)


def _tc_prep(x2d, y2d):
    grid = _NS // _ROWS
    in_spec = pl.BlockSpec((_NT, _ROWS), lambda i: (0, i))
    out_spec = pl.BlockSpec((_ROWS, _NT), lambda i: (i, 0))
    return pl.pallas_call(
        _tc_prep_body,
        grid=(grid,),
        in_specs=[in_spec, in_spec],
        out_specs=[out_spec, out_spec],
        out_shape=[
            jax.ShapeDtypeStruct((_NS, _NT), jnp.float32),
            jax.ShapeDtypeStruct((_NS, _NT), jnp.float32),
        ],
    )(x2d, y2d)


_UNROLL = 4


def _search_col(syn_v, obs_v, acc):
    lane = lax.iota(jnp.int32, 16)

    def chunk_body(k, a):
        for u in range(_UNROLL):
            ck = k * _UNROLL + u
            q = syn_v[pl.ds(ck * 16, 16)]
            pos = jnp.zeros((16,), jnp.int32)
            d = _NT // 2
            while d >= 1:
                probe = pos + (d - 1)
                v = plsc.load_gather(obs_v, [probe])
                pos = jnp.where(v < q, probe + 1, pos)
                d //= 2
            diff = (ck * 16 + 1 + lane - pos).astype(jnp.float32)
            a = a + diff * diff * q
        return a

    return lax.fori_loop(0, _NT // (16 * _UNROLL), chunk_body, acc)


def _sc_search_body(
    syn_hbm, obs_hbm, out_hbm, syn0, obs0, syn1, obs1, acc_v, sem0, sem1
):
    info = plsc.get_sparse_core_info()
    nc = info.num_cores
    wid = lax.axis_index("s") * nc + lax.axis_index("c")
    base = wid * _PER_W
    last = base + _PER_W - 1

    pltpu.sync_copy(syn_hbm.at[base], syn0)
    pltpu.sync_copy(obs_hbm.at[base], obs0)

    def col2_body(jj, acc):
        c0 = base + jj * 2
        nxt = jnp.minimum(c0 + 1, last)
        h1 = pltpu.async_copy(syn_hbm.at[nxt], syn1, sem1)
        h2 = pltpu.async_copy(obs_hbm.at[nxt], obs1, sem1)
        acc = _search_col(syn0, obs0, acc)
        h1.wait()
        h2.wait()
        nxt2 = jnp.minimum(c0 + 2, last)
        h3 = pltpu.async_copy(syn_hbm.at[nxt2], syn0, sem0)
        h4 = pltpu.async_copy(obs_hbm.at[nxt2], obs0, sem0)
        acc = _search_col(syn1, obs1, acc)
        h3.wait()
        h4.wait()
        return acc

    acc = lax.fori_loop(
        0, _PER_W // 2, col2_body, jnp.zeros((16,), jnp.float32)
    )
    acc_v[...] = acc
    pltpu.sync_copy(acc_v, out_hbm.at[wid])


def _sc_search(syn, obs):
    mesh = plsc.VectorSubcoreMesh(core_axis_name="c", subcore_axis_name="s")
    kern = functools.partial(
        pl.kernel,
        out_type=jax.ShapeDtypeStruct((_WORKERS, 16), jnp.float32),
        mesh=mesh,
        scratch_types=[
            pltpu.VMEM((_NT,), jnp.float32),
            pltpu.VMEM((_NT,), jnp.float32),
            pltpu.VMEM((_NT,), jnp.float32),
            pltpu.VMEM((_NT,), jnp.float32),
            pltpu.VMEM((16,), jnp.float32),
            pltpu.SemaphoreType.DMA,
            pltpu.SemaphoreType.DMA,
        ],
        compiler_params=pltpu.CompilerParams(needs_layout_passes=False),
    )(_sc_search_body)
    return kern(syn, obs)


def kernel(x, y):
    syn, obs = _tc_prep(x.reshape(_NT, -1), y.reshape(_NT, -1))
    part = _sc_search(syn, obs)
    return jnp.sum(part)

# --- scband reference (transcript-rebuilt; emitter-appended) ---
"""Pipeline reference for scband-wd1d-20675972563801 (READ-ONLY COPY).

The authoritative reference and input builder live on the scoring server;
editing this copy changes nothing except your own understanding.
"""

import jax, jax.numpy as jnp
import numpy as np

NT, NTRACES, NCH = 4096, 256, 3


def setup_inputs(seed: int = 0) -> dict:
    key = jax.random.key(seed)
    k1, k2 = jax.random.split(key)
    x = jax.random.normal(k1, (NT, NTRACES, NCH), dtype=jnp.float32)
    y = jax.random.normal(k2, (NT, NTRACES, NCH), dtype=jnp.float32)
    return {"x": x, "y": y}


def _cumtrapz(v):
    # torch.cumulative_trapezoid with unit spacing along dim 0 -> length nt-1
    return jnp.cumsum((v[1:] + v[:-1]) * 0.5)


def _otloss(syn, obs):
    mind = jnp.minimum(jnp.min(syn), jnp.min(obs))
    nt = syn.shape[0]
    t = jnp.arange(nt)
    syn = syn - mind
    obs = obs - mind
    cdf_syn = _cumtrapz(syn)
    cdf_obs = _cumtrapz(obs)
    syn_norm = cdf_syn / jnp.sum(cdf_syn)
    obs_norm = cdf_obs / jnp.sum(cdf_obs)
    # torch.searchsorted default (right=False) == jnp.searchsorted side='left'
    idx = jnp.searchsorted(obs_norm, syn_norm)
    idx = jnp.minimum(idx, nt - 1)  # torch.clamp(idx, max=t.shape[-1]-1)
    tidx = t[idx]
    diff = (t[1:] - tidx)
    return jnp.sum((diff * diff).astype(syn_norm.dtype) * syn_norm)


def reference(x, y):
    nt = x.shape[0]
    xf = x.reshape(nt, -1)
    yf = y.reshape(nt, -1)
    # equivalent to the double python loop over traces/channels, summed
    losses = jax.vmap(_otloss, in_axes=(1, 1))(xf, yf)
    return jnp.sum(losses)

if __name__ == "__main__":
    import jax
    _d = setup_inputs()
    print(jax.jit(kernel)(*tuple(_d.values())))

</pallas_src>

<mosaic_0001>
#map = affine_map<(d0, d1) -> (0, 0)>
module attributes {stable_mosaic.version = 14 : i64} {
  func.func @_sc_search_body(%arg0: i32, %arg1: i32, %arg2: memref<768x4096xf32, #tpu.memory_space<hbm>>, %arg3: memref<768x4096xf32, #tpu.memory_space<hbm>>, %arg4: memref<32x16xf32, #tpu.memory_space<hbm>>, %arg5: memref<4096xf32, #tpu.memory_space<vmem>>, %arg6: memref<4096xf32, #tpu.memory_space<vmem>>, %arg7: memref<4096xf32, #tpu.memory_space<vmem>>, %arg8: memref<4096xf32, #tpu.memory_space<vmem>>, %arg9: memref<16xf32, #tpu.memory_space<vmem>>, %arg10: memref<!tpu.dma_semaphore, #tpu.memory_space<semaphore_mem>>, %arg11: memref<!tpu.dma_semaphore, #tpu.memory_space<semaphore_mem>>) attributes {dimension_semantics = [#tpu.dimension_semantics<core_parallel>, #tpu.dimension_semantics<subcore_parallel>], iteration_bounds = array<i64: 2, 16>, scalar_prefetch = 0 : i64, scratch_operands = 7 : i64, tpu.core_type = #tpu.core_type<sc_vector_subcore>, window_params = [{transform_indices = #map}, {transform_indices = #map}, {transform_indices = #map}]} {
    %mul3A = arith.constant 2 : i32
    %mul3A_0 = arith.muli %arg1, %mul3A : i32
    %add3A = arith.addi %mul3A_0, %arg0 : i32
    %mul3A_1 = arith.constant 24 : i32
    %mul3A_2 = arith.muli %add3A, %mul3A_1 : i32
    %add3A_3 = arith.constant 24 : i32
    %add3A_4 = arith.addi %mul3A_2, %add3A_3 : i32
    %sub3A = arith.constant 1 : i32
    %sub3A_5 = arith.subi %add3A_4, %sub3A : i32
    "tpu.region"() ({
      %run_scoped3A = tpu.sem_alloc : memref<!tpu.dma_semaphore, #tpu.memory_space<semaphore_mem>>
      %dma_start3A = arith.constant 0 : i32
      %dma_start3A_13 = tpu.memref_slice %arg2[%mul3A_2, %dma_start3A] : memref<768x4096xf32, #tpu.memory_space<hbm>> -> memref<1x4096xf32, #tpu.memory_space<hbm>>
      %dma_start3A_14 = tpu.memref_squeeze %dma_start3A_13 : memref<1x4096xf32, #tpu.memory_space<hbm>> -> memref<4096xf32, #tpu.memory_space<hbm>>
      %dma_start3A_15 = arith.constant 0 : i32
      %dma_start3A_16 = tpu.memref_slice %arg2[%mul3A_2, %dma_start3A_15] : memref<768x4096xf32, #tpu.memory_space<hbm>> -> memref<1x4096xf32, #tpu.memory_space<hbm>>
      %dma_start3A_17 = tpu.memref_squeeze %dma_start3A_16 : memref<1x4096xf32, #tpu.memory_space<hbm>> -> memref<4096xf32, #tpu.memory_space<hbm>>
      tpu.enqueue_dma source(%dma_start3A_17 : memref<4096xf32, #tpu.memory_space<hbm>>) target(%arg5 : memref<4096xf32, #tpu.memory_space<vmem>>) target_semaphore(%run_scoped3A : memref<!tpu.dma_semaphore, #tpu.memory_space<semaphore_mem>>)
      %dma_wait3A = arith.constant 0 : i32
      %dma_wait3A_18 = tpu.memref_slice %arg2[%mul3A_2, %dma_wait3A] : memref<768x4096xf32, #tpu.memory_space<hbm>> -> memref<1x4096xf32, #tpu.memory_space<hbm>>
      %dma_wait3A_19 = tpu.memref_squeeze %dma_wait3A_18 : memref<1x4096xf32, #tpu.memory_space<hbm>> -> memref<4096xf32, #tpu.memory_space<hbm>>
      %dma_wait3A_20 = arith.constant 0 : i32
      %dma_wait3A_21 = tpu.memref_slice %arg2[%mul3A_2, %dma_wait3A_20] : memref<768x4096xf32, #tpu.memory_space<hbm>> -> memref<1x4096xf32, #tpu.memory_space<hbm>>
      %dma_wait3A_22 = tpu.memref_squeeze %dma_wait3A_21 : memref<1x4096xf32, #tpu.memory_space<hbm>> -> memref<4096xf32, #tpu.memory_space<hbm>>
      tpu.wait_dma2 semaphore(%run_scoped3A : memref<!tpu.dma_semaphore, #tpu.memory_space<semaphore_mem>>) src(%dma_wait3A_22 : memref<4096xf32, #tpu.memory_space<hbm>>) dst(%arg5 : memref<4096xf32, #tpu.memory_space<vmem>>)
      tpu.yield
    }) : () -> ()
    "tpu.region"() ({
      %run_scoped3A = tpu.sem_alloc : memref<!tpu.dma_semaphore, #tpu.memory_space<semaphore_mem>>
      %dma_start3A = arith.constant 0 : i32
      %dma_start3A_13 = tpu.memref_slice %arg3[%mul3A_2, %dma_start3A] : memref<768x4096xf32, #tpu.memory_space<hbm>> -> memref<1x4096xf32, #tpu.memory_space<hbm>>
      %dma_start3A_14 = tpu.memref_squeeze %dma_start3A_13 : memref<1x4096xf32, #tpu.memory_space<hbm>> -> memref<4096xf32, #tpu.memory_space<hbm>>
      %dma_start3A_15 = arith.constant 0 : i32
      %dma_start3A_16 = tpu.memref_slice %arg3[%mul3A_2, %dma_start3A_15] : memref<768x4096xf32, #tpu.memory_space<hbm>> -> memref<1x4096xf32, #tpu.memory_space<hbm>>
      %dma_start3A_17 = tpu.memref_squeeze %dma_start3A_16 : memref<1x4096xf32, #tpu.memory_space<hbm>> -> memref<4096xf32, #tpu.memory_space<hbm>>
      tpu.enqueue_dma source(%dma_start3A_17 : memref<4096xf32, #tpu.memory_space<hbm>>) target(%arg6 : memref<4096xf32, #tpu.memory_space<vmem>>) target_semaphore(%run_scoped3A : memref<!tpu.dma_semaphore, #tpu.memory_space<semaphore_mem>>)
      %dma_wait3A = arith.constant 0 : i32
      %dma_wait3A_18 = tpu.memref_slice %arg3[%mul3A_2, %dma_wait3A] : memref<768x4096xf32, #tpu.memory_space<hbm>> -> memref<1x4096xf32, #tpu.memory_space<hbm>>
      %dma_wait3A_19 = tpu.memref_squeeze %dma_wait3A_18 : memref<1x4096xf32, #tpu.memory_space<hbm>> -> memref<4096xf32, #tpu.memory_space<hbm>>
      %dma_wait3A_20 = arith.constant 0 : i32
      %dma_wait3A_21 = tpu.memref_slice %arg3[%mul3A_2, %dma_wait3A_20] : memref<768x4096xf32, #tpu.memory_space<hbm>> -> memref<1x4096xf32, #tpu.memory_space<hbm>>
      %dma_wait3A_22 = tpu.memref_squeeze %dma_wait3A_21 : memref<1x4096xf32, #tpu.memory_space<hbm>> -> memref<4096xf32, #tpu.memory_space<hbm>>
      tpu.wait_dma2 semaphore(%run_scoped3A : memref<!tpu.dma_semaphore, #tpu.memory_space<semaphore_mem>>) src(%dma_wait3A_22 : memref<4096xf32, #tpu.memory_space<hbm>>) dst(%arg6 : memref<4096xf32, #tpu.memory_space<vmem>>)
      tpu.yield
    }) : () -> ()
    %broadcast_in_dim3A = arith.constant 0.000000e+00 : f32
    %broadcast_in_dim3A_6 = vector.broadcast %broadcast_in_dim3A : f32 to vector<16xf32>
    %scan3A = arith.constant 0 : i32
    %scan3A_7 = arith.constant 12 : i32
    %scan3A_8 = arith.addi %scan3A, %scan3A_7 : i32
    %scan3A_9 = arith.constant 1 : i32
    %scan3A_10 = scf.for %scan3A_13 = %scan3A to %scan3A_8 step %scan3A_9 iter_args(%scan3A_14 = %broadcast_in_dim3A_6) -> (vector<16xf32>)  : i32 {
      %mul3A_15 = arith.constant 2 : i32
      %mul3A_16 = arith.muli %scan3A_13, %mul3A_15 : i32
      %add3A_17 = arith.addi %mul3A_2, %mul3A_16 : i32
      %add3A_18 = arith.constant 1 : i32
      %add3A_19 = arith.addi %add3A_17, %add3A_18 : i32
      %min3A = arith.minsi %add3A_19, %sub3A_5 : i32
      %dma_start3A = arith.constant 0 : i32
      %dma_start3A_20 = tpu.memref_slice %arg2[%min3A, %dma_start3A] : memref<768x4096xf32, #tpu.memory_space<hbm>> -> memref<1x4096xf32, #tpu.memory_space<hbm>>
      %dma_start3A_21 = tpu.memref_squeeze %dma_start3A_20 : memref<1x4096xf32, #tpu.memory_space<hbm>> -> memref<4096xf32, #tpu.memory_space<hbm>>
      %dma_start3A_22 = arith.constant 0 : i32
      %dma_start3A_23 = tpu.memref_slice %arg2[%min3A, %dma_start3A_22] : memref<768x4096xf32, #tpu.memory_space<hbm>> -> memref<1x4096xf32, #tpu.memory_space<hbm>>
      %dma_start3A_24 = tpu.memref_squeeze %dma_start3A_23 : memref<1x4096xf32, #tpu.memory_space<hbm>> -> memref<4096xf32, #tpu.memory_space<hbm>>
      tpu.enqueue_dma source(%dma_start3A_24 : memref<4096xf32, #tpu.memory_space<hbm>>) target(%arg7 : memref<4096xf32, #tpu.memory_space<vmem>>) target_semaphore(%arg11 : memref<!tpu.dma_semaphore, #tpu.memory_space<semaphore_mem>>)
      %dma_start3A_25 = arith.constant 0 : i32
      %dma_start3A_26 = tpu.memref_slice %arg3[%min3A, %dma_start3A_25] : memref<768x4096xf32, #tpu.memory_space<hbm>> -> memref<1x4096xf32, #tpu.memory_space<hbm>>
      %dma_start3A_27 = tpu.memref_squeeze %dma_start3A_26 : memref<1x4096xf32, #tpu.memory_space<hbm>> -> memref<4096xf32, #tpu.memory_space<hbm>>
      %dma_start3A_28 = arith.constant 0 : i32
      %dma_start3A_29 = tpu.memref_slice %arg3[%min3A, %dma_start3A_28] : memref<768x4096xf32, #tpu.memory_space<hbm>> -> memref<1x4096xf32, #tpu.memory_space<hbm>>
      %dma_start3A_30 = tpu.memref_squeeze %dma_start3A_29 : memref<1x4096xf32, #tpu.memory_space<hbm>> -> memref<4096xf32, #tpu.memory_space<hbm>>
      tpu.enqueue_dma source(%dma_start3A_30 : memref<4096xf32, #tpu.memory_space<hbm>>) target(%arg8 : memref<4096xf32, #tpu.memory_space<vmem>>) target_semaphore(%arg11 : memref<!tpu.dma_semaphore, #tpu.memory_space<semaphore_mem>>)
      %iota3A = tpu.iota {dimensions = array<i32: 0>} : vector<16xi32>
      %scan3A_31 = arith.constant 0 : i32
      %scan3A_32 = arith.constant 64 : i32
      %scan3A_33 = arith.addi %scan3A_31, %scan3A_32 : i32
      %scan3A_34 = arith.constant 1 : i32
      %scan3A_35 = scf.for %scan3A_82 = %scan3A_31 to %scan3A_33 step %scan3A_34 iter_args(%scan3A_83 = %scan3A_14) -> (vector<16xf32>)  : i32 {
        %mul3A_84 = arith.constant 4 : i32
        %mul3A_85 = arith.muli %scan3A_82, %mul3A_84 : i32
        %add3A_86 = arith.constant 0 : i32
        %add3A_87 = arith.addi %mul3A_85, %add3A_86 : i32
        %mul3A_88 = arith.constant 16 : i32
        %mul3A_89 = arith.muli %add3A_87, %mul3A_88 : i32
        %get3A = arith.index_cast %mul3A_89 : i32 to index
        %get3A_90 = tpu.vector_load %arg5[%get3A] {strides = array<i32>} : memref<4096xf32, #tpu.memory_space<vmem>>, vector<16xf32>,
        %broadcast_in_dim3A_91 = arith.constant 0 : i32
        %broadcast_in_dim3A_92 = vector.broadcast %broadcast_in_dim3A_91 : i32 to vector<16xi32>
        %add3A_93 = arith.constant 2047 : i32
        %add3A_94 = vector.broadcast %add3A_93 : i32 to vector<16xi32>
        %add3A_95 = arith.addi %broadcast_in_dim3A_92, %add3A_94 : vector<16xi32>
        %gather3A = tpu.vector_load_idx %arg6[%add3A_95] : memref<4096xf32, #tpu.memory_space<vmem>>[vector<16xi32>], vector<16xf32>,
        %lt3A = arith.cmpf olt, %gather3A, %get3A_90 : vector<16xf32>
        %add3A_96 = arith.constant 1 : i32
        %add3A_97 = vector.broadcast %add3A_96 : i32 to vector<16xi32>
        %add3A_98 = arith.addi %add3A_95, %add3A_97 : vector<16xi32>
        %select_n3A = arith.select %lt3A, %add3A_98, %broadcast_in_dim3A_92 : vector<16xi1>, vector<16xi32>
        %add3A_99 = arith.constant 1023 : i32
        %add3A_100 = vector.broadcast %add3A_99 : i32 to vector<16xi32>
        %add3A_101 = arith.addi %select_n3A, %add3A_100 : vector<16xi32>
        %gather3A_102 = tpu.vector_load_idx %arg6[%add3A_101] : memref<4096xf32, #tpu.memory_space<vmem>>[vector<16xi32>], vector<16xf32>,
        %lt3A_103 = arith.cmpf olt, %gather3A_102, %get3A_90 : vector<16xf32>
        %add3A_104 = arith.constant 1 : i32
        %add3A_105 = vector.broadcast %add3A_104 : i32 to vector<16xi32>
        %add3A_106 = arith.addi %add3A_101, %add3A_105 : vector<16xi32>
        %select_n3A_107 = arith.select %lt3A_103, %add3A_106, %select_n3A : vector<16xi1>, vector<16xi32>
        %add3A_108 = arith.constant 511 : i32
        %add3A_109 = vector.broadcast %add3A_108 : i32 to vector<16xi32>
        %add3A_110 = arith.addi %select_n3A_107, %add3A_109 : vector<16xi32>
        %gather3A_111 = tpu.vector_load_idx %arg6[%add3A_110] : memref<4096xf32, #tpu.memory_space<vmem>>[vector<16xi32>], vector<16xf32>,
        %lt3A_112 = arith.cmpf olt, %gather3A_111, %get3A_90 : vector<16xf32>
        %add3A_113 = arith.constant 1 : i32
        %add3A_114 = vector.broadcast %add3A_113 : i32 to vector<16xi32>
        %add3A_115 = arith.addi %add3A_110, %add3A_114 : vector<16xi32>
        %select_n3A_116 = arith.select %lt3A_112, %add3A_115, %select_n3A_107 : vector<16xi1>, vector<16xi32>
        %add3A_117 = arith.constant 255 : i32
        %add3A_118 = vector.broadcast %add3A_117 : i32 to vector<16xi32>
        %add3A_119 = arith.addi %select_n3A_116, %add3A_118 : vector<16xi32>
        %gather3A_120 = tpu.vector_load_idx %arg6[%add3A_119] : memref<4096xf32, #tpu.memory_space<vmem>>[vector<16xi32>], vector<16xf32>,
        %lt3A_121 = arith.cmpf olt, %gather3A_120, %get3A_90 : vector<16xf32>
        %add3A_122 = arith.constant 1 : i32
        %add3A_123 = vector.broadcast %add3A_122 : i32 to vector<16xi32>
        %add3A_124 = arith.addi %add3A_119, %add3A_123 : vector<16xi32>
        %select_n3A_125 = arith.select %lt3A_121, %add3A_124, %select_n3A_116 : vector<16xi1>, vector<16xi32>
        %add3A_126 = arith.constant 127 : i32
        %add3A_127 = vector.broadcast %add3A_126 : i32 to vector<16xi32>
        %add3A_128 = arith.addi %select_n3A_125, %add3A_127 : vector<16xi32>
        %gather3A_129 = tpu.vector_load_idx %arg6[%add3A_128] : memref<4096xf32, #tpu.memory_space<vmem>>[vector<16xi32>], vector<16xf32>,
        %lt3A_130 = arith.cmpf olt, %gather3A_129, %get3A_90 : vector<16xf32>
        %add3A_131 = arith.constant 1 : i32
        %add3A_132 = vector.broadcast %add3A_131 : i32 to vector<16xi32>
        %add3A_133 = arith.addi %add3A_128, %add3A_132 : vector<16xi32>
        %select_n3A_134 = arith.select %lt3A_130, %add3A_133, %select_n3A_125 : vector<16xi1>, vector<16xi32>
        %add3A_135 = arith.constant 63 : i32
        %add3A_136 = vector.broadcast %add3A_135 : i32 to vector<16xi32>
        %add3A_137 = arith.addi %select_n3A_134, %add3A_136 : vector<16xi32>
        %gather3A_138 = tpu.vector_load_idx %arg6[%add3A_137] : memref<4096xf32, #tpu.memory_space<vmem>>[vector<16xi32>], vector<16xf32>,
        %lt3A_139 = arith.cmpf olt, %gather3A_138, %get3A_90 : vector<16xf32>
        %add3A_140 = arith.constant 1 : i32
        %add3A_141 = vector.broadcast %add3A_140 : i32 to vector<16xi32>
        %add3A_142 = arith.addi %add3A_137, %add3A_141 : vector<16xi32>
        %select_n3A_143 = arith.select %lt3A_139, %add3A_142, %select_n3A_134 : vector<16xi1>, vector<16xi32>
        %add3A_144 = arith.constant 31 : i32
        %add3A_145 = vector.broadcast %add3A_144 : i32 to vector<16xi32>
        %add3A_146 = arith.addi %select_n3A_143, %add3A_145 : vector<16xi32>
        %gather3A_147 = tpu.vector_load_idx %arg6[%add3A_146] : memref<4096xf32, #tpu.memory_space<vmem>>[vector<16xi32>], vector<16xf32>,
        %lt3A_148 = arith.cmpf olt, %gather3A_147, %get3A_90 : vector<16xf32>
        %add3A_149 = arith.constant 1 : i32
        %add3A_150 = vector.broadcast %add3A_149 : i32 to vector<16xi32>
        %add3A_151 = arith.addi %add3A_146, %add3A_150 : vector<16xi32>
        %select_n3A_152 = arith.select %lt3A_148, %add3A_151, %select_n3A_143 : vector<16xi1>, vector<16xi32>
        %add3A_153 = arith.constant 15 : i32
        %add3A_154 = vector.broadcast %add3A_153 : i32 to vector<16xi32>
        %add3A_155 = arith.addi %select_n3A_152, %add3A_154 : vector<16xi32>
        %gather3A_156 = tpu.vector_load_idx %arg6[%add3A_155] : memref<4096xf32, #tpu.memory_space<vmem>>[vector<16xi32>], vector<16xf32>,
        %lt3A_157 = arith.cmpf olt, %gather3A_156, %get3A_90 : vector<16xf32>
        %add3A_158 = arith.constant 1 : i32
        %add3A_159 = vector.broadcast %add3A_158 : i32 to vector<16xi32>
        %add3A_160 = arith.addi %add3A_155, %add3A_159 : vector<16xi32>
        %select_n3A_161 = arith.select %lt3A_157, %add3A_160, %select_n3A_152 : vector<16xi1>, vector<16xi32>
        %add3A_162 = arith.constant 7 : i32
        %add3A_163 = vector.broadcast %add3A_162 : i32 to vector<16xi32>
        %add3A_164 = arith.addi %select_n3A_161, %add3A_163 : vector<16xi32>
        %gather3A_165 = tpu.vector_load_idx %arg6[%add3A_164] : memref<4096xf32, #tpu.memory_space<vmem>>[vector<16xi32>], vector<16xf32>,
        %lt3A_166 = arith.cmpf olt, %gather3A_165, %get3A_90 : vector<16xf32>
        %add3A_167 = arith.constant 1 : i32
        %add3A_168 = vector.broadcast %add3A_167 : i32 to vector<16xi32>
        %add3A_169 = arith.addi %add3A_164, %add3A_168 : vector<16xi32>
        %select_n3A_170 = arith.select %lt3A_166, %add3A_169, %select_n3A_161 : vector<16xi1>, vector<16xi32>
        %add3A_171 = arith.constant 3 : i32
        %add3A_172 = vector.broadcast %add3A_171 : i32 to vector<16xi32>
        %add3A_173 = arith.addi %select_n3A_170, %add3A_172 : vector<16xi32>
        %gather3A_174 = tpu.vector_load_idx %arg6[%add3A_173] : memref<4096xf32, #tpu.memory_space<vmem>>[vector<16xi32>], vector<16xf32>,
        %lt3A_175 = arith.cmpf olt, %gather3A_174, %get3A_90 : vector<16xf32>
        %add3A_176 = arith.constant 1 : i32
        %add3A_177 = vector.broadcast %add3A_176 : i32 to vector<16xi32>
        %add3A_178 = arith.addi %add3A_173, %add3A_177 : vector<16xi32>
        %select_n3A_179 = arith.select %lt3A_175, %add3A_178, %select_n3A_170 : vector<16xi1>, vector<16xi32>
        %add3A_180 = arith.constant 1 : i32
        %add3A_181 = vector.broadcast %add3A_180 : i32 to vector<16xi32>
        %add3A_182 = arith.addi %select_n3A_179, %add3A_181 : vector<16xi32>
        %gather3A_183 = tpu.vector_load_idx %arg6[%add3A_182] : memref<4096xf32, #tpu.memory_space<vmem>>[vector<16xi32>], vector<16xf32>,
        %lt3A_184 = arith.cmpf olt, %gather3A_183, %get3A_90 : vector<16xf32>
        %add3A_185 = arith.constant 1 : i32
        %add3A_186 = vector.broadcast %add3A_185 : i32 to vector<16xi32>
        %add3A_187 = arith.addi %add3A_182, %add3A_186 : vector<16xi32>
        %select_n3A_188 = arith.select %lt3A_184, %add3A_187, %select_n3A_179 : vector<16xi1>, vector<16xi32>
        %add3A_189 = arith.constant 0 : i32
        %add3A_190 = vector.broadcast %add3A_189 : i32 to vector<16xi32>
        %add3A_191 = arith.addi %select_n3A_188, %add3A_190 : vector<16xi32>
        %gather3A_192 = tpu.vector_load_idx %arg6[%add3A_191] : memref<4096xf32, #tpu.memory_space<vmem>>[vector<16xi32>], vector<16xf32>,
        %lt3A_193 = arith.cmpf olt, %gather3A_192, %get3A_90 : vector<16xf32>
        %add3A_194 = arith.constant 1 : i32
        %add3A_195 = vector.broadcast %add3A_194 : i32 to vector<16xi32>
        %add3A_196 = arith.addi %add3A_191, %add3A_195 : vector<16xi32>
        %select_n3A_197 = arith.select %lt3A_193, %add3A_196, %select_n3A_188 : vector<16xi1>, vector<16xi32>
        %mul3A_198 = arith.constant 16 : i32
        %mul3A_199 = arith.muli %add3A_87, %mul3A_198 : i32
        %add3A_200 = arith.constant 1 : i32
        %add3A_201 = arith.addi %mul3A_199, %add3A_200 : i32
        %add3A_202 = vector.broadcast %add3A_201 : i32 to vector<16xi32>
        %add3A_203 = arith.addi %add3A_202, %iota3A : vector<16xi32>
        %sub3A_204 = arith.subi %add3A_203, %select_n3A_197 : vector<16xi32>
        %convert_element_type3A = arith.sitofp %sub3A_204 : vector<16xi32> to vector<16xf32>
        %mul3A_205 = arith.mulf %convert_element_type3A, %convert_element_type3A : vector<16xf32>
        %mul3A_206 = arith.mulf %mul3A_205, %get3A_90 : vector<16xf32>
        %add3A_207 = arith.addf %scan3A_83, %mul3A_206 : vector<16xf32>
        %mul3A_208 = arith.constant 4 : i32
        %mul3A_209 = arith.muli %scan3A_82, %mul3A_208 : i32
        %add3A_210 = arith.constant 1 : i32
        %add3A_211 = arith.addi %mul3A_209, %add3A_210 : i32
        %mul3A_212 = arith.constant 16 : i32
        %mul3A_213 = arith.muli %add3A_211, %mul3A_212 : i32
        %get3A_214 = arith.index_cast %mul3A_213 : i32 to index
        %get3A_215 = tpu.vector_load %arg5[%get3A_214] {strides = array<i32>} : memref<4096xf32, #tpu.memory_space<vmem>>, vector<16xf32>,
        %broadcast_in_dim3A_216 = arith.constant 0 : i32
        %broadcast_in_dim3A_217 = vector.broadcast %broadcast_in_dim3A_216 : i32 to vector<16xi32>
        %add3A_218 = arith.constant 2047 : i32
        %add3A_219 = vector.broadcast %add3A_218 : i32 to vector<16xi32>
        %add3A_220 = arith.addi %broadcast_in_dim3A_217, %add3A_219 : vector<16xi32>
        %gather3A_221 = tpu.vector_load_idx %arg6[%add3A_220] : memref<4096xf32, #tpu.memory_space<vmem>>[vector<16xi32>], vector<16xf32>,
        %lt3A_222 = arith.cmpf olt, %gather3A_221, %get3A_215 : vector<16xf32>
        %add3A_223 = arith.constant 1 : i32
        %add3A_224 = vector.broadcast %add3A_223 : i32 to vector<16xi32>
        %add3A_225 = arith.addi %add3A_220, %add3A_224 : vector<16xi32>
        %select_n3A_226 = arith.select %lt3A_222, %add3A_225, %broadcast_in_dim3A_217 : vector<16xi1>, vector<16xi32>
        %add3A_227 = arith.constant 1023 : i32
        %add3A_228 = vector.broadcast %add3A_227 : i32 to vector<16xi32>
        %add3A_229 = arith.addi %select_n3A_226, %add3A_228 : vector<16xi32>
        %gather3A_230 = tpu.vector_load_idx %arg6[%add3A_229] : memref<4096xf32, #tpu.memory_space<vmem>>[vector<16xi32>], vector<16xf32>,
        %lt3A_231 = arith.cmpf olt, %gather3A_230, %get3A_215 : vector<16xf32>
        %add3A_232 = arith.constant 1 : i32
        %add3A_233 = vector.broadcast %add3A_232 : i32 to vector<16xi32>
        %add3A_234 = arith.addi %add3A_229, %add3A_233 : vector<16xi32>
        %select_n3A_235 = arith.select %lt3A_231, %add3A_234, %select_n3A_226 : vector<16xi1>, vector<16xi32>
        %add3A_236 = arith.constant 511 : i32
        %add3A_237 = vector.broadcast %add3A_236 : i32 to vector<16xi32>
        %add3A_238 = arith.addi %select_n3A_235, %add3A_237 : vector<16xi32>
        %gather3A_239 = tpu.vector_load_idx %arg6[%add3A_238] : memref<4096xf32, #tpu.memory_space<vmem>>[vector<16xi32>], vector<16xf32>,
        %lt3A_240 = arith.cmpf olt, %gather3A_239, %get3A_215 : vector<16xf32>
        %add3A_241 = arith.constant 1 : i32
        %add3A_242 = vector.broadcast %add3A_241 : i32 to vector<16xi32>
        %add3A_243 = arith.addi %add3A_238, %add3A_242 : vector<16xi32>
        %select_n3A_244 = arith.select %lt3A_240, %add3A_243, %select_n3A_235 : vector<16xi1>, vector<16xi32>
        %add3A_245 = arith.constant 255 : i32
        %add3A_246 = vector.broadcast %add3A_245 : i32 to vector<16xi32>
        %add3A_247 = arith.addi %select_n3A_244, %add3A_246 : vector<16xi32>
        %gather3A_248 = tpu.vector_load_idx %arg6[%add3A_247] : memref<4096xf32, #tpu.memory_space<vmem>>[vector<16xi32>], vector<16xf32>,
        %lt3A_249 = arith.cmpf olt, %gather3A_248, %get3A_215 : vector<16xf32>
        %add3A_250 = arith.constant 1 : i32
        %add3A_251 = vector.broadcast %add3A_250 : i32 to vector<16xi32>
        %add3A_252 = arith.addi %add3A_247, %add3A_251 : vector<16xi32>
        %select_n3A_253 = arith.select %lt3A_249, %add3A_252, %select_n3A_244 : vector<16xi1>, vector<16xi32>
        %add3A_254 = arith.constant 127 : i32
        %add3A_255 = vector.broadcast %add3A_254 : i32 to vector<16xi32>
        %add3A_256 = arith.addi %select_n3A_253, %add3A_255 : vector<16xi32>
        %gather3A_257 = tpu.vector_load_idx %arg6[%add3A_256] : memref<4096xf32, #tpu.memory_space<vmem>>[vector<16xi32>], vector<16xf32>,
        %lt3A_258 = arith.cmpf olt, %gather3A_257, %get3A_215 : vector<16xf32>
        %add3A_259 = arith.constant 1 : i32
        %add3A_260 = vector.broadcast %add3A_259 : i32 to vector<16xi32>
        %add3A_261 = arith.addi %add3A_256, %add3A_260 : vector<16xi32>
        %select_n3A_262 = arith.select %lt3A_258, %add3A_261, %select_n3A_253 : vector<16xi1>, vector<16xi32>
        %add3A_263 = arith.constant 63 : i32
        %add3A_264 = vector.broadcast %add3A_263 : i32 to vector<16xi32>
        %add3A_265 = arith.addi %select_n3A_262, %add3A_264 : vector<16xi32>
        %gather3A_266 = tpu.vector_load_idx %arg6[%add3A_265] : memref<4096xf32, #tpu.memory_space<vmem>>[vector<16xi32>], vector<16xf32>,
        %lt3A_267 = arith.cmpf olt, %gather3A_266, %get3A_215 : vector<16xf32>
        %add3A_268 = arith.constant 1 : i32
        %add3A_269 = vector.broadcast %add3A_268 : i32 to vector<16xi32>
        %add3A_270 = arith.addi %add3A_265, %add3A_269 : vector<16xi32>
        %select_n3A_271 = arith.select %lt3A_267, %add3A_270, %select_n3A_262 : vector<16xi1>, vector<16xi32>
        %add3A_272 = arith.constant 31 : i32
        %add3A_273 = vector.broadcast %add3A_272 : i32 to vector<16xi32>
        %add3A_274 = arith.addi %select_n3A_271, %add3A_273 : vector<16xi32>
        %gather3A_275 = tpu.vector_load_idx %arg6[%add3A_274] : memref<4096xf32, #tpu.memory_space<vmem>>[vector<16xi32>], vector<16xf32>,
        %lt3A_276 = arith.cmpf olt, %gather3A_275, %get3A_215 : vector<16xf32>
        %add3A_277 = arith.constant 1 : i32
        %add3A_278 = vector.broadcast %add3A_277 : i32 to vector<16xi32>
        %add3A_279 = arith.addi %add3A_274, %add3A_278 : vector<16xi32>
        %select_n3A_280 = arith.select %lt3A_276, %add3A_279, %select_n3A_271 : vector<16xi1>, vector<16xi32>
        %add3A_281 = arith.constant 15 : i32
        %add3A_282 = vector.broadcast %add3A_281 : i32 to vector<16xi32>
        %add3A_283 = arith.addi %select_n3A_280, %add3A_282 : vector<16xi32>
        %gather3A_284 = tpu.vector_load_idx %arg6[%add3A_283] : memref<4096xf32, #tpu.memory_space<vmem>>[vector<16xi32>], vector<16xf32>,
        %lt3A_285 = arith.cmpf olt, %gather3A_284, %get3A_215 : vector<16xf32>
        %add3A_286 = arith.constant 1 : i32
        %add3A_287 = vector.broadcast %add3A_286 : i32 to vector<16xi32>
        %add3A_288 = arith.addi %add3A_283, %add3A_287 : vector<16xi32>
        %select_n3A_289 = arith.select %lt3A_285, %add3A_288, %select_n3A_280 : vector<16xi1>, vector<16xi32>
        %add3A_290 = arith.constant 7 : i32
        %add3A_291 = vector.broadcast %add3A_290 : i32 to vector<16xi32>
        %add3A_292 = arith.addi %select_n3A_289, %add3A_291 : vector<16xi32>
        %gather3A_293 = tpu.vector_load_idx %arg6[%add3A_292] : memref<4096xf32, #tpu.memory_space<vmem>>[vector<16xi32>], vector<16xf32>,
        %lt3A_294 = arith.cmpf olt, %gather3A_293, %get3A_215 : vector<16xf32>
        %add3A_295 = arith.constant 1 : i32
        %add3A_296 = vector.broadcast %add3A_295 : i32 to vector<16xi32>
        %add3A_297 = arith.addi %add3A_292, %add3A_296 : vector<16xi32>
        %select_n3A_298 = arith.select %lt3A_294, %add3A_297, %select_n3A_289 : vector<16xi1>, vector<16xi32>
        %add3A_299 = arith.constant 3 : i32
        %add3A_300 = vector.broadcast %add3A_299 : i32 to vector<16xi32>
        %add3A_301 = arith.addi %select_n3A_298, %add3A_300 : vector<16xi32>
        %gather3A_302 = tpu.vector_load_idx %arg6[%add3A_301] : memref<4096xf32, #tpu.memory_space<vmem>>[vector<16xi32>], vector<16xf32>,
        %lt3A_303 = arith.cmpf olt, %gather3A_302, %get3A_215 : vector<16xf32>
        %add3A_304 = arith.constant 1 : i32
        %add3A_305 = vector.broadcast %add3A_304 : i32 to vector<16xi32>
        %add3A_306 = arith.addi %add3A_301, %add3A_305 : vector<16xi32>
        %select_n3A_307 = arith.select %lt3A_303, %add3A_306, %select_n3A_298 : vector<16xi1>, vector<16xi32>
        %add3A_308 = arith.constant 1 : i32
        %add3A_309 = vector.broadcast %add3A_308 : i32 to vector<16xi32>
        %add3A_310 = arith.addi %select_n3A_307, %add3A_309 : vector<16xi32>
        %gather3A_311 = tpu.vector_load_idx %arg6[%add3A_310] : memref<4096xf32, #tpu.memory_space<vmem>>[vector<16xi32>], vector<16xf32>,
        %lt3A_312 = arith.cmpf olt, %gather3A_311, %get3A_215 : vector<16xf32>
        %add3A_313 = arith.constant 1 : i32
        %add3A_314 = vector.broadcast %add3A_313 : i32 to vector<16xi32>
        %add3A_315 = arith.addi %add3A_310, %add3A_314 : vector<16xi32>
        %select_n3A_316 = arith.select %lt3A_312, %add3A_315, %select_n3A_307 : vector<16xi1>, vector<16xi32>
        %add3A_317 = arith.constant 0 : i32
        %add3A_318 = vector.broadcast %add3A_317 : i32 to vector<16xi32>
        %add3A_319 = arith.addi %select_n3A_316, %add3A_318 : vector<16xi32>
        %gather3A_320 = tpu.vector_load_idx %arg6[%add3A_319] : memref<4096xf32, #tpu.memory_space<vmem>>[vector<16xi32>], vector<16xf32>,
        %lt3A_321 = arith.cmpf olt, %gather3A_320, %get3A_215 : vector<16xf32>
        %add3A_322 = arith.constant 1 : i32
        %add3A_323 = vector.broadcast %add3A_322 : i32 to vector<16xi32>
        %add3A_324 = arith.addi %add3A_319, %add3A_323 : vector<16xi32>
        %select_n3A_325 = arith.select %lt3A_321, %add3A_324, %select_n3A_316 : vector<16xi1>, vector<16xi32>
        %mul3A_326 = arith.constant 16 : i32
        %mul3A_327 = arith.muli %add3A_211, %mul3A_326 : i32
        %add3A_328 = arith.constant 1 : i32
        %add3A_329 = arith.addi %mul3A_327, %add3A_328 : i32
        %add3A_330 = vector.broadcast %add3A_329 : i32 to vector<16xi32>
        %add3A_331 = arith.addi %add3A_330, %iota3A : vector<16xi32>
        %sub3A_332 = arith.subi %add3A_331, %select_n3A_325 : vector<16xi32>
        %convert_element_type3A_333 = arith.sitofp %sub3A_332 : vector<16xi32> to vector<16xf32>
        %mul3A_334 = arith.mulf %convert_element_type3A_333, %convert_element_type3A_333 : vector<16xf32>
        %mul3A_335 = arith.mulf %mul3A_334, %get3A_215 : vector<16xf32>
        %add3A_336 = arith.addf %add3A_207, %mul3A_335 : vector<16xf32>
        %mul3A_337 = arith.constant 4 : i32
        %mul3A_338 = arith.muli %scan3A_82, %mul3A_337 : i32
        %add3A_339 = arith.constant 2 : i32
        %add3A_340 = arith.addi %mul3A_338, %add3A_339 : i32
        %mul3A_341 = arith.constant 16 : i32
        %mul3A_342 = arith.muli %add3A_340, %mul3A_341 : i32
        %get3A_343 = arith.index_cast %mul3A_342 : i32 to index
        %get3A_344 = tpu.vector_load %arg5[%get3A_343] {strides = array<i32>} : memref<4096xf32, #tpu.memory_space<vmem>>, vector<16xf32>,
        %broadcast_in_dim3A_345 = arith.constant 0 : i32
        %broadcast_in_dim3A_346 = vector.broadcast %broadcast_in_dim3A_345 : i32 to vector<16xi32>
        %add3A_347 = arith.constant 2047 : i32
        %add3A_348 = vector.broadcast %add3A_347 : i32 to vector<16xi32>
        %add3A_349 = arith.addi %broadcast_in_dim3A_346, %add3A_348 : vector<16xi32>
        %gather3A_350 = tpu.vector_load_idx %arg6[%add3A_349] : memref<4096xf32, #tpu.memory_space<vmem>>[vector<16xi32>], vector<16xf32>,
        %lt3A_351 = arith.cmpf olt, %gather3A_350, %get3A_344 : vector<16xf32>
        %add3A_352 = arith.constant 1 : i32
        %add3A_353 = vector.broadcast %add3A_352 : i32 to vector<16xi32>
        %add3A_354 = arith.addi %add3A_349, %add3A_353 : vector<16xi32>
        %select_n3A_355 = arith.select %lt3A_351, %add3A_354, %broadcast_in_dim3A_346 : vector<16xi1>, vector<16xi32>
        %add3A_356 = arith.constant 1023 : i32
        %add3A_357 = vector.broadcast %add3A_356 : i32 to vector<16xi32>
        %add3A_358 = arith.addi %select_n3A_355, %add3A_357 : vector<16xi32>
        %gather3A_359 = tpu.vector_load_idx %arg6[%add3A_358] : memref<4096xf32, #tpu.memory_space<vmem>>[vector<16xi32>], vector<16xf32>,
        %lt3A_360 = arith.cmpf olt, %gather3A_359, %get3A_344 : vector<16xf32>
        %add3A_361 = arith.constant 1 : i32
        %add3A_362 = vector.broadcast %add3A_361 : i32 to vector<16xi32>
        %add3A_363 = arith.addi %add3A_358, %add3A_362 : vector<16xi32>
        %select_n3A_364 = arith.select %lt3A_360, %add3A_363, %select_n3A_355 : vector<16xi1>, vector<16xi32>
        %add3A_365 = arith.constant 511 : i32
        %add3A_366 = vector.broadcast %add3A_365 : i32 to vector<16xi32>
        %add3A_367 = arith.addi %select_n3A_364, %add3A_366 : vector<16xi32>
        %gather3A_368 = tpu.vector_load_idx %arg6[%add3A_367] : memref<4096xf32, #tpu.memory_space<vmem>>[vector<16xi32>], vector<16xf32>,
        %lt3A_369 = arith.cmpf olt, %gather3A_368, %get3A_344 : vector<16xf32>
        %add3A_370 = arith.constant 1 : i32
        %add3A_371 = vector.broadcast %add3A_370 : i32 to vector<16xi32>
        %add3A_372 = arith.addi %add3A_367, %add3A_371 : vector<16xi32>
        %select_n3A_373 = arith.select %lt3A_369, %add3A_372, %select_n3A_364 : vector<16xi1>, vector<16xi32>
        %add3A_374 = arith.constant 255 : i32
        %add3A_375 = vector.broadcast %add3A_374 : i32 to vector<16xi32>
        %add3A_376 = arith.addi %select_n3A_373, %add3A_375 : vector<16xi32>
        %gather3A_377 = tpu.vector_load_idx %arg6[%add3A_376] : memref<4096xf32, #tpu.memory_space<vmem>>[vector<16xi32>], vector<16xf32>,
        %lt3A_378 = arith.cmpf olt, %gather3A_377, %get3A_344 : vector<16xf32>
        %add3A_379 = arith.constant 1 : i32
        %add3A_380 = vector.broadcast %add3A_379 : i32 to vector<16xi32>
        %add3A_381 = arith.addi %add3A_376, %add3A_380 : vector<16xi32>
        %select_n3A_382 = arith.select %lt3A_378, %add3A_381, %select_n3A_373 : vector<16xi1>, vector<16xi32>
        %add3A_383 = arith.constant 127 : i32
        %add3A_384 = vector.broadcast %add3A_383 : i32 to vector<16xi32>
        %add3A_385 = arith.addi %select_n3A_382, %add3A_384 : vector<16xi32>
        %gather3A_386 = tpu.vector_load_idx %arg6[%add3A_385] : memref<4096xf32, #tpu.memory_space<vmem>>[vector<16xi32>], vector<16xf32>,
        %lt3A_387 = arith.cmpf olt, %gather3A_386, %get3A_344 : vector<16xf32>
        %add3A_388 = arith.constant 1 : i32
        %add3A_389 = vector.broadcast %add3A_388 : i32 to vector<16xi32>
        %add3A_390 = arith.addi %add3A_385, %add3A_389 : vector<16xi32>
        %select_n3A_391 = arith.select %lt3A_387, %add3A_390, %select_n3A_382 : vector<16xi1>, vector<16xi32>
        %add3A_392 = arith.constant 63 : i32
        %add3A_393 = vector.broadcast %add3A_392 : i32 to vector<16xi32>
        %add3A_394 = arith.addi %select_n3A_391, %add3A_393 : vector<16xi32>
        %gather3A_395 = tpu.vector_load_idx %arg6[%add3A_394] : memref<4096xf32, #tpu.memory_space<vmem>>[vector<16xi32>], vector<16xf32>,
        %lt3A_396 = arith.cmpf olt, %gather3A_395, %get3A_344 : vector<16xf32>
        %add3A_397 = arith.constant 1 : i32
        %add3A_398 = vector.broadcast %add3A_397 : i32 to vector<16xi32>
        %add3A_399 = arith.addi %add3A_394, %add3A_398 : vector<16xi32>
        %select_n3A_400 = arith.select %lt3A_396, %add3A_399, %select_n3A_391 : vector<16xi1>, vector<16xi32>
        %add3A_401 = arith.constant 31 : i32
        %add3A_402 = vector.broadcast %add3A_401 : i32 to vector<16xi32>
        %add3A_403 = arith.addi %select_n3A_400, %add3A_402 : vector<16xi32>
        %gather3A_404 = tpu.vector_load_idx %arg6[%add3A_403] : memref<4096xf32, #tpu.memory_space<vmem>>[vector<16xi32>], vector<16xf32>,
        %lt3A_405 = arith.cmpf olt, %gather3A_404, %get3A_344 : vector<16xf32>
        %add3A_406 = arith.constant 1 : i32
        %add3A_407 = vector.broadcast %add3A_406 : i32 to vector<16xi32>
        %add3A_408 = arith.addi %add3A_403, %add3A_407 : vector<16xi32>
        %select_n3A_409 = arith.select %lt3A_405, %add3A_408, %select_n3A_400 : vector<16xi1>, vector<16xi32>
        %add3A_410 = arith.constant 15 : i32
        %add3A_411 = vector.broadcast %add3A_410 : i32 to vector<16xi32>
        %add3A_412 = arith.addi %select_n3A_409, %add3A_411 : vector<16xi32>
        %gather3A_413 = tpu.vector_load_idx %arg6[%add3A_412] : memref<4096xf32, #tpu.memory_space<vmem>>[vector<16xi32>], vector<16xf32>,
        %lt3A_414 = arith.cmpf olt, %gather3A_413, %get3A_344 : vector<16xf32>
        %add3A_415 = arith.constant 1 : i32
        %add3A_416 = vector.broadcast %add3A_415 : i32 to vector<16xi32>
        %add3A_417 = arith.addi %add3A_412, %add3A_416 : vector<16xi32>
        %select_n3A_418 = arith.select %lt3A_414, %add3A_417, %select_n3A_409 : vector<16xi1>, vector<16xi32>
        %add3A_419 = arith.constant 7 : i32
        %add3A_420 = vector.broadcast %add3A_419 : i32 to vector<16xi32>
        %add3A_421 = arith.addi %select_n3A_418, %add3A_420 : vector<16xi32>
        %gather3A_422 = tpu.vector_load_idx %arg6[%add3A_421] : memref<4096xf32, #tpu.memory_space<vmem>>[vector<16xi32>], vector<16xf32>,
        %lt3A_423 = arith.cmpf olt, %gather3A_422, %get3A_344 : vector<16xf32>
        %add3A_424 = arith.constant 1 : i32
        %add3A_425 = vector.broadcast %add3A_424 : i32 to vector<16xi32>
        %add3A_426 = arith.addi %add3A_421, %add3A_425 : vector<16xi32>
        %select_n3A_427 = arith.select %lt3A_423, %add3A_426, %select_n3A_418 : vector<16xi1>, vector<16xi32>
        %add3A_428 = arith.constant 3 : i32
        %add3A_429 = vector.broadcast %add3A_428 : i32 to vector<16xi32>
        %add3A_430 = arith.addi %select_n3A_427, %add3A_429 : vector<16xi32>
        %gather3A_431 = tpu.vector_load_idx %arg6[%add3A_430] : memref<4096xf32, #tpu.memory_space<vmem>>[vector<16xi32>], vector<16xf32>,
        %lt3A_432 = arith.cmpf olt, %gather3A_431, %get3A_344 : vector<16xf32>
        %add3A_433 = arith.constant 1 : i32
        %add3A_434 = vector.broadcast %add3A_433 : i32 to vector<16xi32>
        %add3A_435 = arith.addi %add3A_430, %add3A_434 : vector<16xi32>
        %select_n3A_436 = arith.select %lt3A_432, %add3A_435, %select_n3A_427 : vector<16xi1>, vector<16xi32>
        %add3A_437 = arith.constant 1 : i32
        %add3A_438 = vector.broadcast %add3A_437 : i32 to vector<16xi32>
        %add3A_439 = arith.addi %select_n3A_436, %add3A_438 : vector<16xi32>
        %gather3A_440 = tpu.vector_load_idx %arg6[%add3A_439] : memref<4096xf32, #tpu.memory_space<vmem>>[vector<16xi32>], vector<16xf32>,
        %lt3A_441 = arith.cmpf olt, %gather3A_440, %get3A_344 : vector<16xf32>
        %add3A_442 = arith.constant 1 : i32
        %add3A_443 = vector.broadcast %add3A_442 : i32 to vector<16xi32>
        %add3A_444 = arith.addi %add3A_439, %add3A_443 : vector<16xi32>
        %select_n3A_445 = arith.select %lt3A_441, %add3A_444, %select_n3A_436 : vector<16xi1>, vector<16xi32>
        %add3A_446 = arith.constant 0 : i32
        %add3A_447 = vector.broadcast %add3A_446 : i32 to vector<16xi32>
        %add3A_448 = arith.addi %select_n3A_445, %add3A_447 : vector<16xi32>
        %gather3A_449 = tpu.vector_load_idx %arg6[%add3A_448] : memref<4096xf32, #tpu.memory_space<vmem>>[vector<16xi32>], vector<16xf32>,
        %lt3A_450 = arith.cmpf olt, %gather3A_449, %get3A_344 : vector<16xf32>
        %add3A_451 = arith.constant 1 : i32
        %add3A_452 = vector.broadcast %add3A_451 : i32 to vector<16xi32>
        %add3A_453 = arith.addi %add3A_448, %add3A_452 : vector<16xi32>
        %select_n3A_454 = arith.select %lt3A_450, %add3A_453, %select_n3A_445 : vector<16xi1>, vector<16xi32>
        %mul3A_455 = arith.constant 16 : i32
        %mul3A_456 = arith.muli %add3A_340, %mul3A_455 : i32
        %add3A_457 = arith.constant 1 : i32
        %add3A_458 = arith.addi %mul3A_456, %add3A_457 : i32
        %add3A_459 = vector.broadcast %add3A_458 : i32 to vector<16xi32>
        %add3A_460 = arith.addi %add3A_459, %iota3A : vector<16xi32>
        %sub3A_461 = arith.subi %add3A_460, %select_n3A_454 : vector<16xi32>
        %convert_element_type3A_462 = arith.sitofp %sub3A_461 : vector<16xi32> to vector<16xf32>
        %mul3A_463 = arith.mulf %convert_element_type3A_462, %convert_element_type3A_462 : vector<16xf32>
        %mul3A_464 = arith.mulf %mul3A_463, %get3A_344 : vector<16xf32>
        %add3A_465 = arith.addf %add3A_336, %mul3A_464 : vector<16xf32>
        %mul3A_466 = arith.constant 4 : i32
        %mul3A_467 = arith.muli %scan3A_82, %mul3A_466 : i32
        %add3A_468 = arith.constant 3 : i32
        %add3A_469 = arith.addi %mul3A_467, %add3A_468 : i32
        %mul3A_470 = arith.constant 16 : i32
        %mul3A_471 = arith.muli %add3A_469, %mul3A_470 : i32
        %get3A_472 = arith.index_cast %mul3A_471 : i32 to index
        %get3A_473 = tpu.vector_load %arg5[%get3A_472] {strides = array<i32>} : memref<4096xf32, #tpu.memory_space<vmem>>, vector<16xf32>,
        %broadcast_in_dim3A_474 = arith.constant 0 : i32
        %broadcast_in_dim3A_475 = vector.broadcast %broadcast_in_dim3A_474 : i32 to vector<16xi32>
        %add3A_476 = arith.constant 2047 : i32
        %add3A_477 = vector.broadcast %add3A_476 : i32 to vector<16xi32>
        %add3A_478 = arith.addi %broadcast_in_dim3A_475, %add3A_477 : vector<16xi32>
        %gather3A_479 = tpu.vector_load_idx %arg6[%add3A_478] : memref<4096xf32, #tpu.memory_space<vmem>>[vector<16xi32>], vector<16xf32>,
        %lt3A_480 = arith.cmpf olt, %gather3A_479, %get3A_473 : vector<16xf32>
        %add3A_481 = arith.constant 1 : i32
        %add3A_482 = vector.broadcast %add3A_481 : i32 to vector<16xi32>
        %add3A_483 = arith.addi %add3A_478, %add3A_482 : vector<16xi32>
        %select_n3A_484 = arith.select %lt3A_480, %add3A_483, %broadcast_in_dim3A_475 : vector<16xi1>, vector<16xi32>
        %add3A_485 = arith.constant 1023 : i32
        %add3A_486 = vector.broadcast %add3A_485 : i32 to vector<16xi32>
        %add3A_487 = arith.addi %select_n3A_484, %add3A_486 : vector<16xi32>
        %gather3A_488 = tpu.vector_load_idx %arg6[%add3A_487] : memref<4096xf32, #tpu.memory_space<vmem>>[vector<16xi32>], vector<16xf32>,
        %lt3A_489 = arith.cmpf olt, %gather3A_488, %get3A_473 : vector<16xf32>
        %add3A_490 = arith.constant 1 : i32
        %add3A_491 = vector.broadcast %add3A_490 : i32 to vector<16xi32>
        %add3A_492 = arith.addi %add3A_487, %add3A_491 : vector<16xi32>
        %select_n3A_493 = arith.select %lt3A_489, %add3A_492, %select_n3A_484 : vector<16xi1>, vector<16xi32>
        %add3A_494 = arith.constant 511 : i32
        %add3A_495 = vector.broadcast %add3A_494 : i32 to vector<16xi32>
        %add3A_496 = arith.addi %select_n3A_493, %add3A_495 : vector<16xi32>
        %gather3A_497 = tpu.vector_load_idx %arg6[%add3A_496] : memref<4096xf32, #tpu.memory_space<vmem>>[vector<16xi32>], vector<16xf32>,
        %lt3A_498 = arith.cmpf olt, %gather3A_497, %get3A_473 : vector<16xf32>
        %add3A_499 = arith.constant 1 : i32
        %add3A_500 = vector.broadcast %add3A_499 : i32 to vector<16xi32>
        %add3A_501 = arith.addi %add3A_496, %add3A_500 : vector<16xi32>
        %select_n3A_502 = arith.select %lt3A_498, %add3A_501, %select_n3A_493 : vector<16xi1>, vector<16xi32>
        %add3A_503 = arith.constant 255 : i32
        %add3A_504 = vector.broadcast %add3A_503 : i32 to vector<16xi32>
        %add3A_505 = arith.addi %select_n3A_502, %add3A_504 : vector<16xi32>
        %gather3A_506 = tpu.vector_load_idx %arg6[%add3A_505] : memref<4096xf32, #tpu.memory_space<vmem>>[vector<16xi32>], vector<16xf32>,
        %lt3A_507 = arith.cmpf olt, %gather3A_506, %get3A_473 : vector<16xf32>
        %add3A_508 = arith.constant 1 : i32
        %add3A_509 = vector.broadcast %add3A_508 : i32 to vector<16xi32>
        %add3A_510 = arith.addi %add3A_505, %add3A_509 : vector<16xi32>
        %select_n3A_511 = arith.select %lt3A_507, %add3A_510, %select_n3A_502 : vector<16xi1>, vector<16xi32>
        %add3A_512 = arith.constant 127 : i32
        %add3A_513 = vector.broadcast %add3A_512 : i32 to vector<16xi32>
        %add3A_514 = arith.addi %select_n3A_511, %add3A_513 : vector<16xi32>
        %gather3A_515 = tpu.vector_load_idx %arg6[%add3A_514] : memref<4096xf32, #tpu.memory_space<vmem>>[vector<16xi32>], vector<16xf32>,
        %lt3A_516 = arith.cmpf olt, %gather3A_515, %get3A_473 : vector<16xf32>
        %add3A_517 = arith.constant 1 : i32
        %add3A_518 = vector.broadcast %add3A_517 : i32 to vector<16xi32>
        %add3A_519 = arith.addi %add3A_514, %add3A_518 : vector<16xi32>
        %select_n3A_520 = arith.select %lt3A_516, %add3A_519, %select_n3A_511 : vector<16xi1>, vector<16xi32>
        %add3A_521 = arith.constant 63 : i32
        %add3A_522 = vector.broadcast %add3A_521 : i32 to vector<16xi32>
        %add3A_523 = arith.addi %select_n3A_520, %add3A_522 : vector<16xi32>
        %gather3A_524 = tpu.vector_load_idx %arg6[%add3A_523] : memref<4096xf32, #tpu.memory_space<vmem>>[vector<16xi32>], vector<16xf32>,
        %lt3A_525 = arith.cmpf olt, %gather3A_524, %get3A_473 : vector<16xf32>
        %add3A_526 = arith.constant 1 : i32
        %add3A_527 = vector.broadcast %add3A_526 : i32 to vector<16xi32>
        %add3A_528 = arith.addi %add3A_523, %add3A_527 : vector<16xi32>
        %select_n3A_529 = arith.select %lt3A_525, %add3A_528, %select_n3A_520 : vector<16xi1>, vector<16xi32>
        %add3A_530 = arith.constant 31 : i32
        %add3A_531 = vector.broadcast %add3A_530 : i32 to vector<16xi32>
        %add3A_532 = arith.addi %select_n3A_529, %add3A_531 : vector<16xi32>
        %gather3A_533 = tpu.vector_load_idx %arg6[%add3A_532] : memref<4096xf32, #tpu.memory_space<vmem>>[vector<16xi32>], vector<16xf32>,
        %lt3A_534 = arith.cmpf olt, %gather3A_533, %get3A_473 : vector<16xf32>
        %add3A_535 = arith.constant 1 : i32
        %add3A_536 = vector.broadcast %add3A_535 : i32 to vector<16xi32>
        %add3A_537 = arith.addi %add3A_532, %add3A_536 : vector<16xi32>
        %select_n3A_538 = arith.select %lt3A_534, %add3A_537, %select_n3A_529 : vector<16xi1>, vector<16xi32>
        %add3A_539 = arith.constant 15 : i32
        %add3A_540 = vector.broadcast %add3A_539 : i32 to vector<16xi32>
        %add3A_541 = arith.addi %select_n3A_538, %add3A_540 : vector<16xi32>
        %gather3A_542 = tpu.vector_load_idx %arg6[%add3A_541] : memref<4096xf32, #tpu.memory_space<vmem>>[vector<16xi32>], vector<16xf32>,
        %lt3A_543 = arith.cmpf olt, %gather3A_542, %get3A_473 : vector<16xf32>
        %add3A_544 = arith.constant 1 : i32
        %add3A_545 = vector.broadcast %add3A_544 : i32 to vector<16xi32>
        %add3A_546 = arith.addi %add3A_541, %add3A_545 : vector<16xi32>
        %select_n3A_547 = arith.select %lt3A_543, %add3A_546, %select_n3A_538 : vector<16xi1>, vector<16xi32>
        %add3A_548 = arith.constant 7 : i32
        %add3A_549 = vector.broadcast %add3A_548 : i32 to vector<16xi32>
        %add3A_550 = arith.addi %select_n3A_547, %add3A_549 : vector<16xi32>
        %gather3A_551 = tpu.vector_load_idx %arg6[%add3A_550] : memref<4096xf32, #tpu.memory_space<vmem>>[vector<16xi32>], vector<16xf32>,
        %lt3A_552 = arith.cmpf olt, %gather3A_551, %get3A_473 : vector<16xf32>
        %add3A_553 = arith.constant 1 : i32
        %add3A_554 = vector.broadcast %add3A_553 : i32 to vector<16xi32>
        %add3A_555 = arith.addi %add3A_550, %add3A_554 : vector<16xi32>
        %select_n3A_556 = arith.select %lt3A_552, %add3A_555, %select_n3A_547 : vector<16xi1>, vector<16xi32>
        %add3A_557 = arith.constant 3 : i32
        %add3A_558 = vector.broadcast %add3A_557 : i32 to vector<16xi32>
        %add3A_559 = arith.addi %select_n3A_556, %add3A_558 : vector<16xi32>
        %gather3A_560 = tpu.vector_load_idx %arg6[%add3A_559] : memref<4096xf32, #tpu.memory_space<vmem>>[vector<16xi32>], vector<16xf32>,
        %lt3A_561 = arith.cmpf olt, %gather3A_560, %get3A_473 : vector<16xf32>
        %add3A_562 = arith.constant 1 : i32
        %add3A_563 = vector.broadcast %add3A_562 : i32 to vector<16xi32>
        %add3A_564 = arith.addi %add3A_559, %add3A_563 : vector<16xi32>
        %select_n3A_565 = arith.select %lt3A_561, %add3A_564, %select_n3A_556 : vector<16xi1>, vector<16xi32>
        %add3A_566 = arith.constant 1 : i32
        %add3A_567 = vector.broadcast %add3A_566 : i32 to vector<16xi32>
        %add3A_568 = arith.addi %select_n3A_565, %add3A_567 : vector<16xi32>
        %gather3A_569 = tpu.vector_load_idx %arg6[%add3A_568] : memref<4096xf32, #tpu.memory_space<vmem>>[vector<16xi32>], vector<16xf32>,
        %lt3A_570 = arith.cmpf olt, %gather3A_569, %get3A_473 : vector<16xf32>
        %add3A_571 = arith.constant 1 : i32
        %add3A_572 = vector.broadcast %add3A_571 : i32 to vector<16xi32>
        %add3A_573 = arith.addi %add3A_568, %add3A_572 : vector<16xi32>
        %select_n3A_574 = arith.select %lt3A_570, %add3A_573, %select_n3A_565 : vector<16xi1>, vector<16xi32>
        %add3A_575 = arith.constant 0 : i32
        %add3A_576 = vector.broadcast %add3A_575 : i32 to vector<16xi32>
        %add3A_577 = arith.addi %select_n3A_574, %add3A_576 : vector<16xi32>
        %gather3A_578 = tpu.vector_load_idx %arg6[%add3A_577] : memref<4096xf32, #tpu.memory_space<vmem>>[vector<16xi32>], vector<16xf32>,
        %lt3A_579 = arith.cmpf olt, %gather3A_578, %get3A_473 : vector<16xf32>
        %add3A_580 = arith.constant 1 : i32
        %add3A_581 = vector.broadcast %add3A_580 : i32 to vector<16xi32>
        %add3A_582 = arith.addi %add3A_577, %add3A_581 : vector<16xi32>
        %select_n3A_583 = arith.select %lt3A_579, %add3A_582, %select_n3A_574 : vector<16xi1>, vector<16xi32>
        %mul3A_584 = arith.constant 16 : i32
        %mul3A_585 = arith.muli %add3A_469, %mul3A_584 : i32
        %add3A_586 = arith.constant 1 : i32
        %add3A_587 = arith.addi %mul3A_585, %add3A_586 : i32
        %add3A_588 = vector.broadcast %add3A_587 : i32 to vector<16xi32>
        %add3A_589 = arith.addi %add3A_588, %iota3A : vector<16xi32>
        %sub3A_590 = arith.subi %add3A_589, %select_n3A_583 : vector<16xi32>
        %convert_element_type3A_591 = arith.sitofp %sub3A_590 : vector<16xi32> to vector<16xf32>
        %mul3A_592 = arith.mulf %convert_element_type3A_591, %convert_element_type3A_591 : vector<16xf32>
        %mul3A_593 = arith.mulf %mul3A_592, %get3A_473 : vector<16xf32>
        %add3A_594 = arith.addf %add3A_465, %mul3A_593 : vector<16xf32>
        scf.yield %add3A_594 : vector<16xf32>
      }
      %scan3A_36 = arith.constant 64 : i32
      %dma_wait3A = arith.constant 0 : i32
      %dma_wait3A_37 = tpu.memref_slice %arg2[%min3A, %dma_wait3A] : memref<768x4096xf32, #tpu.memory_space<hbm>> -> memref<1x4096xf32, #tpu.memory_space<hbm>>
      %dma_wait3A_38 = tpu.memref_squeeze %dma_wait3A_37 : memref<1x4096xf32, #tpu.memory_space<hbm>> -> memref<4096xf32, #tpu.memory_space<hbm>>
      %dma_wait3A_39 = arith.constant 0 : i32
      %dma_wait3A_40 = tpu.memref_slice %arg2[%min3A, %dma_wait3A_39] : memref<768x4096xf32, #tpu.memory_space<hbm>> -> memref<1x4096xf32, #tpu.memory_space<hbm>>
      %dma_wait3A_41 = tpu.memref_squeeze %dma_wait3A_40 : memref<1x4096xf32, #tpu.memory_space<hbm>> -> memref<4096xf32, #tpu.memory_space<hbm>>
      tpu.wait_dma2 semaphore(%arg11 : memref<!tpu.dma_semaphore, #tpu.memory_space<semaphore_mem>>) src(%dma_wait3A_41 : memref<4096xf32, #tpu.memory_space<hbm>>) dst(%arg7 : memref<4096xf32, #tpu.memory_space<vmem>>)
      %dma_wait3A_42 = arith.constant 0 : i32
      %dma_wait3A_43 = tpu.memref_slice %arg3[%min3A, %dma_wait3A_42] : memref<768x4096xf32, #tpu.memory_space<hbm>> -> memref<1x4096xf32, #tpu.memory_space<hbm>>
      %dma_wait3A_44 = tpu.memref_squeeze %dma_wait3A_43 : memref<1x4096xf32, #tpu.memory_space<hbm>> -> memref<4096xf32, #tpu.memory_space<hbm>>
      %dma_wait3A_45 = arith.constant 0 : i32
      %dma_wait3A_46 = tpu.memref_slice %arg3[%min3A, %dma_wait3A_45] : memref<768x4096xf32, #tpu.memory_space<hbm>> -> memref<1x4096xf32, #tpu.memory_space<hbm>>
      %dma_wait3A_47 = tpu.memref_squeeze %dma_wait3A_46 : memref<1x4096xf32, #tpu.memory_space<hbm>> -> memref<4096xf32, #tpu.memory_space<hbm>>
      tpu.wait_dma2 semaphore(%arg11 : memref<!tpu.dma_semaphore, #tpu.memory_space<semaphore_mem>>) src(%dma_wait3A_47 : memref<4096xf32, #tpu.memory_space<hbm>>) dst(%arg8 : memref<4096xf32, #tpu.memory_space<vmem>>)
      %add3A_48 = arith.constant 2 : i32
      %add3A_49 = arith.addi %add3A_17, %add3A_48 : i32
      %min3A_50 = arith.minsi %add3A_49, %sub3A_5 : i32
      %dma_start3A_51 = arith.constant 0 : i32
      %dma_start3A_52 = tpu.memref_slice %arg2[%min3A_50, %dma_start3A_51] : memref<768x4096xf32, #tpu.memory_space<hbm>> -> memref<1x4096xf32, #tpu.memory_space<hbm>>
      %dma_start3A_53 = tpu.memref_squeeze %dma_start3A_52 : memref<1x4096xf32, #tpu.memory_space<hbm>> -> memref<4096xf32, #tpu.memory_space<hbm>>
      %dma_start3A_54 = arith.constant 0 : i32
      %dma_start3A_55 = tpu.memref_slice %arg2[%min3A_50, %dma_start3A_54] : memref<768x4096xf32, #tpu.memory_space<hbm>> -> memref<1x4096xf32, #tpu.memory_space<hbm>>
      %dma_start3A_56 = tpu.memref_squeeze %dma_start3A_55 : memref<1x4096xf32, #tpu.memory_space<hbm>> -> memref<4096xf32, #tpu.memory_space<hbm>>
      tpu.enqueue_dma source(%dma_start3A_56 : memref<4096xf32, #tpu.memory_space<hbm>>) target(%arg5 : memref<4096xf32, #tpu.memory_space<vmem>>) target_semaphore(%arg10 : memref<!tpu.dma_semaphore, #tpu.memory_space<semaphore_mem>>)
      %dma_start3A_57 = arith.constant 0 : i32
      %dma_start3A_58 = tpu.memref_slice %arg3[%min3A_50, %dma_start3A_57] : memref<768x4096xf32, #tpu.memory_space<hbm>> -> memref<1x4096xf32, #tpu.memory_space<hbm>>
      %dma_start3A_59 = tpu.memref_squeeze %dma_start3A_58 : memref<1x4096xf32, #tpu.memory_space<hbm>> -> memref<4096xf32, #tpu.memory_space<hbm>>
      %dma_start3A_60 = arith.constant 0 : i32
      %dma_start3A_61 = tpu.memref_slice %arg3[%min3A_50, %dma_start3A_60] : memref<768x4096xf32, #tpu.memory_space<hbm>> -> memref<1x4096xf32, #tpu.memory_space<hbm>>
      %dma_start3A_62 = tpu.memref_squeeze %dma_start3A_61 : memref<1x4096xf32, #tpu.memory_space<hbm>> -> memref<4096xf32, #tpu.memory_space<hbm>>
      tpu.enqueue_dma source(%dma_start3A_62 : memref<4096xf32, #tpu.memory_space<hbm>>) target(%arg6 : memref<4096xf32, #tpu.memory_space<vmem>>) target_semaphore(%arg10 : memref<!tpu.dma_semaphore, #tpu.memory_space<semaphore_mem>>)
      %iota3A_63 = tpu.iota {dimensions = array<i32: 0>} : vector<16xi32>
      %scan3A_64 = arith.constant 0 : i32
      %scan3A_65 = arith.constant 64 : i32
      %scan3A_66 = arith.addi %scan3A_64, %scan3A_65 : i32
      %scan3A_67 = arith.constant 1 : i32
      %scan3A_68 = scf.for %scan3A_82 = %scan3A_64 to %scan3A_66 step %scan3A_67 iter_args(%scan3A_83 = %scan3A_35) -> (vector<16xf32>)  : i32 {
        %mul3A_84 = arith.constant 4 : i32
        %mul3A_85 = arith.muli %scan3A_82, %mul3A_84 : i32
        %add3A_86 = arith.constant 0 : i32
        %add3A_87 = arith.addi %mul3A_85, %add3A_86 : i32
        %mul3A_88 = arith.constant 16 : i32
        %mul3A_89 = arith.muli %add3A_87, %mul3A_88 : i32
        %get3A = arith.index_cast %mul3A_89 : i32 to index
        %get3A_90 = tpu.vector_load %arg7[%get3A] {strides = array<i32>} : memref<4096xf32, #tpu.memory_space<vmem>>, vector<16xf32>,
        %broadcast_in_dim3A_91 = arith.constant 0 : i32
        %broadcast_in_dim3A_92 = vector.broadcast %broadcast_in_dim3A_91 : i32 to vector<16xi32>
        %add3A_93 = arith.constant 2047 : i32
        %add3A_94 = vector.broadcast %add3A_93 : i32 to vector<16xi32>
        %add3A_95 = arith.addi %broadcast_in_dim3A_92, %add3A_94 : vector<16xi32>
        %gather3A = tpu.vector_load_idx %arg8[%add3A_95] : memref<4096xf32, #tpu.memory_space<vmem>>[vector<16xi32>], vector<16xf32>,
        %lt3A = arith.cmpf olt, %gather3A, %get3A_90 : vector<16xf32>
        %add3A_96 = arith.constant 1 : i32
        %add3A_97 = vector.broadcast %add3A_96 : i32 to vector<16xi32>
        %add3A_98 = arith.addi %add3A_95, %add3A_97 : vector<16xi32>
        %select_n3A = arith.select %lt3A, %add3A_98, %broadcast_in_dim3A_92 : vector<16xi1>, vector<16xi32>
        %add3A_99 = arith.constant 1023 : i32
        %add3A_100 = vector.broadcast %add3A_99 : i32 to vector<16xi32>
        %add3A_101 = arith.addi %select_n3A, %add3A_100 : vector<16xi32>
        %gather3A_102 = tpu.vector_load_idx %arg8[%add3A_101] : memref<4096xf32, #tpu.memory_space<vmem>>[vector<16xi32>], vector<16xf32>,
        %lt3A_103 = arith.cmpf olt, %gather3A_102, %get3A_90 : vector<16xf32>
        %add3A_104 = arith.constant 1 : i32
        %add3A_105 = vector.broadcast %add3A_104 : i32 to vector<16xi32>
        %add3A_106 = arith.addi %add3A_101, %add3A_105 : vector<16xi32>
        %select_n3A_107 = arith.select %lt3A_103, %add3A_106, %select_n3A : vector<16xi1>, vector<16xi32>
        %add3A_108 = arith.constant 511 : i32
        %add3A_109 = vector.broadcast %add3A_108 : i32 to vector<16xi32>
        %add3A_110 = arith.addi %select_n3A_107, %add3A_109 : vector<16xi32>
        %gather3A_111 = tpu.vector_load_idx %arg8[%add3A_110] : memref<4096xf32, #tpu.memory_space<vmem>>[vector<16xi32>], vector<16xf32>,
        %lt3A_112 = arith.cmpf olt, %gather3A_111, %get3A_90 : vector<16xf32>
        %add3A_113 = arith.constant 1 : i32
        %add3A_114 = vector.broadcast %add3A_113 : i32 to vector<16xi32>
        %add3A_115 = arith.addi %add3A_110, %add3A_114 : vector<16xi32>
        %select_n3A_116 = arith.select %lt3A_112, %add3A_115, %select_n3A_107 : vector<16xi1>, vector<16xi32>
        %add3A_117 = arith.constant 255 : i32
        %add3A_118 = vector.broadcast %add3A_117 : i32 to vector<16xi32>
        %add3A_119 = arith.addi %select_n3A_116, %add3A_118 : vector<16xi32>
        %gather3A_120 = tpu.vector_load_idx %arg8[%add3A_119] : memref<4096xf32, #tpu.memory_space<vmem>>[vector<16xi32>], vector<16xf32>,
        %lt3A_121 = arith.cmpf olt, %gather3A_120, %get3A_90 : vector<16xf32>
        %add3A_122 = arith.constant 1 : i32
        %add3A_123 = vector.broadcast %add3A_122 : i32 to vector<16xi32>
        %add3A_124 = arith.addi %add3A_119, %add3A_123 : vector<16xi32>
        %select_n3A_125 = arith.select %lt3A_121, %add3A_124, %select_n3A_116 : vector<16xi1>, vector<16xi32>
        %add3A_126 = arith.constant 127 : i32
        %add3A_127 = vector.broadcast %add3A_126 : i32 to vector<16xi32>
        %add3A_128 = arith.addi %select_n3A_125, %add3A_127 : vector<16xi32>
        %gather3A_129 = tpu.vector_load_idx %arg8[%add3A_128] : memref<4096xf32, #tpu.memory_space<vmem>>[vector<16xi32>], vector<16xf32>,
        %lt3A_130 = arith.cmpf olt, %gather3A_129, %get3A_90 : vector<16xf32>
        %add3A_131 = arith.constant 1 : i32
        %add3A_132 = vector.broadcast %add3A_131 : i32 to vector<16xi32>
        %add3A_133 = arith.addi %add3A_128, %add3A_132 : vector<16xi32>
        %select_n3A_134 = arith.select %lt3A_130, %add3A_133, %select_n3A_125 : vector<16xi1>, vector<16xi32>
        %add3A_135 = arith.constant 63 : i32
        %add3A_136 = vector.broadcast %add3A_135 : i32 to vector<16xi32>
        %add3A_137 = arith.addi %select_n3A_134, %add3A_136 : vector<16xi32>
        %gather3A_138 = tpu.vector_load_idx %arg8[%add3A_137] : memref<4096xf32, #tpu.memory_space<vmem>>[vector<16xi32>], vector<16xf32>,
        %lt3A_139 = arith.cmpf olt, %gather3A_138, %get3A_90 : vector<16xf32>
        %add3A_140 = arith.constant 1 : i32
        %add3A_141 = vector.broadcast %add3A_140 : i32 to vector<16xi32>
        %add3A_142 = arith.addi %add3A_137, %add3A_141 : vector<16xi32>
        %select_n3A_143 = arith.select %lt3A_139, %add3A_142, %select_n3A_134 : vector<16xi1>, vector<16xi32>
        %add3A_144 = arith.constant 31 : i32
        %add3A_145 = vector.broadcast %add3A_144 : i32 to vector<16xi32>
        %add3A_146 = arith.addi %select_n3A_143, %add3A_145 : vector<16xi32>
        %gather3A_147 = tpu.vector_load_idx %arg8[%add3A_146] : memref<4096xf32, #tpu.memory_space<vmem>>[vector<16xi32>], vector<16xf32>,
        %lt3A_148 = arith.cmpf olt, %gather3A_147, %get3A_90 : vector<16xf32>
        %add3A_149 = arith.constant 1 : i32
        %add3A_150 = vector.broadcast %add3A_149 : i32 to vector<16xi32>
        %add3A_151 = arith.addi %add3A_146, %add3A_150 : vector<16xi32>
        %select_n3A_152 = arith.select %lt3A_148, %add3A_151, %select_n3A_143 : vector<16xi1>, vector<16xi32>
        %add3A_153 = arith.constant 15 : i32
        %add3A_154 = vector.broadcast %add3A_153 : i32 to vector<16xi32>
        %add3A_155 = arith.addi %select_n3A_152, %add3A_154 : vector<16xi32>
        %gather3A_156 = tpu.vector_load_idx %arg8[%add3A_155] : memref<4096xf32, #tpu.memory_space<vmem>>[vector<16xi32>], vector<16xf32>,
        %lt3A_157 = arith.cmpf olt, %gather3A_156, %get3A_90 : vector<16xf32>
        %add3A_158 = arith.constant 1 : i32
        %add3A_159 = vector.broadcast %add3A_158 : i32 to vector<16xi32>
        %add3A_160 = arith.addi %add3A_155, %add3A_159 : vector<16xi32>
        %select_n3A_161 = arith.select %lt3A_157, %add3A_160, %select_n3A_152 : vector<16xi1>, vector<16xi32>
        %add3A_162 = arith.constant 7 : i32
        %add3A_163 = vector.broadcast %add3A_162 : i32 to vector<16xi32>
        %add3A_164 = arith.addi %select_n3A_161, %add3A_163 : vector<16xi32>
        %gather3A_165 = tpu.vector_load_idx %arg8[%add3A_164] : memref<4096xf32, #tpu.memory_space<vmem>>[vector<16xi32>], vector<16xf32>,
        %lt3A_166 = arith.cmpf olt, %gather3A_165, %get3A_90 : vector<16xf32>
        %add3A_167 = arith.constant 1 : i32
        %add3A_168 = vector.broadcast %add3A_167 : i32 to vector<16xi32>
        %add3A_169 = arith.addi %add3A_164, %add3A_168 : vector<16xi32>
        %select_n3A_170 = arith.select %lt3A_166, %add3A_169, %select_n3A_161 : vector<16xi1>, vector<16xi32>
        %add3A_171 = arith.constant 3 : i32
        %add3A_172 = vector.broadcast %add3A_171 : i32 to vector<16xi32>
        %add3A_173 = arith.addi %select_n3A_170, %add3A_172 : vector<16xi32>
        %gather3A_174 = tpu.vector_load_idx %arg8[%add3A_173] : memref<4096xf32, #tpu.memory_space<vmem>>[vector<16xi32>], vector<16xf32>,
        %lt3A_175 = arith.cmpf olt, %gather3A_174, %get3A_90 : vector<16xf32>
        %add3A_176 = arith.constant 1 : i32
        %add3A_177 = vector.broadcast %add3A_176 : i32 to vector<16xi32>
        %add3A_178 = arith.addi %add3A_173, %add3A_177 : vector<16xi32>
        %select_n3A_179 = arith.select %lt3A_175, %add3A_178, %select_n3A_170 : vector<16xi1>, vector<16xi32>
        %add3A_180 = arith.constant 1 : i32
        %add3A_181 = vector.broadcast %add3A_180 : i32 to vector<16xi32>
        %add3A_182 = arith.addi %select_n3A_179, %add3A_181 : vector<16xi32>
        %gather3A_183 = tpu.vector_load_idx %arg8[%add3A_182] : memref<4096xf32, #tpu.memory_space<vmem>>[vector<16xi32>], vector<16xf32>,
        %lt3A_184 = arith.cmpf olt, %gather3A_183, %get3A_90 : vector<16xf32>
        %add3A_185 = arith.constant 1 : i32
        %add3A_186 = vector.broadcast %add3A_185 : i32 to vector<16xi32>
        %add3A_187 = arith.addi %add3A_182, %add3A_186 : vector<16xi32>
        %select_n3A_188 = arith.select %lt3A_184, %add3A_187, %select_n3A_179 : vector<16xi1>, vector<16xi32>
        %add3A_189 = arith.constant 0 : i32
        %add3A_190 = vector.broadcast %add3A_189 : i32 to vector<16xi32>
        %add3A_191 = arith.addi %select_n3A_188, %add3A_190 : vector<16xi32>
        %gather3A_192 = tpu.vector_load_idx %arg8[%add3A_191] : memref<4096xf32, #tpu.memory_space<vmem>>[vector<16xi32>], vector<16xf32>,
        %lt3A_193 = arith.cmpf olt, %gather3A_192, %get3A_90 : vector<16xf32>
        %add3A_194 = arith.constant 1 : i32
        %add3A_195 = vector.broadcast %add3A_194 : i32 to vector<16xi32>
        %add3A_196 = arith.addi %add3A_191, %add3A_195 : vector<16xi32>
        %select_n3A_197 = arith.select %lt3A_193, %add3A_196, %select_n3A_188 : vector<16xi1>, vector<16xi32>
        %mul3A_198 = arith.constant 16 : i32
        %mul3A_199 = arith.muli %add3A_87, %mul3A_198 : i32
        %add3A_200 = arith.constant 1 : i32
        %add3A_201 = arith.addi %mul3A_199, %add3A_200 : i32
        %add3A_202 = vector.broadcast %add3A_201 : i32 to vector<16xi32>
        %add3A_203 = arith.addi %add3A_202, %iota3A_63 : vector<16xi32>
        %sub3A_204 = arith.subi %add3A_203, %select_n3A_197 : vector<16xi32>
        %convert_element_type3A = arith.sitofp %sub3A_204 : vector<16xi32> to vector<16xf32>
        %mul3A_205 = arith.mulf %convert_element_type3A, %convert_element_type3A : vector<16xf32>
        %mul3A_206 = arith.mulf %mul3A_205, %get3A_90 : vector<16xf32>
        %add3A_207 = arith.addf %scan3A_83, %mul3A_206 : vector<16xf32>
        %mul3A_208 = arith.constant 4 : i32
        %mul3A_209 = arith.muli %scan3A_82, %mul3A_208 : i32
        %add3A_210 = arith.constant 1 : i32
        %add3A_211 = arith.addi %mul3A_209, %add3A_210 : i32
        %mul3A_212 = arith.constant 16 : i32
        %mul3A_213 = arith.muli %add3A_211, %mul3A_212 : i32
        %get3A_214 = arith.index_cast %mul3A_213 : i32 to index
        %get3A_215 = tpu.vector_load %arg7[%get3A_214] {strides = array<i32>} : memref<4096xf32, #tpu.memory_space<vmem>>, vector<16xf32>,
        %broadcast_in_dim3A_216 = arith.constant 0 : i32
        %broadcast_in_dim3A_217 = vector.broadcast %broadcast_in_dim3A_216 : i32 to vector<16xi32>
        %add3A_218 = arith.constant 2047 : i32
        %add3A_219 = vector.broadcast %add3A_218 : i32 to vector<16xi32>
        %add3A_220 = arith.addi %broadcast_in_dim3A_217, %add3A_219 : vector<16xi32>
        %gather3A_221 = tpu.vector_load_idx %arg8[%add3A_220] : memref<4096xf32, #tpu.memory_space<vmem>>[vector<16xi32>], vector<16xf32>,
        %lt3A_222 = arith.cmpf olt, %gather3A_221, %get3A_215 : vector<16xf32>
        %add3A_223 = arith.constant 1 : i32
        %add3A_224 = vector.broadcast %add3A_223 : i32 to vector<16xi32>
        %add3A_225 = arith.addi %add3A_220, %add3A_224 : vector<16xi32>
        %select_n3A_226 = arith.select %lt3A_222, %add3A_225, %broadcast_in_dim3A_217 : vector<16xi1>, vector<16xi32>
        %add3A_227 = arith.constant 1023 : i32
        %add3A_228 = vector.broadcast %add3A_227 : i32 to vector<16xi32>
        %add3A_229 = arith.addi %select_n3A_226, %add3A_228 : vector<16xi32>
        %gather3A_230 = tpu.vector_load_idx %arg8[%add3A_229] : memref<4096xf32, #tpu.memory_space<vmem>>[vector<16xi32>], vector<16xf32>,
        %lt3A_231 = arith.cmpf olt, %gather3A_230, %get3A_215 : vector<16xf32>
        %add3A_232 = arith.constant 1 : i32
        %add3A_233 = vector.broadcast %add3A_232 : i32 to vector<16xi32>
        %add3A_234 = arith.addi %add3A_229, %add3A_233 : vector<16xi32>
        %select_n3A_235 = arith.select %lt3A_231, %add3A_234, %select_n3A_226 : vector<16xi1>, vector<16xi32>
        %add3A_236 = arith.constant 511 : i32
        %add3A_237 = vector.broadcast %add3A_236 : i32 to vector<16xi32>
        %add3A_238 = arith.addi %select_n3A_235, %add3A_237 : vector<16xi32>
        %gather3A_239 = tpu.vector_load_idx %arg8[%add3A_238] : memref<4096xf32, #tpu.memory_space<vmem>>[vector<16xi32>], vector<16xf32>,
        %lt3A_240 = arith.cmpf olt, %gather3A_239, %get3A_215 : vector<16xf32>
        %add3A_241 = arith.constant 1 : i32
        %add3A_242 = vector.broadcast %add3A_241 : i32 to vector<16xi32>
        %add3A_243 = arith.addi %add3A_238, %add3A_242 : vector<16xi32>
        %select_n3A_244 = arith.select %lt3A_240, %add3A_243, %select_n3A_235 : vector<16xi1>, vector<16xi32>
        %add3A_245 = arith.constant 255 : i32
        %add3A_246 = vector.broadcast %add3A_245 : i32 to vector<16xi32>
        %add3A_247 = arith.addi %select_n3A_244, %add3A_246 : vector<16xi32>
        %gather3A_248 = tpu.vector_load_idx %arg8[%add3A_247] : memref<4096xf32, #tpu.memory_space<vmem>>[vector<16xi32>], vector<16xf32>,
        %lt3A_249 = arith.cmpf olt, %gather3A_248, %get3A_215 : vector<16xf32>
        %add3A_250 = arith.constant 1 : i32
        %add3A_251 = vector.broadcast %add3A_250 : i32 to vector<16xi32>
        %add3A_252 = arith.addi %add3A_247, %add3A_251 : vector<16xi32>
        %select_n3A_253 = arith.select %lt3A_249, %add3A_252, %select_n3A_244 : vector<16xi1>, vector<16xi32>
        %add3A_254 = arith.constant 127 : i32
        %add3A_255 = vector.broadcast %add3A_254 : i32 to vector<16xi32>
        %add3A_256 = arith.addi %select_n3A_253, %add3A_255 : vector<16xi32>
        %gather3A_257 = tpu.vector_load_idx %arg8[%add3A_256] : memref<4096xf32, #tpu.memory_space<vmem>>[vector<16xi32>], vector<16xf32>,
        %lt3A_258 = arith.cmpf olt, %gather3A_257, %get3A_215 : vector<16xf32>
        %add3A_259 = arith.constant 1 : i32
        %add3A_260 = vector.broadcast %add3A_259 : i32 to vector<16xi32>
        %add3A_261 = arith.addi %add3A_256, %add3A_260 : vector<16xi32>
        %select_n3A_262 = arith.select %lt3A_258, %add3A_261, %select_n3A_253 : vector<16xi1>, vector<16xi32>
        %add3A_263 = arith.constant 63 : i32
        %add3A_264 = vector.broadcast %add3A_263 : i32 to vector<16xi32>
        %add3A_265 = arith.addi %select_n3A_262, %add3A_264 : vector<16xi32>
        %gather3A_266 = tpu.vector_load_idx %arg8[%add3A_265] : memref<4096xf32, #tpu.memory_space<vmem>>[vector<16xi32>], vector<16xf32>,
        %lt3A_267 = arith.cmpf olt, %gather3A_266, %get3A_215 : vector<16xf32>
        %add3A_268 = arith.constant 1 : i32
        %add3A_269 = vector.broadcast %add3A_268 : i32 to vector<16xi32>
        %add3A_270 = arith.addi %add3A_265, %add3A_269 : vector<16xi32>
        %select_n3A_271 = arith.select %lt3A_267, %add3A_270, %select_n3A_262 : vector<16xi1>, vector<16xi32>
        %add3A_272 = arith.constant 31 : i32
        %add3A_273 = vector.broadcast %add3A_272 : i32 to vector<16xi32>
        %add3A_274 = arith.addi %select_n3A_271, %add3A_273 : vector<16xi32>
        %gather3A_275 = tpu.vector_load_idx %arg8[%add3A_274] : memref<4096xf32, #tpu.memory_space<vmem>>[vector<16xi32>], vector<16xf32>,
        %lt3A_276 = arith.cmpf olt, %gather3A_275, %get3A_215 : vector<16xf32>
        %add3A_277 = arith.constant 1 : i32
        %add3A_278 = vector.broadcast %add3A_277 : i32 to vector<16xi32>
        %add3A_279 = arith.addi %add3A_274, %add3A_278 : vector<16xi32>
        %select_n3A_280 = arith.select %lt3A_276, %add3A_279, %select_n3A_271 : vector<16xi1>, vector<16xi32>
        %add3A_281 = arith.constant 15 : i32
        %add3A_282 = vector.broadcast %add3A_281 : i32 to vector<16xi32>
        %add3A_283 = arith.addi %select_n3A_280, %add3A_282 : vector<16xi32>
        %gather3A_284 = tpu.vector_load_idx %arg8[%add3A_283] : memref<4096xf32, #tpu.memory_space<vmem>>[vector<16xi32>], vector<16xf32>,
        %lt3A_285 = arith.cmpf olt, %gather3A_284, %get3A_215 : vector<16xf32>
        %add3A_286 = arith.constant 1 : i32
        %add3A_287 = vector.broadcast %add3A_286 : i32 to vector<16xi32>
        %add3A_288 = arith.addi %add3A_283, %add3A_287 : vector<16xi32>
        %select_n3A_289 = arith.select %lt3A_285, %add3A_288, %select_n3A_280 : vector<16xi1>, vector<16xi32>
        %add3A_290 = arith.constant 7 : i32
        %add3A_291 = vector.broadcast %add3A_290 : i32 to vector<16xi32>
        %add3A_292 = arith.addi %select_n3A_289, %add3A_291 : vector<16xi32>
        %gather3A_293 = tpu.vector_load_idx %arg8[%add3A_292] : memref<4096xf32, #tpu.memory_space<vmem>>[vector<16xi32>], vector<16xf32>,
        %lt3A_294 = arith.cmpf olt, %gather3A_293, %get3A_215 : vector<16xf32>
        %add3A_295 = arith.constant 1 : i32
        %add3A_296 = vector.broadcast %add3A_295 : i32 to vector<16xi32>
        %add3A_297 = arith.addi %add3A_292, %add3A_296 : vector<16xi32>
        %select_n3A_298 = arith.select %lt3A_294, %add3A_297, %select_n3A_289 : vector<16xi1>, vector<16xi32>
        %add3A_299 = arith.constant 3 : i32
        %add3A_300 = vector.broadcast %add3A_299 : i32 to vector<16xi32>
        %add3A_301 = arith.addi %select_n3A_298, %add3A_300 : vector<16xi32>
        %gather3A_302 = tpu.vector_load_idx %arg8[%add3A_301] : memref<4096xf32, #tpu.memory_space<vmem>>[vector<16xi32>], vector<16xf32>,
        %lt3A_303 = arith.cmpf olt, %gather3A_302, %get3A_215 : vector<16xf32>
        %add3A_304 = arith.constant 1 : i32
        %add3A_305 = vector.broadcast %add3A_304 : i32 to vector<16xi32>
        %add3A_306 = arith.addi %add3A_301, %add3A_305 : vector<16xi32>
        %select_n3A_307 = arith.select %lt3A_303, %add3A_306, %select_n3A_298 : vector<16xi1>, vector<16xi32>
        %add3A_308 = arith.constant 1 : i32
        %add3A_309 = vector.broadcast %add3A_308 : i32 to vector<16xi32>
        %add3A_310 = arith.addi %select_n3A_307, %add3A_309 : vector<16xi32>
        %gather3A_311 = tpu.vector_load_idx %arg8[%add3A_310] : memref<4096xf32, #tpu.memory_space<vmem>>[vector<16xi32>], vector<16xf32>,
        %lt3A_312 = arith.cmpf olt, %gather3A_311, %get3A_215 : vector<16xf32>
        %add3A_313 = arith.constant 1 : i32
        %add3A_314 = vector.broadcast %add3A_313 : i32 to vector<16xi32>
        %add3A_315 = arith.addi %add3A_310, %add3A_314 : vector<16xi32>
        %select_n3A_316 = arith.select %lt3A_312, %add3A_315, %select_n3A_307 : vector<16xi1>, vector<16xi32>
        %add3A_317 = arith.constant 0 : i32
        %add3A_318 = vector.broadcast %add3A_317 : i32 to vector<16xi32>
        %add3A_319 = arith.addi %select_n3A_316, %add3A_318 : vector<16xi32>
        %gather3A_320 = tpu.vector_load_idx %arg8[%add3A_319] : memref<4096xf32, #tpu.memory_space<vmem>>[vector<16xi32>], vector<16xf32>,
        %lt3A_321 = arith.cmpf olt, %gather3A_320, %get3A_215 : vector<16xf32>
        %add3A_322 = arith.constant 1 : i32
        %add3A_323 = vector.broadcast %add3A_322 : i32 to vector<16xi32>
        %add3A_324 = arith.addi %add3A_319, %add3A_323 : vector<16xi32>
        %select_n3A_325 = arith.select %lt3A_321, %add3A_324, %select_n3A_316 : vector<16xi1>, vector<16xi32>
        %mul3A_326 = arith.constant 16 : i32
        %mul3A_327 = arith.muli %add3A_211, %mul3A_326 : i32
        %add3A_328 = arith.constant 1 : i32
        %add3A_329 = arith.addi %mul3A_327, %add3A_328 : i32
        %add3A_330 = vector.broadcast %add3A_329 : i32 to vector<16xi32>
        %add3A_331 = arith.addi %add3A_330, %iota3A_63 : vector<16xi32>
        %sub3A_332 = arith.subi %add3A_331, %select_n3A_325 : vector<16xi32>
        %convert_element_type3A_333 = arith.sitofp %sub3A_332 : vector<16xi32> to vector<16xf32>
        %mul3A_334 = arith.mulf %convert_element_type3A_333, %convert_element_type3A_333 : vector<16xf32>
        %mul3A_335 = arith.mulf %mul3A_334, %get3A_215 : vector<16xf32>
        %add3A_336 = arith.addf %add3A_207, %mul3A_335 : vector<16xf32>
        %mul3A_337 = arith.constant 4 : i32
        %mul3A_338 = arith.muli %scan3A_82, %mul3A_337 : i32
        %add3A_339 = arith.constant 2 : i32
        %add3A_340 = arith.addi %mul3A_338, %add3A_339 : i32
        %mul3A_341 = arith.constant 16 : i32
        %mul3A_342 = arith.muli %add3A_340, %mul3A_341 : i32
        %get3A_343 = arith.index_cast %mul3A_342 : i32 to index
        %get3A_344 = tpu.vector_load %arg7[%get3A_343] {strides = array<i32>} : memref<4096xf32, #tpu.memory_space<vmem>>, vector<16xf32>,
        %broadcast_in_dim3A_345 = arith.constant 0 : i32
        %broadcast_in_dim3A_346 = vector.broadcast %broadcast_in_dim3A_345 : i32 to vector<16xi32>
        %add3A_347 = arith.constant 2047 : i32
        %add3A_348 = vector.broadcast %add3A_347 : i32 to vector<16xi32>
        %add3A_349 = arith.addi %broadcast_in_dim3A_346, %add3A_348 : vector<16xi32>
        %gather3A_350 = tpu.vector_load_idx %arg8[%add3A_349] : memref<4096xf32, #tpu.memory_space<vmem>>[vector<16xi32>], vector<16xf32>,
        %lt3A_351 = arith.cmpf olt, %gather3A_350, %get3A_344 : vector<16xf32>
        %add3A_352 = arith.constant 1 : i32
        %add3A_353 = vector.broadcast %add3A_352 : i32 to vector<16xi32>
        %add3A_354 = arith.addi %add3A_349, %add3A_353 : vector<16xi32>
        %select_n3A_355 = arith.select %lt3A_351, %add3A_354, %broadcast_in_dim3A_346 : vector<16xi1>, vector<16xi32>
        %add3A_356 = arith.constant 1023 : i32
        %add3A_357 = vector.broadcast %add3A_356 : i32 to vector<16xi32>
        %add3A_358 = arith.addi %select_n3A_355, %add3A_357 : vector<16xi32>
        %gather3A_359 = tpu.vector_load_idx %arg8[%add3A_358] : memref<4096xf32, #tpu.memory_space<vmem>>[vector<16xi32>], vector<16xf32>,
        %lt3A_360 = arith.cmpf olt, %gather3A_359, %get3A_344 : vector<16xf32>
        %add3A_361 = arith.constant 1 : i32
        %add3A_362 = vector.broadcast %add3A_361 : i32 to vector<16xi32>
        %add3A_363 = arith.addi %add3A_358, %add3A_362 : vector<16xi32>
        %select_n3A_364 = arith.select %lt3A_360, %add3A_363, %select_n3A_355 : vector<16xi1>, vector<16xi32>
        %add3A_365 = arith.constant 511 : i32
        %add3A_366 = vector.broadcast %add3A_365 : i32 to vector<16xi32>
        %add3A_367 = arith.addi %select_n3A_364, %add3A_366 : vector<16xi32>
        %gather3A_368 = tpu.vector_load_idx %arg8[%add3A_367] : memref<4096xf32, #tpu.memory_space<vmem>>[vector<16xi32>], vector<16xf32>,
        %lt3A_369 = arith.cmpf olt, %gather3A_368, %get3A_344 : vector<16xf32>
        %add3A_370 = arith.constant 1 : i32
        %add3A_371 = vector.broadcast %add3A_370 : i32 to vector<16xi32>
        %add3A_372 = arith.addi %add3A_367, %add3A_371 : vector<16xi32>
        %select_n3A_373 = arith.select %lt3A_369, %add3A_372, %select_n3A_364 : vector<16xi1>, vector<16xi32>
        %add3A_374 = arith.constant 255 : i32
        %add3A_375 = vector.broadcast %add3A_374 : i32 to vector<16xi32>
        %add3A_376 = arith.addi %select_n3A_373, %add3A_375 : vector<16xi32>
        %gather3A_377 = tpu.vector_load_idx %arg8[%add3A_376] : memref<4096xf32, #tpu.memory_space<vmem>>[vector<16xi32>], vector<16xf32>,
        %lt3A_378 = arith.cmpf olt, %gather3A_377, %get3A_344 : vector<16xf32>
        %add3A_379 = arith.constant 1 : i32
        %add3A_380 = vector.broadcast %add3A_379 : i32 to vector<16xi32>
        %add3A_381 = arith.addi %add3A_376, %add3A_380 : vector<16xi32>
        %select_n3A_382 = arith.select %lt3A_378, %add3A_381, %select_n3A_373 : vector<16xi1>, vector<16xi32>
        %add3A_383 = arith.constant 127 : i32
        %add3A_384 = vector.broadcast %add3A_383 : i32 to vector<16xi32>
        %add3A_385 = arith.addi %select_n3A_382, %add3A_384 : vector<16xi32>
        %gather3A_386 = tpu.vector_load_idx %arg8[%add3A_385] : memref<4096xf32, #tpu.memory_space<vmem>>[vector<16xi32>], vector<16xf32>,
        %lt3A_387 = arith.cmpf olt, %gather3A_386, %get3A_344 : vector<16xf32>
        %add3A_388 = arith.constant 1 : i32
        %add3A_389 = vector.broadcast %add3A_388 : i32 to vector<16xi32>
        %add3A_390 = arith.addi %add3A_385, %add3A_389 : vector<16xi32>
        %select_n3A_391 = arith.select %lt3A_387, %add3A_390, %select_n3A_382 : vector<16xi1>, vector<16xi32>
        %add3A_392 = arith.constant 63 : i32
        %add3A_393 = vector.broadcast %add3A_392 : i32 to vector<16xi32>
        %add3A_394 = arith.addi %select_n3A_391, %add3A_393 : vector<16xi32>
        %gather3A_395 = tpu.vector_load_idx %arg8[%add3A_394] : memref<4096xf32, #tpu.memory_space<vmem>>[vector<16xi32>], vector<16xf32>,
        %lt3A_396 = arith.cmpf olt, %gather3A_395, %get3A_344 : vector<16xf32>
        %add3A_397 = arith.constant 1 : i32
        %add3A_398 = vector.broadcast %add3A_397 : i32 to vector<16xi32>
        %add3A_399 = arith.addi %add3A_394, %add3A_398 : vector<16xi32>
        %select_n3A_400 = arith.select %lt3A_396, %add3A_399, %select_n3A_391 : vector<16xi1>, vector<16xi32>
        %add3A_401 = arith.constant 31 : i32
        %add3A_402 = vector.broadcast %add3A_401 : i32 to vector<16xi32>
        %add3A_403 = arith.addi %select_n3A_400, %add3A_402 : vector<16xi32>
        %gather3A_404 = tpu.vector_load_idx %arg8[%add3A_403] : memref<4096xf32, #tpu.memory_space<vmem>>[vector<16xi32>], vector<16xf32>,
        %lt3A_405 = arith.cmpf olt, %gather3A_404, %get3A_344 : vector<16xf32>
        %add3A_406 = arith.constant 1 : i32
        %add3A_407 = vector.broadcast %add3A_406 : i32 to vector<16xi32>
        %add3A_408 = arith.addi %add3A_403, %add3A_407 : vector<16xi32>
        %select_n3A_409 = arith.select %lt3A_405, %add3A_408, %select_n3A_400 : vector<16xi1>, vector<16xi32>
        %add3A_410 = arith.constant 15 : i32
        %add3A_411 = vector.broadcast %add3A_410 : i32 to vector<16xi32>
        %add3A_412 = arith.addi %select_n3A_409, %add3A_411 : vector<16xi32>
        %gather3A_413 = tpu.vector_load_idx %arg8[%add3A_412] : memref<4096xf32, #tpu.memory_space<vmem>>[vector<16xi32>], vector<16xf32>,
        %lt3A_414 = arith.cmpf olt, %gather3A_413, %get3A_344 : vector<16xf32>
        %add3A_415 = arith.constant 1 : i32
        %add3A_416 = vector.broadcast %add3A_415 : i32 to vector<16xi32>
        %add3A_417 = arith.addi %add3A_412, %add3A_416 : vector<16xi32>
        %select_n3A_418 = arith.select %lt3A_414, %add3A_417, %select_n3A_409 : vector<16xi1>, vector<16xi32>
        %add3A_419 = arith.constant 7 : i32
        %add3A_420 = vector.broadcast %add3A_419 : i32 to vector<16xi32>
        %add3A_421 = arith.addi %select_n3A_418, %add3A_420 : vector<16xi32>
        %gather3A_422 = tpu.vector_load_idx %arg8[%add3A_421] : memref<4096xf32, #tpu.memory_space<vmem>>[vector<16xi32>], vector<16xf32>,
        %lt3A_423 = arith.cmpf olt, %gather3A_422, %get3A_344 : vector<16xf32>
        %add3A_424 = arith.constant 1 : i32
        %add3A_425 = vector.broadcast %add3A_424 : i32 to vector<16xi32>
        %add3A_426 = arith.addi %add3A_421, %add3A_425 : vector<16xi32>
        %select_n3A_427 = arith.select %lt3A_423, %add3A_426, %select_n3A_418 : vector<16xi1>, vector<16xi32>
        %add3A_428 = arith.constant 3 : i32
        %add3A_429 = vector.broadcast %add3A_428 : i32 to vector<16xi32>
        %add3A_430 = arith.addi %select_n3A_427, %add3A_429 : vector<16xi32>
        %gather3A_431 = tpu.vector_load_idx %arg8[%add3A_430] : memref<4096xf32, #tpu.memory_space<vmem>>[vector<16xi32>], vector<16xf32>,
        %lt3A_432 = arith.cmpf olt, %gather3A_431, %get3A_344 : vector<16xf32>
        %add3A_433 = arith.constant 1 : i32
        %add3A_434 = vector.broadcast %add3A_433 : i32 to vector<16xi32>
        %add3A_435 = arith.addi %add3A_430, %add3A_434 : vector<16xi32>
        %select_n3A_436 = arith.select %lt3A_432, %add3A_435, %select_n3A_427 : vector<16xi1>, vector<16xi32>
        %add3A_437 = arith.constant 1 : i32
        %add3A_438 = vector.broadcast %add3A_437 : i32 to vector<16xi32>
        %add3A_439 = arith.addi %select_n3A_436, %add3A_438 : vector<16xi32>
        %gather3A_440 = tpu.vector_load_idx %arg8[%add3A_439] : memref<4096xf32, #tpu.memory_space<vmem>>[vector<16xi32>], vector<16xf32>,
        %lt3A_441 = arith.cmpf olt, %gather3A_440, %get3A_344 : vector<16xf32>
        %add3A_442 = arith.constant 1 : i32
        %add3A_443 = vector.broadcast %add3A_442 : i32 to vector<16xi32>
        %add3A_444 = arith.addi %add3A_439, %add3A_443 : vector<16xi32>
        %select_n3A_445 = arith.select %lt3A_441, %add3A_444, %select_n3A_436 : vector<16xi1>, vector<16xi32>
        %add3A_446 = arith.constant 0 : i32
        %add3A_447 = vector.broadcast %add3A_446 : i32 to vector<16xi32>
        %add3A_448 = arith.addi %select_n3A_445, %add3A_447 : vector<16xi32>
        %gather3A_449 = tpu.vector_load_idx %arg8[%add3A_448] : memref<4096xf32, #tpu.memory_space<vmem>>[vector<16xi32>], vector<16xf32>,
        %lt3A_450 = arith.cmpf olt, %gather3A_449, %get3A_344 : vector<16xf32>
        %add3A_451 = arith.constant 1 : i32
        %add3A_452 = vector.broadcast %add3A_451 : i32 to vector<16xi32>
        %add3A_453 = arith.addi %add3A_448, %add3A_452 : vector<16xi32>
        %select_n3A_454 = arith.select %lt3A_450, %add3A_453, %select_n3A_445 : vector<16xi1>, vector<16xi32>
        %mul3A_455 = arith.constant 16 : i32
        %mul3A_456 = arith.muli %add3A_340, %mul3A_455 : i32
        %add3A_457 = arith.constant 1 : i32
        %add3A_458 = arith.addi %mul3A_456, %add3A_457 : i32
        %add3A_459 = vector.broadcast %add3A_458 : i32 to vector<16xi32>
        %add3A_460 = arith.addi %add3A_459, %iota3A_63 : vector<16xi32>
        %sub3A_461 = arith.subi %add3A_460, %select_n3A_454 : vector<16xi32>
        %convert_element_type3A_462 = arith.sitofp %sub3A_461 : vector<16xi32> to vector<16xf32>
        %mul3A_463 = arith.mulf %convert_element_type3A_462, %convert_element_type3A_462 : vector<16xf32>
        %mul3A_464 = arith.mulf %mul3A_463, %get3A_344 : vector<16xf32>
        %add3A_465 = arith.addf %add3A_336, %mul3A_464 : vector<16xf32>
        %mul3A_466 = arith.constant 4 : i32
        %mul3A_467 = arith.muli %scan3A_82, %mul3A_466 : i32
        %add3A_468 = arith.constant 3 : i32
        %add3A_469 = arith.addi %mul3A_467, %add3A_468 : i32
        %mul3A_470 = arith.constant 16 : i32
        %mul3A_471 = arith.muli %add3A_469, %mul3A_470 : i32
        %get3A_472 = arith.index_cast %mul3A_471 : i32 to index
        %get3A_473 = tpu.vector_load %arg7[%get3A_472] {strides = array<i32>} : memref<4096xf32, #tpu.memory_space<vmem>>, vector<16xf32>,
        %broadcast_in_dim3A_474 = arith.constant 0 : i32
        %broadcast_in_dim3A_475 = vector.broadcast %broadcast_in_dim3A_474 : i32 to vector<16xi32>
        %add3A_476 = arith.constant 2047 : i32
        %add3A_477 = vector.broadcast %add3A_476 : i32 to vector<16xi32>
        %add3A_478 = arith.addi %broadcast_in_dim3A_475, %add3A_477 : vector<16xi32>
        %gather3A_479 = tpu.vector_load_idx %arg8[%add3A_478] : memref<4096xf32, #tpu.memory_space<vmem>>[vector<16xi32>], vector<16xf32>,
        %lt3A_480 = arith.cmpf olt, %gather3A_479, %get3A_473 : vector<16xf32>
        %add3A_481 = arith.constant 1 : i32
        %add3A_482 = vector.broadcast %add3A_481 : i32 to vector<16xi32>
        %add3A_483 = arith.addi %add3A_478, %add3A_482 : vector<16xi32>
        %select_n3A_484 = arith.select %lt3A_480, %add3A_483, %broadcast_in_dim3A_475 : vector<16xi1>, vector<16xi32>
        %add3A_485 = arith.constant 1023 : i32
        %add3A_486 = vector.broadcast %add3A_485 : i32 to vector<16xi32>
        %add3A_487 = arith.addi %select_n3A_484, %add3A_486 : vector<16xi32>
        %gather3A_488 = tpu.vector_load_idx %arg8[%add3A_487] : memref<4096xf32, #tpu.memory_space<vmem>>[vector<16xi32>], vector<16xf32>,
        %lt3A_489 = arith.cmpf olt, %gather3A_488, %get3A_473 : vector<16xf32>
        %add3A_490 = arith.constant 1 : i32
        %add3A_491 = vector.broadcast %add3A_490 : i32 to vector<16xi32>
        %add3A_492 = arith.addi %add3A_487, %add3A_491 : vector<16xi32>
        %select_n3A_493 = arith.select %lt3A_489, %add3A_492, %select_n3A_484 : vector<16xi1>, vector<16xi32>
        %add3A_494 = arith.constant 511 : i32
        %add3A_495 = vector.broadcast %add3A_494 : i32 to vector<16xi32>
        %add3A_496 = arith.addi %select_n3A_493, %add3A_495 : vector<16xi32>
        %gather3A_497 = tpu.vector_load_idx %arg8[%add3A_496] : memref<4096xf32, #tpu.memory_space<vmem>>[vector<16xi32>], vector<16xf32>,
        %lt3A_498 = arith.cmpf olt, %gather3A_497, %get3A_473 : vector<16xf32>
        %add3A_499 = arith.constant 1 : i32
        %add3A_500 = vector.broadcast %add3A_499 : i32 to vector<16xi32>
        %add3A_501 = arith.addi %add3A_496, %add3A_500 : vector<16xi32>
        %select_n3A_502 = arith.select %lt3A_498, %add3A_501, %select_n3A_493 : vector<16xi1>, vector<16xi32>
        %add3A_503 = arith.constant 255 : i32
        %add3A_504 = vector.broadcast %add3A_503 : i32 to vector<16xi32>
        %add3A_505 = arith.addi %select_n3A_502, %add3A_504 : vector<16xi32>
        %gather3A_506 = tpu.vector_load_idx %arg8[%add3A_505] : memref<4096xf32, #tpu.memory_space<vmem>>[vector<16xi32>], vector<16xf32>,
        %lt3A_507 = arith.cmpf olt, %gather3A_506, %get3A_473 : vector<16xf32>
        %add3A_508 = arith.constant 1 : i32
        %add3A_509 = vector.broadcast %add3A_508 : i32 to vector<16xi32>
        %add3A_510 = arith.addi %add3A_505, %add3A_509 : vector<16xi32>
        %select_n3A_511 = arith.select %lt3A_507, %add3A_510, %select_n3A_502 : vector<16xi1>, vector<16xi32>
        %add3A_512 = arith.constant 127 : i32
        %add3A_513 = vector.broadcast %add3A_512 : i32 to vector<16xi32>
        %add3A_514 = arith.addi %select_n3A_511, %add3A_513 : vector<16xi32>
        %gather3A_515 = tpu.vector_load_idx %arg8[%add3A_514] : memref<4096xf32, #tpu.memory_space<vmem>>[vector<16xi32>], vector<16xf32>,
        %lt3A_516 = arith.cmpf olt, %gather3A_515, %get3A_473 : vector<16xf32>
        %add3A_517 = arith.constant 1 : i32
        %add3A_518 = vector.broadcast %add3A_517 : i32 to vector<16xi32>
        %add3A_519 = arith.addi %add3A_514, %add3A_518 : vector<16xi32>
        %select_n3A_520 = arith.select %lt3A_516, %add3A_519, %select_n3A_511 : vector<16xi1>, vector<16xi32>
        %add3A_521 = arith.constant 63 : i32
        %add3A_522 = vector.broadcast %add3A_521 : i32 to vector<16xi32>
        %add3A_523 = arith.addi %select_n3A_520, %add3A_522 : vector<16xi32>
        %gather3A_524 = tpu.vector_load_idx %arg8[%add3A_523] : memref<4096xf32, #tpu.memory_space<vmem>>[vector<16xi32>], vector<16xf32>,
        %lt3A_525 = arith.cmpf olt, %gather3A_524, %get3A_473 : vector<16xf32>
        %add3A_526 = arith.constant 1 : i32
        %add3A_527 = vector.broadcast %add3A_526 : i32 to vector<16xi32>
        %add3A_528 = arith.addi %add3A_523, %add3A_527 : vector<16xi32>
        %select_n3A_529 = arith.select %lt3A_525, %add3A_528, %select_n3A_520 : vector<16xi1>, vector<16xi32>
        %add3A_530 = arith.constant 31 : i32
        %add3A_531 = vector.broadcast %add3A_530 : i32 to vector<16xi32>
        %add3A_532 = arith.addi %select_n3A_529, %add3A_531 : vector<16xi32>
        %gather3A_533 = tpu.vector_load_idx %arg8[%add3A_532] : memref<4096xf32, #tpu.memory_space<vmem>>[vector<16xi32>], vector<16xf32>,
        %lt3A_534 = arith.cmpf olt, %gather3A_533, %get3A_473 : vector<16xf32>
        %add3A_535 = arith.constant 1 : i32
        %add3A_536 = vector.broadcast %add3A_535 : i32 to vector<16xi32>
        %add3A_537 = arith.addi %add3A_532, %add3A_536 : vector<16xi32>
        %select_n3A_538 = arith.select %lt3A_534, %add3A_537, %select_n3A_529 : vector<16xi1>, vector<16xi32>
        %add3A_539 = arith.constant 15 : i32
        %add3A_540 = vector.broadcast %add3A_539 : i32 to vector<16xi32>
        %add3A_541 = arith.addi %select_n3A_538, %add3A_540 : vector<16xi32>
        %gather3A_542 = tpu.vector_load_idx %arg8[%add3A_541] : memref<4096xf32, #tpu.memory_space<vmem>>[vector<16xi32>], vector<16xf32>,
        %lt3A_543 = arith.cmpf olt, %gather3A_542, %get3A_473 : vector<16xf32>
        %add3A_544 = arith.constant 1 : i32
        %add3A_545 = vector.broadcast %add3A_544 : i32 to vector<16xi32>
        %add3A_546 = arith.addi %add3A_541, %add3A_545 : vector<16xi32>
        %select_n3A_547 = arith.select %lt3A_543, %add3A_546, %select_n3A_538 : vector<16xi1>, vector<16xi32>
        %add3A_548 = arith.constant 7 : i32
        %add3A_549 = vector.broadcast %add3A_548 : i32 to vector<16xi32>
        %add3A_550 = arith.addi %select_n3A_547, %add3A_549 : vector<16xi32>
        %gather3A_551 = tpu.vector_load_idx %arg8[%add3A_550] : memref<4096xf32, #tpu.memory_space<vmem>>[vector<16xi32>], vector<16xf32>,
        %lt3A_552 = arith.cmpf olt, %gather3A_551, %get3A_473 : vector<16xf32>
        %add3A_553 = arith.constant 1 : i32
        %add3A_554 = vector.broadcast %add3A_553 : i32 to vector<16xi32>
        %add3A_555 = arith.addi %add3A_550, %add3A_554 : vector<16xi32>
        %select_n3A_556 = arith.select %lt3A_552, %add3A_555, %select_n3A_547 : vector<16xi1>, vector<16xi32>
        %add3A_557 = arith.constant 3 : i32
        %add3A_558 = vector.broadcast %add3A_557 : i32 to vector<16xi32>
        %add3A_559 = arith.addi %select_n3A_556, %add3A_558 : vector<16xi32>
        %gather3A_560 = tpu.vector_load_idx %arg8[%add3A_559] : memref<4096xf32, #tpu.memory_space<vmem>>[vector<16xi32>], vector<16xf32>,
        %lt3A_561 = arith.cmpf olt, %gather3A_560, %get3A_473 : vector<16xf32>
        %add3A_562 = arith.constant 1 : i32
        %add3A_563 = vector.broadcast %add3A_562 : i32 to vector<16xi32>
        %add3A_564 = arith.addi %add3A_559, %add3A_563 : vector<16xi32>
        %select_n3A_565 = arith.select %lt3A_561, %add3A_564, %select_n3A_556 : vector<16xi1>, vector<16xi32>
        %add3A_566 = arith.constant 1 : i32
        %add3A_567 = vector.broadcast %add3A_566 : i32 to vector<16xi32>
        %add3A_568 = arith.addi %select_n3A_565, %add3A_567 : vector<16xi32>
        %gather3A_569 = tpu.vector_load_idx %arg8[%add3A_568] : memref<4096xf32, #tpu.memory_space<vmem>>[vector<16xi32>], vector<16xf32>,
        %lt3A_570 = arith.cmpf olt, %gather3A_569, %get3A_473 : vector<16xf32>
        %add3A_571 = arith.constant 1 : i32
        %add3A_572 = vector.broadcast %add3A_571 : i32 to vector<16xi32>
        %add3A_573 = arith.addi %add3A_568, %add3A_572 : vector<16xi32>
        %select_n3A_574 = arith.select %lt3A_570, %add3A_573, %select_n3A_565 : vector<16xi1>, vector<16xi32>
        %add3A_575 = arith.constant 0 : i32
        %add3A_576 = vector.broadcast %add3A_575 : i32 to vector<16xi32>
        %add3A_577 = arith.addi %select_n3A_574, %add3A_576 : vector<16xi32>
        %gather3A_578 = tpu.vector_load_idx %arg8[%add3A_577] : memref<4096xf32, #tpu.memory_space<vmem>>[vector<16xi32>], vector<16xf32>,
        %lt3A_579 = arith.cmpf olt, %gather3A_578, %get3A_473 : vector<16xf32>
        %add3A_580 = arith.constant 1 : i32
        %add3A_581 = vector.broadcast %add3A_580 : i32 to vector<16xi32>
        %add3A_582 = arith.addi %add3A_577, %add3A_581 : vector<16xi32>
        %select_n3A_583 = arith.select %lt3A_579, %add3A_582, %select_n3A_574 : vector<16xi1>, vector<16xi32>
        %mul3A_584 = arith.constant 16 : i32
        %mul3A_585 = arith.muli %add3A_469, %mul3A_584 : i32
        %add3A_586 = arith.constant 1 : i32
        %add3A_587 = arith.addi %mul3A_585, %add3A_586 : i32
        %add3A_588 = vector.broadcast %add3A_587 : i32 to vector<16xi32>
        %add3A_589 = arith.addi %add3A_588, %iota3A_63 : vector<16xi32>
        %sub3A_590 = arith.subi %add3A_589, %select_n3A_583 : vector<16xi32>
        %convert_element_type3A_591 = arith.sitofp %sub3A_590 : vector<16xi32> to vector<16xf32>
        %mul3A_592 = arith.mulf %convert_element_type3A_591, %convert_element_type3A_591 : vector<16xf32>
        %mul3A_593 = arith.mulf %mul3A_592, %get3A_473 : vector<16xf32>
        %add3A_594 = arith.addf %add3A_465, %mul3A_593 : vector<16xf32>
        scf.yield %add3A_594 : vector<16xf32>
      }
      %scan3A_69 = arith.constant 64 : i32
      %dma_wait3A_70 = arith.constant 0 : i32
      %dma_wait3A_71 = tpu.memref_slice %arg2[%min3A_50, %dma_wait3A_70] : memref<768x4096xf32, #tpu.memory_space<hbm>> -> memref<1x4096xf32, #tpu.memory_space<hbm>>
      %dma_wait3A_72 = tpu.memref_squeeze %dma_wait3A_71 : memref<1x4096xf32, #tpu.memory_space<hbm>> -> memref<4096xf32, #tpu.memory_space<hbm>>
      %dma_wait3A_73 = arith.constant 0 : i32
      %dma_wait3A_74 = tpu.memref_slice %arg2[%min3A_50, %dma_wait3A_73] : memref<768x4096xf32, #tpu.memory_space<hbm>> -> memref<1x4096xf32, #tpu.memory_space<hbm>>
      %dma_wait3A_75 = tpu.memref_squeeze %dma_wait3A_74 : memref<1x4096xf32, #tpu.memory_space<hbm>> -> memref<4096xf32, #tpu.memory_space<hbm>>
      tpu.wait_dma2 semaphore(%arg10 : memref<!tpu.dma_semaphore, #tpu.memory_space<semaphore_mem>>) src(%dma_wait3A_75 : memref<4096xf32, #tpu.memory_space<hbm>>) dst(%arg5 : memref<4096xf32, #tpu.memory_space<vmem>>)
      %dma_wait3A_76 = arith.constant 0 : i32
      %dma_wait3A_77 = tpu.memref_slice %arg3[%min3A_50, %dma_wait3A_76] : memref<768x4096xf32, #tpu.memory_space<hbm>> -> memref<1x4096xf32, #tpu.memory_space<hbm>>
      %dma_wait3A_78 = tpu.memref_squeeze %dma_wait3A_77 : memref<1x4096xf32, #tpu.memory_space<hbm>> -> memref<4096xf32, #tpu.memory_space<hbm>>
      %dma_wait3A_79 = arith.constant 0 : i32
      %dma_wait3A_80 = tpu.memref_slice %arg3[%min3A_50, %dma_wait3A_79] : memref<768x4096xf32, #tpu.memory_space<hbm>> -> memref<1x4096xf32, #tpu.memory_space<hbm>>
      %dma_wait3A_81 = tpu.memref_squeeze %dma_wait3A_80 : memref<1x4096xf32, #tpu.memory_space<hbm>> -> memref<4096xf32, #tpu.memory_space<hbm>>
      tpu.wait_dma2 semaphore(%arg10 : memref<!tpu.dma_semaphore, #tpu.memory_space<semaphore_mem>>) src(%dma_wait3A_81 : memref<4096xf32, #tpu.memory_space<hbm>>) dst(%arg6 : memref<4096xf32, #tpu.memory_space<vmem>>)
      scf.yield %scan3A_68 : vector<16xf32>
    }
    %scan3A_11 = arith.constant 12 : i32
    %swap3A = arith.constant 0 : index
    %swap3A_12 = tpu.vector_load %arg9[%swap3A] {strides = array<i32>} : memref<16xf32, #tpu.memory_space<vmem>>, vector<16xf32>,
    tpu.vector_store %arg9[%swap3A], %scan3A_10 {strides = array<i32>} : memref<16xf32, #tpu.memory_space<vmem>>, vector<16xf32>,
    "tpu.region"() ({
      %run_scoped3A = tpu.sem_alloc : memref<!tpu.dma_semaphore, #tpu.memory_space<semaphore_mem>>
      %dma_start3A = arith.constant 0 : i32
      %dma_start3A_13 = tpu.memref_slice %arg4[%add3A, %dma_start3A] : memref<32x16xf32, #tpu.memory_space<hbm>> -> memref<1x16xf32, #tpu.memory_space<hbm>>
      %dma_start3A_14 = tpu.memref_squeeze %dma_start3A_13 : memref<1x16xf32, #tpu.memory_space<hbm>> -> memref<16xf32, #tpu.memory_space<hbm>>
      %dma_start3A_15 = arith.constant 0 : i32
      %dma_start3A_16 = tpu.memref_slice %arg4[%add3A, %dma_start3A_15] : memref<32x16xf32, #tpu.memory_space<hbm>> -> memref<1x16xf32, #tpu.memory_space<hbm>>
      %dma_start3A_17 = tpu.memref_squeeze %dma_start3A_16 : memref<1x16xf32, #tpu.memory_space<hbm>> -> memref<16xf32, #tpu.memory_space<hbm>>
      tpu.enqueue_dma source(%arg9 : memref<16xf32, #tpu.memory_space<vmem>>) target(%dma_start3A_17 : memref<16xf32, #tpu.memory_space<hbm>>) target_semaphore(%run_scoped3A : memref<!tpu.dma_semaphore, #tpu.memory_space<semaphore_mem>>)
      %dma_wait3A = arith.constant 0 : i32
      %dma_wait3A_18 = tpu.memref_slice %arg4[%add3A, %dma_wait3A] : memref<32x16xf32, #tpu.memory_space<hbm>> -> memref<1x16xf32, #tpu.memory_space<hbm>>
      %dma_wait3A_19 = tpu.memref_squeeze %dma_wait3A_18 : memref<1x16xf32, #tpu.memory_space<hbm>> -> memref<16xf32, #tpu.memory_space<hbm>>
      %dma_wait3A_20 = arith.constant 0 : i32
      %dma_wait3A_21 = tpu.memref_slice %arg4[%add3A, %dma_wait3A_20] : memref<32x16xf32, #tpu.memory_space<hbm>> -> memref<1x16xf32, #tpu.memory_space<hbm>>
      %dma_wait3A_22 = tpu.memref_squeeze %dma_wait3A_21 : memref<1x16xf32, #tpu.memory_space<hbm>> -> memref<16xf32, #tpu.memory_space<hbm>>
      tpu.wait_dma2 semaphore(%run_scoped3A : memref<!tpu.dma_semaphore, #tpu.memory_space<semaphore_mem>>) src(%arg9 : memref<16xf32, #tpu.memory_space<vmem>>) dst(%dma_wait3A_22 : memref<16xf32, #tpu.memory_space<hbm>>)
      tpu.yield
    }) : () -> ()
    return
  }
}

module attributes {stable_mosaic.version = 14 : i64} {
  func.func @_tc_prep_body(%arg0: i32, %arg1: memref<4096x256xf32, #tpu.memory_space<vmem>>, %arg2: memref<4096x256xf32, #tpu.memory_space<vmem>>, %arg3: memref<256x4096xf32, #tpu.memory_space<vmem>>, %arg4: memref<256x4096xf32, #tpu.memory_space<vmem>>) attributes {dimension_semantics = [#tpu.dimension_semantics<arbitrary>], iteration_bounds = array<i64: 3>, scalar_prefetch = 0 : i64, scratch_operands = 0 : i64, tpu.core_type = #tpu.core_type<tc>, window_params = [{transform_indices = @transform_0, window_bounds = array<i64: 4096, 256>}, {transform_indices = @transform_1, window_bounds = array<i64: 4096, 256>}, {transform_indices = @transform_2, window_bounds = array<i64: 256, 4096>}, {transform_indices = @transform_3, window_bounds = array<i64: 256, 4096>}]} {
    %get3A = arith.constant 0 : index
    %get3A_0 = arith.constant 0 : index
    %get3A_1 = vector.load %arg1[%get3A, %get3A_0] : memref<4096x256xf32, #tpu.memory_space<vmem>>, vector<4096x256xf32>
    %get3A_2 = arith.constant 0 : index
    %get3A_3 = arith.constant 0 : index
    %get3A_4 = vector.load %arg2[%get3A_2, %get3A_3] : memref<4096x256xf32, #tpu.memory_space<vmem>>, vector<4096x256xf32>
    %reduce_min3A = arith.constant dense<0x7F800000> : vector<256xf32>
    %reduce_min3A_5 = vector.multi_reduction <minimumf>, %get3A_1, %reduce_min3A [0] : vector<4096x256xf32> to vector<256xf32>
    %broadcast_in_dim3A = vector.shape_cast %reduce_min3A_5 : vector<256xf32> to vector<1x256xf32>
    %reduce_min3A_6 = arith.constant dense<0x7F800000> : vector<256xf32>
    %reduce_min3A_7 = vector.multi_reduction <minimumf>, %get3A_4, %reduce_min3A_6 [0] : vector<4096x256xf32> to vector<256xf32>
    %broadcast_in_dim3A_8 = vector.shape_cast %reduce_min3A_7 : vector<256xf32> to vector<1x256xf32>
    %min3A = arith.minimumf %broadcast_in_dim3A, %broadcast_in_dim3A_8 : vector<1x256xf32>
    %iota3A = tpu.iota {dimensions = array<i32: 0>} : vector<4096x256xi32>
    %lt3A = arith.constant 4095 : i32
    %lt3A_9 = vector.broadcast %lt3A : i32 to vector<4096x256xi32>
    %lt3A_10 = arith.cmpi slt, %iota3A, %lt3A_9 : vector<4096x256xi32>
    %broadcast_in_dim3A_11 = arith.constant 0.000000e+00 : f32
    %broadcast_in_dim3A_12 = vector.broadcast %broadcast_in_dim3A_11 : f32 to vector<1x256xf32>
    %iota3A_13 = tpu.iota {dimensions = array<i32: 0>} : vector<128x128xi32>
    %iota3A_14 = tpu.iota {dimensions = array<i32: 1>} : vector<128x128xi32>
    %le3A = arith.cmpi sle, %iota3A_13, %iota3A_14 : vector<128x128xi32>
    %convert_element_type3A = arith.extui %le3A : vector<128x128xi1> to vector<128x128xi32>
    %convert_element_type3A_15 = arith.sitofp %convert_element_type3A : vector<128x128xi32> to vector<128x128xf32>
    %iota3A_16 = tpu.iota {dimensions = array<i32: 1>} : vector<256x4096xi32>
    %lt3A_17 = arith.constant 4095 : i32
    %lt3A_18 = vector.broadcast %lt3A_17 : i32 to vector<256x4096xi32>
    %lt3A_19 = arith.cmpi slt, %iota3A_16, %lt3A_18 : vector<256x4096xi32>
    %sub3A = vector.broadcast %min3A : vector<1x256xf32> to vector<4096x256xf32>
    %sub3A_20 = arith.subf %get3A_1, %sub3A : vector<4096x256xf32>
    %slice3A = vector.extract_strided_slice %sub3A_20 {offsets = [1, 0], sizes = [4095, 256], strides = [1, 1]} : vector<4096x256xf32> to vector<4095x256xf32>
    %concatenate3A = tpu.concatenate %slice3A, %broadcast_in_dim3A_12 in 0 : vector<4095x256xf32>, vector<1x256xf32> -> vector<4096x256xf32>
    %add3A = arith.addf %sub3A_20, %concatenate3A : vector<4096x256xf32>
    %mul3A = arith.constant 5.000000e-01 : f32
    %mul3A_21 = vector.broadcast %mul3A : f32 to vector<4096x256xf32>
    %mul3A_22 = arith.mulf %add3A, %mul3A_21 : vector<4096x256xf32>
    %jit3A = arith.constant 0.000000e+00 : f32
    %broadcast_in_dim3A_23 = vector.broadcast %jit3A : f32 to vector<4096x256xf32>
    %select_n3A = arith.select %lt3A_10, %mul3A_22, %broadcast_in_dim3A_23 : vector<4096x256xi1>, vector<4096x256xf32>
    %broadcast_in_dim3A_24 = arith.constant 0.000000e+00 : f32
    %broadcast_in_dim3A_25 = vector.broadcast %broadcast_in_dim3A_24 : f32 to vector<256x1xf32>
    %slice3A_26 = vector.extract_strided_slice %select_n3A {offsets = [0, 0], sizes = [128, 256], strides = [1, 1]} : vector<4096x256xf32> to vector<128x256xf32>
    %dot_general3A = arith.constant dense<0.000000e+00> : vector<256x128xf32>
    %dot_general3A_27 = tpu.matmul %slice3A_26, %convert_element_type3A_15, %dot_general3A {dimension_numbers = #tpu.dot_dimension_numbers<[0], [0], [1], [1], [0, 1, 1, 1], [], []>, transpose_lhs_hint = false} : vector<128x256xf32>, vector<128x128xf32>, vector<256x128xf32> -> vector<256x128xf32>
    %add3A_28 = vector.broadcast %broadcast_in_dim3A_25 : vector<256x1xf32> to vector<256x128xf32>
    %add3A_29 = arith.addf %dot_general3A_27, %add3A_28 : vector<256x128xf32>
    %slice3A_30 = vector.extract_strided_slice %add3A_29 {offsets = [0, 127], sizes = [256, 1], strides = [1, 1]} : vector<256x128xf32> to vector<256x1xf32>
    %slice3A_31 = vector.extract_strided_slice %select_n3A {offsets = [128, 0], sizes = [128, 256], strides = [1, 1]} : vector<4096x256xf32> to vector<128x256xf32>
    %dot_general3A_32 = arith.constant dense<0.000000e+00> : vector<256x128xf32>
    %dot_general3A_33 = tpu.matmul %slice3A_31, %convert_element_type3A_15, %dot_general3A_32 {dimension_numbers = #tpu.dot_dimension_numbers<[0], [0], [1], [1], [0, 1, 1, 1], [], []>, transpose_lhs_hint = false} : vector<128x256xf32>, vector<128x128xf32>, vector<256x128xf32> -> vector<256x128xf32>
    %add3A_34 = vector.broadcast %slice3A_30 : vector<256x1xf32> to vector<256x128xf32>
    %add3A_35 = arith.addf %dot_general3A_33, %add3A_34 : vector<256x128xf32>
    %slice3A_36 = vector.extract_strided_slice %add3A_35 {offsets = [0, 127], sizes = [256, 1], strides = [1, 1]} : vector<256x128xf32> to vector<256x1xf32>
    %slice3A_37 = vector.extract_strided_slice %select_n3A {offsets = [256, 0], sizes = [128, 256], strides = [1, 1]} : vector<4096x256xf32> to vector<128x256xf32>
    %dot_general3A_38 = arith.constant dense<0.000000e+00> : vector<256x128xf32>
    %dot_general3A_39 = tpu.matmul %slice3A_37, %convert_element_type3A_15, %dot_general3A_38 {dimension_numbers = #tpu.dot_dimension_numbers<[0], [0], [1], [1], [0, 1, 1, 1], [], []>, transpose_lhs_hint = false} : vector<128x256xf32>, vector<128x128xf32>, vector<256x128xf32> -> vector<256x128xf32>
    %add3A_40 = vector.broadcast %slice3A_36 : vector<256x1xf32> to vector<256x128xf32>
    %add3A_41 = arith.addf %dot_general3A_39, %add3A_40 : vector<256x128xf32>
    %slice3A_42 = vector.extract_strided_slice %add3A_41 {offsets = [0, 127], sizes = [256, 1], strides = [1, 1]} : vector<256x128xf32> to vector<256x1xf32>
    %slice3A_43 = vector.extract_strided_slice %select_n3A {offsets = [384, 0], sizes = [128, 256], strides = [1, 1]} : vector<4096x256xf32> to vector<128x256xf32>
    %dot_general3A_44 = arith.constant dense<0.000000e+00> : vector<256x128xf32>
    %dot_general3A_45 = tpu.matmul %slice3A_43, %convert_element_type3A_15, %dot_general3A_44 {dimension_numbers = #tpu.dot_dimension_numbers<[0], [0], [1], [1], [0, 1, 1, 1], [], []>, transpose_lhs_hint = false} : vector<128x256xf32>, vector<128x128xf32>, vector<256x128xf32> -> vector<256x128xf32>
    %add3A_46 = vector.broadcast %slice3A_42 : vector<256x1xf32> to vector<256x128xf32>
    %add3A_47 = arith.addf %dot_general3A_45, %add3A_46 : vector<256x128xf32>
    %slice3A_48 = vector.extract_strided_slice %add3A_47 {offsets = [0, 127], sizes = [256, 1], strides = [1, 1]} : vector<256x128xf32> to vector<256x1xf32>
    %slice3A_49 = vector.extract_strided_slice %select_n3A {offsets = [512, 0], sizes = [128, 256], strides = [1, 1]} : vector<4096x256xf32> to vector<128x256xf32>
    %dot_general3A_50 = arith.constant dense<0.000000e+00> : vector<256x128xf32>
    %dot_general3A_51 = tpu.matmul %slice3A_49, %convert_element_type3A_15, %dot_general3A_50 {dimension_numbers = #tpu.dot_dimension_numbers<[0], [0], [1], [1], [0, 1, 1, 1], [], []>, transpose_lhs_hint = false} : vector<128x256xf32>, vector<128x128xf32>, vector<256x128xf32> -> vector<256x128xf32>
    %add3A_52 = vector.broadcast %slice3A_48 : vector<256x1xf32> to vector<256x128xf32>
    %add3A_53 = arith.addf %dot_general3A_51, %add3A_52 : vector<256x128xf32>
    %slice3A_54 = vector.extract_strided_slice %add3A_53 {offsets = [0, 127], sizes = [256, 1], strides = [1, 1]} : vector<256x128xf32> to vector<256x1xf32>
    %slice3A_55 = vector.extract_strided_slice %select_n3A {offsets = [640, 0], sizes = [128, 256], strides = [1, 1]} : vector<4096x256xf32> to vector<128x256xf32>
    %dot_general3A_56 = arith.constant dense<0.000000e+00> : vector<256x128xf32>
    %dot_general3A_57 = tpu.matmul %slice3A_55, %convert_element_type3A_15, %dot_general3A_56 {dimension_numbers = #tpu.dot_dimension_numbers<[0], [0], [1], [1], [0, 1, 1, 1], [], []>, transpose_lhs_hint = false} : vector<128x256xf32>, vector<128x128xf32>, vector<256x128xf32> -> vector<256x128xf32>
    %add3A_58 = vector.broadcast %slice3A_54 : vector<256x1xf32> to vector<256x128xf32>
    %add3A_59 = arith.addf %dot_general3A_57, %add3A_58 : vector<256x128xf32>
    %slice3A_60 = vector.extract_strided_slice %add3A_59 {offsets = [0, 127], sizes = [256, 1], strides = [1, 1]} : vector<256x128xf32> to vector<256x1xf32>
    %slice3A_61 = vector.extract_strided_slice %select_n3A {offsets = [768, 0], sizes = [128, 256], strides = [1, 1]} : vector<4096x256xf32> to vector<128x256xf32>
    %dot_general3A_62 = arith.constant dense<0.000000e+00> : vector<256x128xf32>
    %dot_general3A_63 = tpu.matmul %slice3A_61, %convert_element_type3A_15, %dot_general3A_62 {dimension_numbers = #tpu.dot_dimension_numbers<[0], [0], [1], [1], [0, 1, 1, 1], [], []>, transpose_lhs_hint = false} : vector<128x256xf32>, vector<128x128xf32>, vector<256x128xf32> -> vector<256x128xf32>
    %add3A_64 = vector.broadcast %slice3A_60 : vector<256x1xf32> to vector<256x128xf32>
    %add3A_65 = arith.addf %dot_general3A_63, %add3A_64 : vector<256x128xf32>
    %slice3A_66 = vector.extract_strided_slice %add3A_65 {offsets = [0, 127], sizes = [256, 1], strides = [1, 1]} : vector<256x128xf32> to vector<256x1xf32>
    %slice3A_67 = vector.extract_strided_slice %select_n3A {offsets = [896, 0], sizes = [128, 256], strides = [1, 1]} : vector<4096x256xf32> to vector<128x256xf32>
    %dot_general3A_68 = arith.constant dense<0.000000e+00> : vector<256x128xf32>
    %dot_general3A_69 = tpu.matmul %slice3A_67, %convert_element_type3A_15, %dot_general3A_68 {dimension_numbers = #tpu.dot_dimension_numbers<[0], [0], [1], [1], [0, 1, 1, 1], [], []>, transpose_lhs_hint = false} : vector<128x256xf32>, vector<128x128xf32>, vector<256x128xf32> -> vector<256x128xf32>
    %add3A_70 = vector.broadcast %slice3A_66 : vector<256x1xf32> to vector<256x128xf32>
    %add3A_71 = arith.addf %dot_general3A_69, %add3A_70 : vector<256x128xf32>
    %slice3A_72 = vector.extract_strided_slice %add3A_71 {offsets = [0, 127], sizes = [256, 1], strides = [1, 1]} : vector<256x128xf32> to vector<256x1xf32>
    %slice3A_73 = vector.extract_strided_slice %select_n3A {offsets = [1024, 0], sizes = [128, 256], strides = [1, 1]} : vector<4096x256xf32> to vector<128x256xf32>
    %dot_general3A_74 = arith.constant dense<0.000000e+00> : vector<256x128xf32>
    %dot_general3A_75 = tpu.matmul %slice3A_73, %convert_element_type3A_15, %dot_general3A_74 {dimension_numbers = #tpu.dot_dimension_numbers<[0], [0], [1], [1], [0, 1, 1, 1], [], []>, transpose_lhs_hint = false} : vector<128x256xf32>, vector<128x128xf32>, vector<256x128xf32> -> vector<256x128xf32>
    %add3A_76 = vector.broadcast %slice3A_72 : vector<256x1xf32> to vector<256x128xf32>
    %add3A_77 = arith.addf %dot_general3A_75, %add3A_76 : vector<256x128xf32>
    %slice3A_78 = vector.extract_strided_slice %add3A_77 {offsets = [0, 127], sizes = [256, 1], strides = [1, 1]} : vector<256x128xf32> to vector<256x1xf32>
    %slice3A_79 = vector.extract_strided_slice %select_n3A {offsets = [1152, 0], sizes = [128, 256], strides = [1, 1]} : vector<4096x256xf32> to vector<128x256xf32>
    %dot_general3A_80 = arith.constant dense<0.000000e+00> : vector<256x128xf32>
    %dot_general3A_81 = tpu.matmul %slice3A_79, %convert_element_type3A_15, %dot_general3A_80 {dimension_numbers = #tpu.dot_dimension_numbers<[0], [0], [1], [1], [0, 1, 1, 1], [], []>, transpose_lhs_hint = false} : vector<128x256xf32>, vector<128x128xf32>, vector<256x128xf32> -> vector<256x128xf32>
    %add3A_82 = vector.broadcast %slice3A_78 : vector<256x1xf32> to vector<256x128xf32>
    %add3A_83 = arith.addf %dot_general3A_81, %add3A_82 : vector<256x128xf32>
    %slice3A_84 = vector.extract_strided_slice %add3A_83 {offsets = [0, 127], sizes = [256, 1], strides = [1, 1]} : vector<256x128xf32> to vector<256x1xf32>
    %slice3A_85 = vector.extract_strided_slice %select_n3A {offsets = [1280, 0], sizes = [128, 256], strides = [1, 1]} : vector<4096x256xf32> to vector<128x256xf32>
    %dot_general3A_86 = arith.constant dense<0.000000e+00> : vector<256x128xf32>
    %dot_general3A_87 = tpu.matmul %slice3A_85, %convert_element_type3A_15, %dot_general3A_86 {dimension_numbers = #tpu.dot_dimension_numbers<[0], [0], [1], [1], [0, 1, 1, 1], [], []>, transpose_lhs_hint = false} : vector<128x256xf32>, vector<128x128xf32>, vector<256x128xf32> -> vector<256x128xf32>
    %add3A_88 = vector.broadcast %slice3A_84 : vector<256x1xf32> to vector<256x128xf32>
    %add3A_89 = arith.addf %dot_general3A_87, %add3A_88 : vector<256x128xf32>
    %slice3A_90 = vector.extract_strided_slice %add3A_89 {offsets = [0, 127], sizes = [256, 1], strides = [1, 1]} : vector<256x128xf32> to vector<256x1xf32>
    %slice3A_91 = vector.extract_strided_slice %select_n3A {offsets = [1408, 0], sizes = [128, 256], strides = [1, 1]} : vector<4096x256xf32> to vector<128x256xf32>
    %dot_general3A_92 = arith.constant dense<0.000000e+00> : vector<256x128xf32>
    %dot_general3A_93 = tpu.matmul %slice3A_91, %convert_element_type3A_15, %dot_general3A_92 {dimension_numbers = #tpu.dot_dimension_numbers<[0], [0], [1], [1], [0, 1, 1, 1], [], []>, transpose_lhs_hint = false} : vector<128x256xf32>, vector<128x128xf32>, vector<256x128xf32> -> vector<256x128xf32>
    %add3A_94 = vector.broadcast %slice3A_90 : vector<256x1xf32> to vector<256x128xf32>
    %add3A_95 = arith.addf %dot_general3A_93, %add3A_94 : vector<256x128xf32>
    %slice3A_96 = vector.extract_strided_slice %add3A_95 {offsets = [0, 127], sizes = [256, 1], strides = [1, 1]} : vector<256x128xf32> to vector<256x1xf32>
    %slice3A_97 = vector.extract_strided_slice %select_n3A {offsets = [1536, 0], sizes = [128, 256], strides = [1, 1]} : vector<4096x256xf32> to vector<128x256xf32>
    %dot_general3A_98 = arith.constant dense<0.000000e+00> : vector<256x128xf32>
    %dot_general3A_99 = tpu.matmul %slice3A_97, %convert_element_type3A_15, %dot_general3A_98 {dimension_numbers = #tpu.dot_dimension_numbers<[0], [0], [1], [1], [0, 1, 1, 1], [], []>, transpose_lhs_hint = false} : vector<128x256xf32>, vector<128x128xf32>, vector<256x128xf32> -> vector<256x128xf32>
    %add3A_100 = vector.broadcast %slice3A_96 : vector<256x1xf32> to vector<256x128xf32>
    %add3A_101 = arith.addf %dot_general3A_99, %add3A_100 : vector<256x128xf32>
    %slice3A_102 = vector.extract_strided_slice %add3A_101 {offsets = [0, 127], sizes = [256, 1], strides = [1, 1]} : vector<256x128xf32> to vector<256x1xf32>
    %slice3A_103 = vector.extract_strided_slice %select_n3A {offsets = [1664, 0], sizes = [128, 256], strides = [1, 1]} : vector<4096x256xf32> to vector<128x256xf32>
    %dot_general3A_104 = arith.constant dense<0.000000e+00> : vector<256x128xf32>
    %dot_general3A_105 = tpu.matmul %slice3A_103, %convert_element_type3A_15, %dot_general3A_104 {dimension_numbers = #tpu.dot_dimension_numbers<[0], [0], [1], [1], [0, 1, 1, 1], [], []>, transpose_lhs_hint = false} : vector<128x256xf32>, vector<128x128xf32>, vector<256x128xf32> -> vector<256x128xf32>
    %add3A_106 = vector.broadcast %slice3A_102 : vector<256x1xf32> to vector<256x128xf32>
    %add3A_107 = arith.addf %dot_general3A_105, %add3A_106 : vector<256x128xf32>
    %slice3A_108 = vector.extract_strided_slice %add3A_107 {offsets = [0, 127], sizes = [256, 1], strides = [1, 1]} : vector<256x128xf32> to vector<256x1xf32>
    %slice3A_109 = vector.extract_strided_slice %select_n3A {offsets = [1792, 0], sizes = [128, 256], strides = [1, 1]} : vector<4096x256xf32> to vector<128x256xf32>
    %dot_general3A_110 = arith.constant dense<0.000000e+00> : vector<256x128xf32>
    %dot_general3A_111 = tpu.matmul %slice3A_109, %convert_element_type3A_15, %dot_general3A_110 {dimension_numbers = #tpu.dot_dimension_numbers<[0], [0], [1], [1], [0, 1, 1, 1], [], []>, transpose_lhs_hint = false} : vector<128x256xf32>, vector<128x128xf32>, vector<256x128xf32> -> vector<256x128xf32>
    %add3A_112 = vector.broadcast %slice3A_108 : vector<256x1xf32> to vector<256x128xf32>
    %add3A_113 = arith.addf %dot_general3A_111, %add3A_112 : vector<256x128xf32>
    %slice3A_114 = vector.extract_strided_slice %add3A_113 {offsets = [0, 127], sizes = [256, 1], strides = [1, 1]} : vector<256x128xf32> to vector<256x1xf32>
    %slice3A_115 = vector.extract_strided_slice %select_n3A {offsets = [1920, 0], sizes = [128, 256], strides = [1, 1]} : vector<4096x256xf32> to vector<128x256xf32>
    %dot_general3A_116 = arith.constant dense<0.000000e+00> : vector<256x128xf32>
    %dot_general3A_117 = tpu.matmul %slice3A_115, %convert_element_type3A_15, %dot_general3A_116 {dimension_numbers = #tpu.dot_dimension_numbers<[0], [0], [1], [1], [0, 1, 1, 1], [], []>, transpose_lhs_hint = false} : vector<128x256xf32>, vector<128x128xf32>, vector<256x128xf32> -> vector<256x128xf32>
    %add3A_118 = vector.broadcast %slice3A_114 : vector<256x1xf32> to vector<256x128xf32>
    %add3A_119 = arith.addf %dot_general3A_117, %add3A_118 : vector<256x128xf32>
    %slice3A_120 = vector.extract_strided_slice %add3A_119 {offsets = [0, 127], sizes = [256, 1], strides = [1, 1]} : vector<256x128xf32> to vector<256x1xf32>
    %slice3A_121 = vector.extract_strided_slice %select_n3A {offsets = [2048, 0], sizes = [128, 256], strides = [1, 1]} : vector<4096x256xf32> to vector<128x256xf32>
    %dot_general3A_122 = arith.constant dense<0.000000e+00> : vector<256x128xf32>
    %dot_general3A_123 = tpu.matmul %slice3A_121, %convert_element_type3A_15, %dot_general3A_122 {dimension_numbers = #tpu.dot_dimension_numbers<[0], [0], [1], [1], [0, 1, 1, 1], [], []>, transpose_lhs_hint = false} : vector<128x256xf32>, vector<128x128xf32>, vector<256x128xf32> -> vector<256x128xf32>
    %add3A_124 = vector.broadcast %slice3A_120 : vector<256x1xf32> to vector<256x128xf32>
    %add3A_125 = arith.addf %dot_general3A_123, %add3A_124 : vector<256x128xf32>
    %slice3A_126 = vector.extract_strided_slice %add3A_125 {offsets = [0, 127], sizes = [256, 1], strides = [1, 1]} : vector<256x128xf32> to vector<256x1xf32>
    %slice3A_127 = vector.extract_strided_slice %select_n3A {offsets = [2176, 0], sizes = [128, 256], strides = [1, 1]} : vector<4096x256xf32> to vector<128x256xf32>
    %dot_general3A_128 = arith.constant dense<0.000000e+00> : vector<256x128xf32>
    %dot_general3A_129 = tpu.matmul %slice3A_127, %convert_element_type3A_15, %dot_general3A_128 {dimension_numbers = #tpu.dot_dimension_numbers<[0], [0], [1], [1], [0, 1, 1, 1], [], []>, transpose_lhs_hint = false} : vector<128x256xf32>, vector<128x128xf32>, vector<256x128xf32> -> vector<256x128xf32>
    %add3A_130 = vector.broadcast %slice3A_126 : vector<256x1xf32> to vector<256x128xf32>
    %add3A_131 = arith.addf %dot_general3A_129, %add3A_130 : vector<256x128xf32>
    %slice3A_132 = vector.extract_strided_slice %add3A_131 {offsets = [0, 127], sizes = [256, 1], strides = [1, 1]} : vector<256x128xf32> to vector<256x1xf32>
    %slice3A_133 = vector.extract_strided_slice %select_n3A {offsets = [2304, 0], sizes = [128, 256], strides = [1, 1]} : vector<4096x256xf32> to vector<128x256xf32>
    %dot_general3A_134 = arith.constant dense<0.000000e+00> : vector<256x128xf32>
    %dot_general3A_135 = tpu.matmul %slice3A_133, %convert_element_type3A_15, %dot_general3A_134 {dimension_numbers = #tpu.dot_dimension_numbers<[0], [0], [1], [1], [0, 1, 1, 1], [], []>, transpose_lhs_hint = false} : vector<128x256xf32>, vector<128x128xf32>, vector<256x128xf32> -> vector<256x128xf32>
    %add3A_136 = vector.broadcast %slice3A_132 : vector<256x1xf32> to vector<256x128xf32>
    %add3A_137 = arith.addf %dot_general3A_135, %add3A_136 : vector<256x128xf32>
    %slice3A_138 = vector.extract_strided_slice %add3A_137 {offsets = [0, 127], sizes = [256, 1], strides = [1, 1]} : vector<256x128xf32> to vector<256x1xf32>
    %slice3A_139 = vector.extract_strided_slice %select_n3A {offsets = [2432, 0], sizes = [128, 256], strides = [1, 1]} : vector<4096x256xf32> to vector<128x256xf32>
    %dot_general3A_140 = arith.constant dense<0.000000e+00> : vector<256x128xf32>
    %dot_general3A_141 = tpu.matmul %slice3A_139, %convert_element_type3A_15, %dot_general3A_140 {dimension_numbers = #tpu.dot_dimension_numbers<[0], [0], [1], [1], [0, 1, 1, 1], [], []>, transpose_lhs_hint = false} : vector<128x256xf32>, vector<128x128xf32>, vector<256x128xf32> -> vector<256x128xf32>
    %add3A_142 = vector.broadcast %slice3A_138 : vector<256x1xf32> to vector<256x128xf32>
    %add3A_143 = arith.addf %dot_general3A_141, %add3A_142 : vector<256x128xf32>
    %slice3A_144 = vector.extract_strided_slice %add3A_143 {offsets = [0, 127], sizes = [256, 1], strides = [1, 1]} : vector<256x128xf32> to vector<256x1xf32>
    %slice3A_145 = vector.extract_strided_slice %select_n3A {offsets = [2560, 0], sizes = [128, 256], strides = [1, 1]} : vector<4096x256xf32> to vector<128x256xf32>
    %dot_general3A_146 = arith.constant dense<0.000000e+00> : vector<256x128xf32>
    %dot_general3A_147 = tpu.matmul %slice3A_145, %convert_element_type3A_15, %dot_general3A_146 {dimension_numbers = #tpu.dot_dimension_numbers<[0], [0], [1], [1], [0, 1, 1, 1], [], []>, transpose_lhs_hint = false} : vector<128x256xf32>, vector<128x128xf32>, vector<256x128xf32> -> vector<256x128xf32>
    %add3A_148 = vector.broadcast %slice3A_144 : vector<256x1xf32> to vector<256x128xf32>
    %add3A_149 = arith.addf %dot_general3A_147, %add3A_148 : vector<256x128xf32>
    %slice3A_150 = vector.extract_strided_slice %add3A_149 {offsets = [0, 127], sizes = [256, 1], strides = [1, 1]} : vector<256x128xf32> to vector<256x1xf32>
    %slice3A_151 = vector.extract_strided_slice %select_n3A {offsets = [2688, 0], sizes = [128, 256], strides = [1, 1]} : vector<4096x256xf32> to vector<128x256xf32>
    %dot_general3A_152 = arith.constant dense<0.000000e+00> : vector<256x128xf32>
    %dot_general3A_153 = tpu.matmul %slice3A_151, %convert_element_type3A_15, %dot_general3A_152 {dimension_numbers = #tpu.dot_dimension_numbers<[0], [0], [1], [1], [0, 1, 1, 1], [], []>, transpose_lhs_hint = false} : vector<128x256xf32>, vector<128x128xf32>, vector<256x128xf32> -> vector<256x128xf32>
    %add3A_154 = vector.broadcast %slice3A_150 : vector<256x1xf32> to vector<256x128xf32>
    %add3A_155 = arith.addf %dot_general3A_153, %add3A_154 : vector<256x128xf32>
    %slice3A_156 = vector.extract_strided_slice %add3A_155 {offsets = [0, 127], sizes = [256, 1], strides = [1, 1]} : vector<256x128xf32> to vector<256x1xf32>
    %slice3A_157 = vector.extract_strided_slice %select_n3A {offsets = [2816, 0], sizes = [128, 256], strides = [1, 1]} : vector<4096x256xf32> to vector<128x256xf32>
    %dot_general3A_158 = arith.constant dense<0.000000e+00> : vector<256x128xf32>
    %dot_general3A_159 = tpu.matmul %slice3A_157, %convert_element_type3A_15, %dot_general3A_158 {dimension_numbers = #tpu.dot_dimension_numbers<[0], [0], [1], [1], [0, 1, 1, 1], [], []>, transpose_lhs_hint = false} : vector<128x256xf32>, vector<128x128xf32>, vector<256x128xf32> -> vector<256x128xf32>
    %add3A_160 = vector.broadcast %slice3A_156 : vector<256x1xf32> to vector<256x128xf32>
    %add3A_161 = arith.addf %dot_general3A_159, %add3A_160 : vector<256x128xf32>
    %slice3A_162 = vector.extract_strided_slice %add3A_161 {offsets = [0, 127], sizes = [256, 1], strides = [1, 1]} : vector<256x128xf32> to vector<256x1xf32>
    %slice3A_163 = vector.extract_strided_slice %select_n3A {offsets = [2944, 0], sizes = [128, 256], strides = [1, 1]} : vector<4096x256xf32> to vector<128x256xf32>
    %dot_general3A_164 = arith.constant dense<0.000000e+00> : vector<256x128xf32>
    %dot_general3A_165 = tpu.matmul %slice3A_163, %convert_element_type3A_15, %dot_general3A_164 {dimension_numbers = #tpu.dot_dimension_numbers<[0], [0], [1], [1], [0, 1, 1, 1], [], []>, transpose_lhs_hint = false} : vector<128x256xf32>, vector<128x128xf32>, vector<256x128xf32> -> vector<256x128xf32>
    %add3A_166 = vector.broadcast %slice3A_162 : vector<256x1xf32> to vector<256x128xf32>
    %add3A_167 = arith.addf %dot_general3A_165, %add3A_166 : vector<256x128xf32>
    %slice3A_168 = vector.extract_strided_slice %add3A_167 {offsets = [0, 127], sizes = [256, 1], strides = [1, 1]} : vector<256x128xf32> to vector<256x1xf32>
    %slice3A_169 = vector.extract_strided_slice %select_n3A {offsets = [3072, 0], sizes = [128, 256], strides = [1, 1]} : vector<4096x256xf32> to vector<128x256xf32>
    %dot_general3A_170 = arith.constant dense<0.000000e+00> : vector<256x128xf32>
    %dot_general3A_171 = tpu.matmul %slice3A_169, %convert_element_type3A_15, %dot_general3A_170 {dimension_numbers = #tpu.dot_dimension_numbers<[0], [0], [1], [1], [0, 1, 1, 1], [], []>, transpose_lhs_hint = false} : vector<128x256xf32>, vector<128x128xf32>, vector<256x128xf32> -> vector<256x128xf32>
    %add3A_172 = vector.broadcast %slice3A_168 : vector<256x1xf32> to vector<256x128xf32>
    %add3A_173 = arith.addf %dot_general3A_171, %add3A_172 : vector<256x128xf32>
    %slice3A_174 = vector.extract_strided_slice %add3A_173 {offsets = [0, 127], sizes = [256, 1], strides = [1, 1]} : vector<256x128xf32> to vector<256x1xf32>
    %slice3A_175 = vector.extract_strided_slice %select_n3A {offsets = [3200, 0], sizes = [128, 256], strides = [1, 1]} : vector<4096x256xf32> to vector<128x256xf32>
    %dot_general3A_176 = arith.constant dense<0.000000e+00> : vector<256x128xf32>
    %dot_general3A_177 = tpu.matmul %slice3A_175, %convert_element_type3A_15, %dot_general3A_176 {dimension_numbers = #tpu.dot_dimension_numbers<[0], [0], [1], [1], [0, 1, 1, 1], [], []>, transpose_lhs_hint = false} : vector<128x256xf32>, vector<128x128xf32>, vector<256x128xf32> -> vector<256x128xf32>
    %add3A_178 = vector.broadcast %slice3A_174 : vector<256x1xf32> to vector<256x128xf32>
    %add3A_179 = arith.addf %dot_general3A_177, %add3A_178 : vector<256x128xf32>
    %slice3A_180 = vector.extract_strided_slice %add3A_179 {offsets = [0, 127], sizes = [256, 1], strides = [1, 1]} : vector<256x128xf32> to vector<256x1xf32>
    %slice3A_181 = vector.extract_strided_slice %select_n3A {offsets = [3328, 0], sizes = [128, 256], strides = [1, 1]} : vector<4096x256xf32> to vector<128x256xf32>
    %dot_general3A_182 = arith.constant dense<0.000000e+00> : vector<256x128xf32>
    %dot_general3A_183 = tpu.matmul %slice3A_181, %convert_element_type3A_15, %dot_general3A_182 {dimension_numbers = #tpu.dot_dimension_numbers<[0], [0], [1], [1], [0, 1, 1, 1], [], []>, transpose_lhs_hint = false} : vector<128x256xf32>, vector<128x128xf32>, vector<256x128xf32> -> vector<256x128xf32>
    %add3A_184 = vector.broadcast %slice3A_180 : vector<256x1xf32> to vector<256x128xf32>
    %add3A_185 = arith.addf %dot_general3A_183, %add3A_184 : vector<256x128xf32>
    %slice3A_186 = vector.extract_strided_slice %add3A_185 {offsets = [0, 127], sizes = [256, 1], strides = [1, 1]} : vector<256x128xf32> to vector<256x1xf32>
    %slice3A_187 = vector.extract_strided_slice %select_n3A {offsets = [3456, 0], sizes = [128, 256], strides = [1, 1]} : vector<4096x256xf32> to vector<128x256xf32>
    %dot_general3A_188 = arith.constant dense<0.000000e+00> : vector<256x128xf32>
    %dot_general3A_189 = tpu.matmul %slice3A_187, %convert_element_type3A_15, %dot_general3A_188 {dimension_numbers = #tpu.dot_dimension_numbers<[0], [0], [1], [1], [0, 1, 1, 1], [], []>, transpose_lhs_hint = false} : vector<128x256xf32>, vector<128x128xf32>, vector<256x128xf32> -> vector<256x128xf32>
    %add3A_190 = vector.broadcast %slice3A_186 : vector<256x1xf32> to vector<256x128xf32>
    %add3A_191 = arith.addf %dot_general3A_189, %add3A_190 : vector<256x128xf32>
    %slice3A_192 = vector.extract_strided_slice %add3A_191 {offsets = [0, 127], sizes = [256, 1], strides = [1, 1]} : vector<256x128xf32> to vector<256x1xf32>
    %slice3A_193 = vector.extract_strided_slice %select_n3A {offsets = [3584, 0], sizes = [128, 256], strides = [1, 1]} : vector<4096x256xf32> to vector<128x256xf32>
    %dot_general3A_194 = arith.constant dense<0.000000e+00> : vector<256x128xf32>
    %dot_general3A_195 = tpu.matmul %slice3A_193, %convert_element_type3A_15, %dot_general3A_194 {dimension_numbers = #tpu.dot_dimension_numbers<[0], [0], [1], [1], [0, 1, 1, 1], [], []>, transpose_lhs_hint = false} : vector<128x256xf32>, vector<128x128xf32>, vector<256x128xf32> -> vector<256x128xf32>
    %add3A_196 = vector.broadcast %slice3A_192 : vector<256x1xf32> to vector<256x128xf32>
    %add3A_197 = arith.addf %dot_general3A_195, %add3A_196 : vector<256x128xf32>
    %slice3A_198 = vector.extract_strided_slice %add3A_197 {offsets = [0, 127], sizes = [256, 1], strides = [1, 1]} : vector<256x128xf32> to vector<256x1xf32>
    %slice3A_199 = vector.extract_strided_slice %select_n3A {offsets = [3712, 0], sizes = [128, 256], strides = [1, 1]} : vector<4096x256xf32> to vector<128x256xf32>
    %dot_general3A_200 = arith.constant dense<0.000000e+00> : vector<256x128xf32>
    %dot_general3A_201 = tpu.matmul %slice3A_199, %convert_element_type3A_15, %dot_general3A_200 {dimension_numbers = #tpu.dot_dimension_numbers<[0], [0], [1], [1], [0, 1, 1, 1], [], []>, transpose_lhs_hint = false} : vector<128x256xf32>, vector<128x128xf32>, vector<256x128xf32> -> vector<256x128xf32>
    %add3A_202 = vector.broadcast %slice3A_198 : vector<256x1xf32> to vector<256x128xf32>
    %add3A_203 = arith.addf %dot_general3A_201, %add3A_202 : vector<256x128xf32>
    %slice3A_204 = vector.extract_strided_slice %add3A_203 {offsets = [0, 127], sizes = [256, 1], strides = [1, 1]} : vector<256x128xf32> to vector<256x1xf32>
    %slice3A_205 = vector.extract_strided_slice %select_n3A {offsets = [3840, 0], sizes = [128, 256], strides = [1, 1]} : vector<4096x256xf32> to vector<128x256xf32>
    %dot_general3A_206 = arith.constant dense<0.000000e+00> : vector<256x128xf32>
    %dot_general3A_207 = tpu.matmul %slice3A_205, %convert_element_type3A_15, %dot_general3A_206 {dimension_numbers = #tpu.dot_dimension_numbers<[0], [0], [1], [1], [0, 1, 1, 1], [], []>, transpose_lhs_hint = false} : vector<128x256xf32>, vector<128x128xf32>, vector<256x128xf32> -> vector<256x128xf32>
    %add3A_208 = vector.broadcast %slice3A_204 : vector<256x1xf32> to vector<256x128xf32>
    %add3A_209 = arith.addf %dot_general3A_207, %add3A_208 : vector<256x128xf32>
    %slice3A_210 = vector.extract_strided_slice %add3A_209 {offsets = [0, 127], sizes = [256, 1], strides = [1, 1]} : vector<256x128xf32> to vector<256x1xf32>
    %slice3A_211 = vector.extract_strided_slice %select_n3A {offsets = [3968, 0], sizes = [128, 256], strides = [1, 1]} : vector<4096x256xf32> to vector<128x256xf32>
    %dot_general3A_212 = arith.constant dense<0.000000e+00> : vector<256x128xf32>
    %dot_general3A_213 = tpu.matmul %slice3A_211, %convert_element_type3A_15, %dot_general3A_212 {dimension_numbers = #tpu.dot_dimension_numbers<[0], [0], [1], [1], [0, 1, 1, 1], [], []>, transpose_lhs_hint = false} : vector<128x256xf32>, vector<128x128xf32>, vector<256x128xf32> -> vector<256x128xf32>
    %add3A_214 = vector.broadcast %slice3A_210 : vector<256x1xf32> to vector<256x128xf32>
    %add3A_215 = arith.addf %dot_general3A_213, %add3A_214 : vector<256x128xf32>
    %slice3A_216 = vector.extract_strided_slice %add3A_215 {offsets = [0, 127], sizes = [256, 1], strides = [1, 1]} : vector<256x128xf32> to vector<256x1xf32>
    %concatenate3A_217 = tpu.concatenate %add3A_29, %add3A_35, %add3A_41, %add3A_47, %add3A_53, %add3A_59, %add3A_65, %add3A_71, %add3A_77, %add3A_83, %add3A_89, %add3A_95, %add3A_101, %add3A_107, %add3A_113, %add3A_119, %add3A_125, %add3A_131, %add3A_137, %add3A_143, %add3A_149, %add3A_155, %add3A_161, %add3A_167, %add3A_173, %add3A_179, %add3A_185, %add3A_191, %add3A_197, %add3A_203, %add3A_209, %add3A_215 in 1 : vector<256x128xf32>, vector<256x128xf32>, vector<256x128xf32>, vector<256x128xf32>, vector<256x128xf32>, vector<256x128xf32>, vector<256x128xf32>, vector<256x128xf32>, vector<256x128xf32>, vector<256x128xf32>, vector<256x128xf32>, vector<256x128xf32>, vector<256x128xf32>, vector<256x128xf32>, vector<256x128xf32>, vector<256x128xf32>, vector<256x128xf32>, vector<256x128xf32>, vector<256x128xf32>, vector<256x128xf32>, vector<256x128xf32>, vector<256x128xf32>, vector<256x128xf32>, vector<256x128xf32>, vector<256x128xf32>, vector<256x128xf32>, vector<256x128xf32>, vector<256x128xf32>, vector<256x128xf32>, vector<256x128xf32>, vector<256x128xf32>, vector<256x128xf32> -> vector<256x4096xf32>
    %reduce_sum3A = arith.constant dense<0.000000e+00> : vector<256xf32>
    %reduce_sum3A_218 = vector.multi_reduction <add>, %concatenate3A_217, %reduce_sum3A [1] : vector<256x4096xf32> to vector<256xf32>
    %broadcast_in_dim3A_219 = vector.shape_cast %reduce_sum3A_218 : vector<256xf32> to vector<256x1xf32>
    %sub3A_220 = arith.subf %broadcast_in_dim3A_219, %slice3A_216 : vector<256x1xf32>
    %div3A = vector.broadcast %sub3A_220 : vector<256x1xf32> to vector<256x4096xf32>
    %div3A_221 = arith.divf %concatenate3A_217, %div3A : vector<256x4096xf32>
    %jit3A_222 = arith.constant 0.000000e+00 : f32
    %broadcast_in_dim3A_223 = vector.broadcast %jit3A_222 : f32 to vector<256x4096xf32>
    %select_n3A_224 = arith.select %lt3A_19, %div3A_221, %broadcast_in_dim3A_223 : vector<256x4096xi1>, vector<256x4096xf32>
    %swap3A = arith.constant 0 : index
    %swap3A_225 = arith.constant 0 : index
    %swap3A_226 = vector.load %arg3[%swap3A, %swap3A_225] : memref<256x4096xf32, #tpu.memory_space<vmem>>, vector<256x4096xf32>
    tpu.vector_store %arg3[%swap3A, %swap3A_225], %select_n3A_224 {strides = array<i32>} : memref<256x4096xf32, #tpu.memory_space<vmem>>, vector<256x4096xf32>,
    %sub3A_227 = vector.broadcast %min3A : vector<1x256xf32> to vector<4096x256xf32>
    %sub3A_228 = arith.subf %get3A_4, %sub3A_227 : vector<4096x256xf32>
    %slice3A_229 = vector.extract_strided_slice %sub3A_228 {offsets = [1, 0], sizes = [4095, 256], strides = [1, 1]} : vector<4096x256xf32> to vector<4095x256xf32>
    %concatenate3A_230 = tpu.concatenate %slice3A_229, %broadcast_in_dim3A_12 in 0 : vector<4095x256xf32>, vector<1x256xf32> -> vector<4096x256xf32>
    %add3A_231 = arith.addf %sub3A_228, %concatenate3A_230 : vector<4096x256xf32>
    %mul3A_232 = arith.constant 5.000000e-01 : f32
    %mul3A_233 = vector.broadcast %mul3A_232 : f32 to vector<4096x256xf32>
    %mul3A_234 = arith.mulf %add3A_231, %mul3A_233 : vector<4096x256xf32>
    %jit3A_235 = arith.constant 0.000000e+00 : f32
    %broadcast_in_dim3A_236 = vector.broadcast %jit3A_235 : f32 to vector<4096x256xf32>
    %select_n3A_237 = arith.select %lt3A_10, %mul3A_234, %broadcast_in_dim3A_236 : vector<4096x256xi1>, vector<4096x256xf32>
    %broadcast_in_dim3A_238 = arith.constant 0.000000e+00 : f32
    %broadcast_in_dim3A_239 = vector.broadcast %broadcast_in_dim3A_238 : f32 to vector<256x1xf32>
    %slice3A_240 = vector.extract_strided_slice %select_n3A_237 {offsets = [0, 0], sizes = [128, 256], strides = [1, 1]} : vector<4096x256xf32> to vector<128x256xf32>
    %dot_general3A_241 = arith.constant dense<0.000000e+00> : vector<256x128xf32>
    %dot_general3A_242 = tpu.matmul %slice3A_240, %convert_element_type3A_15, %dot_general3A_241 {dimension_numbers = #tpu.dot_dimension_numbers<[0], [0], [1], [1], [0, 1, 1, 1], [], []>, transpose_lhs_hint = false} : vector<128x256xf32>, vector<128x128xf32>, vector<256x128xf32> -> vector<256x128xf32>
    %add3A_243 = vector.broadcast %broadcast_in_dim3A_239 : vector<256x1xf32> to vector<256x128xf32>
    %add3A_244 = arith.addf %dot_general3A_242, %add3A_243 : vector<256x128xf32>
    %slice3A_245 = vector.extract_strided_slice %add3A_244 {offsets = [0, 127], sizes = [256, 1], strides = [1, 1]} : vector<256x128xf32> to vector<256x1xf32>
    %slice3A_246 = vector.extract_strided_slice %select_n3A_237 {offsets = [128, 0], sizes = [128, 256], strides = [1, 1]} : vector<4096x256xf32> to vector<128x256xf32>
    %dot_general3A_247 = arith.constant dense<0.000000e+00> : vector<256x128xf32>
    %dot_general3A_248 = tpu.matmul %slice3A_246, %convert_element_type3A_15, %dot_general3A_247 {dimension_numbers = #tpu.dot_dimension_numbers<[0], [0], [1], [1], [0, 1, 1, 1], [], []>, transpose_lhs_hint = false} : vector<128x256xf32>, vector<128x128xf32>, vector<256x128xf32> -> vector<256x128xf32>
    %add3A_249 = vector.broadcast %slice3A_245 : vector<256x1xf32> to vector<256x128xf32>
    %add3A_250 = arith.addf %dot_general3A_248, %add3A_249 : vector<256x128xf32>
    %slice3A_251 = vector.extract_strided_slice %add3A_250 {offsets = [0, 127], sizes = [256, 1], strides = [1, 1]} : vector<256x128xf32> to vector<256x1xf32>
    %slice3A_252 = vector.extract_strided_slice %select_n3A_237 {offsets = [256, 0], sizes = [128, 256], strides = [1, 1]} : vector<4096x256xf32> to vector<128x256xf32>
    %dot_general3A_253 = arith.constant dense<0.000000e+00> : vector<256x128xf32>
    %dot_general3A_254 = tpu.matmul %slice3A_252, %convert_element_type3A_15, %dot_general3A_253 {dimension_numbers = #tpu.dot_dimension_numbers<[0], [0], [1], [1], [0, 1, 1, 1], [], []>, transpose_lhs_hint = false} : vector<128x256xf32>, vector<128x128xf32>, vector<256x128xf32> -> vector<256x128xf32>
    %add3A_255 = vector.broadcast %slice3A_251 : vector<256x1xf32> to vector<256x128xf32>
    %add3A_256 = arith.addf %dot_general3A_254, %add3A_255 : vector<256x128xf32>
    %slice3A_257 = vector.extract_strided_slice %add3A_256 {offsets = [0, 127], sizes = [256, 1], strides = [1, 1]} : vector<256x128xf32> to vector<256x1xf32>
    %slice3A_258 = vector.extract_strided_slice %select_n3A_237 {offsets = [384, 0], sizes = [128, 256], strides = [1, 1]} : vector<4096x256xf32> to vector<128x256xf32>
    %dot_general3A_259 = arith.constant dense<0.000000e+00> : vector<256x128xf32>
    %dot_general3A_260 = tpu.matmul %slice3A_258, %convert_element_type3A_15, %dot_general3A_259 {dimension_numbers = #tpu.dot_dimension_numbers<[0], [0], [1], [1], [0, 1, 1, 1], [], []>, transpose_lhs_hint = false} : vector<128x256xf32>, vector<128x128xf32>, vector<256x128xf32> -> vector<256x128xf32>
    %add3A_261 = vector.broadcast %slice3A_257 : vector<256x1xf32> to vector<256x128xf32>
    %add3A_262 = arith.addf %dot_general3A_260, %add3A_261 : vector<256x128xf32>
    %slice3A_263 = vector.extract_strided_slice %add3A_262 {offsets = [0, 127], sizes = [256, 1], strides = [1, 1]} : vector<256x128xf32> to vector<256x1xf32>
    %slice3A_264 = vector.extract_strided_slice %select_n3A_237 {offsets = [512, 0], sizes = [128, 256], strides = [1, 1]} : vector<4096x256xf32> to vector<128x256xf32>
    %dot_general3A_265 = arith.constant dense<0.000000e+00> : vector<256x128xf32>
    %dot_general3A_266 = tpu.matmul %slice3A_264, %convert_element_type3A_15, %dot_general3A_265 {dimension_numbers = #tpu.dot_dimension_numbers<[0], [0], [1], [1], [0, 1, 1, 1], [], []>, transpose_lhs_hint = false} : vector<128x256xf32>, vector<128x128xf32>, vector<256x128xf32> -> vector<256x128xf32>
    %add3A_267 = vector.broadcast %slice3A_263 : vector<256x1xf32> to vector<256x128xf32>
    %add3A_268 = arith.addf %dot_general3A_266, %add3A_267 : vector<256x128xf32>
    %slice3A_269 = vector.extract_strided_slice %add3A_268 {offsets = [0, 127], sizes = [256, 1], strides = [1, 1]} : vector<256x128xf32> to vector<256x1xf32>
    %slice3A_270 = vector.extract_strided_slice %select_n3A_237 {offsets = [640, 0], sizes = [128, 256], strides = [1, 1]} : vector<4096x256xf32> to vector<128x256xf32>
    %dot_general3A_271 = arith.constant dense<0.000000e+00> : vector<256x128xf32>
    %dot_general3A_272 = tpu.matmul %slice3A_270, %convert_element_type3A_15, %dot_general3A_271 {dimension_numbers = #tpu.dot_dimension_numbers<[0], [0], [1], [1], [0, 1, 1, 1], [], []>, transpose_lhs_hint = false} : vector<128x256xf32>, vector<128x128xf32>, vector<256x128xf32> -> vector<256x128xf32>
    %add3A_273 = vector.broadcast %slice3A_269 : vector<256x1xf32> to vector<256x128xf32>
    %add3A_274 = arith.addf %dot_general3A_272, %add3A_273 : vector<256x128xf32>
    %slice3A_275 = vector.extract_strided_slice %add3A_274 {offsets = [0, 127], sizes = [256, 1], strides = [1, 1]} : vector<256x128xf32> to vector<256x1xf32>
    %slice3A_276 = vector.extract_strided_slice %select_n3A_237 {offsets = [768, 0], sizes = [128, 256], strides = [1, 1]} : vector<4096x256xf32> to vector<128x256xf32>
    %dot_general3A_277 = arith.constant dense<0.000000e+00> : vector<256x128xf32>
    %dot_general3A_278 = tpu.matmul %slice3A_276, %convert_element_type3A_15, %dot_general3A_277 {dimension_numbers = #tpu.dot_dimension_numbers<[0], [0], [1], [1], [0, 1, 1, 1], [], []>, transpose_lhs_hint = false} : vector<128x256xf32>, vector<128x128xf32>, vector<256x128xf32> -> vector<256x128xf32>
    %add3A_279 = vector.broadcast %slice3A_275 : vector<256x1xf32> to vector<256x128xf32>
    %add3A_280 = arith.addf %dot_general3A_278, %add3A_279 : vector<256x128xf32>
    %slice3A_281 = vector.extract_strided_slice %add3A_280 {offsets = [0, 127], sizes = [256, 1], strides = [1, 1]} : vector<256x128xf32> to vector<256x1xf32>
    %slice3A_282 = vector.extract_strided_slice %select_n3A_237 {offsets = [896, 0], sizes = [128, 256], strides = [1, 1]} : vector<4096x256xf32> to vector<128x256xf32>
    %dot_general3A_283 = arith.constant dense<0.000000e+00> : vector<256x128xf32>
    %dot_general3A_284 = tpu.matmul %slice3A_282, %convert_element_type3A_15, %dot_general3A_283 {dimension_numbers = #tpu.dot_dimension_numbers<[0], [0], [1], [1], [0, 1, 1, 1], [], []>, transpose_lhs_hint = false} : vector<128x256xf32>, vector<128x128xf32>, vector<256x128xf32> -> vector<256x128xf32>
    %add3A_285 = vector.broadcast %slice3A_281 : vector<256x1xf32> to vector<256x128xf32>
    %add3A_286 = arith.addf %dot_general3A_284, %add3A_285 : vector<256x128xf32>
    %slice3A_287 = vector.extract_strided_slice %add3A_286 {offsets = [0, 127], sizes = [256, 1], strides = [1, 1]} : vector<256x128xf32> to vector<256x1xf32>
    %slice3A_288 = vector.extract_strided_slice %select_n3A_237 {offsets = [1024, 0], sizes = [128, 256], strides = [1, 1]} : vector<4096x256xf32> to vector<128x256xf32>
    %dot_general3A_289 = arith.constant dense<0.000000e+00> : vector<256x128xf32>
    %dot_general3A_290 = tpu.matmul %slice3A_288, %convert_element_type3A_15, %dot_general3A_289 {dimension_numbers = #tpu.dot_dimension_numbers<[0], [0], [1], [1], [0, 1, 1, 1], [], []>, transpose_lhs_hint = false} : vector<128x256xf32>, vector<128x128xf32>, vector<256x128xf32> -> vector<256x128xf32>
    %add3A_291 = vector.broadcast %slice3A_287 : vector<256x1xf32> to vector<256x128xf32>
    %add3A_292 = arith.addf %dot_general3A_290, %add3A_291 : vector<256x128xf32>
    %slice3A_293 = vector.extract_strided_slice %add3A_292 {offsets = [0, 127], sizes = [256, 1], strides = [1, 1]} : vector<256x128xf32> to vector<256x1xf32>
    %slice3A_294 = vector.extract_strided_slice %select_n3A_237 {offsets = [1152, 0], sizes = [128, 256], strides = [1, 1]} : vector<4096x256xf32> to vector<128x256xf32>
    %dot_general3A_295 = arith.constant dense<0.000000e+00> : vector<256x128xf32>
    %dot_general3A_296 = tpu.matmul %slice3A_294, %convert_element_type3A_15, %dot_general3A_295 {dimension_numbers = #tpu.dot_dimension_numbers<[0], [0], [1], [1], [0, 1, 1, 1], [], []>, transpose_lhs_hint = false} : vector<128x256xf32>, vector<128x128xf32>, vector<256x128xf32> -> vector<256x128xf32>
    %add3A_297 = vector.broadcast %slice3A_293 : vector<256x1xf32> to vector<256x128xf32>
    %add3A_298 = arith.addf %dot_general3A_296, %add3A_297 : vector<256x128xf32>
    %slice3A_299 = vector.extract_strided_slice %add3A_298 {offsets = [0, 127], sizes = [256, 1], strides = [1, 1]} : vector<256x128xf32> to vector<256x1xf32>
    %slice3A_300 = vector.extract_strided_slice %select_n3A_237 {offsets = [1280, 0], sizes = [128, 256], strides = [1, 1]} : vector<4096x256xf32> to vector<128x256xf32>
    %dot_general3A_301 = arith.constant dense<0.000000e+00> : vector<256x128xf32>
    %dot_general3A_302 = tpu.matmul %slice3A_300, %convert_element_type3A_15, %dot_general3A_301 {dimension_numbers = #tpu.dot_dimension_numbers<[0], [0], [1], [1], [0, 1, 1, 1], [], []>, transpose_lhs_hint = false} : vector<128x256xf32>, vector<128x128xf32>, vector<256x128xf32> -> vector<256x128xf32>
    %add3A_303 = vector.broadcast %slice3A_299 : vector<256x1xf32> to vector<256x128xf32>
    %add3A_304 = arith.addf %dot_general3A_302, %add3A_303 : vector<256x128xf32>
    %slice3A_305 = vector.extract_strided_slice %add3A_304 {offsets = [0, 127], sizes = [256, 1], strides = [1, 1]} : vector<256x128xf32> to vector<256x1xf32>
    %slice3A_306 = vector.extract_strided_slice %select_n3A_237 {offsets = [1408, 0], sizes = [128, 256], strides = [1, 1]} : vector<4096x256xf32> to vector<128x256xf32>
    %dot_general3A_307 = arith.constant dense<0.000000e+00> : vector<256x128xf32>
    %dot_general3A_308 = tpu.matmul %slice3A_306, %convert_element_type3A_15, %dot_general3A_307 {dimension_numbers = #tpu.dot_dimension_numbers<[0], [0], [1], [1], [0, 1, 1, 1], [], []>, transpose_lhs_hint = false} : vector<128x256xf32>, vector<128x128xf32>, vector<256x128xf32> -> vector<256x128xf32>
    %add3A_309 = vector.broadcast %slice3A_305 : vector<256x1xf32> to vector<256x128xf32>
    %add3A_310 = arith.addf %dot_general3A_308, %add3A_309 : vector<256x128xf32>
    %slice3A_311 = vector.extract_strided_slice %add3A_310 {offsets = [0, 127], sizes = [256, 1], strides = [1, 1]} : vector<256x128xf32> to vector<256x1xf32>
    %slice3A_312 = vector.extract_strided_slice %select_n3A_237 {offsets = [1536, 0], sizes = [128, 256], strides = [1, 1]} : vector<4096x256xf32> to vector<128x256xf32>
    %dot_general3A_313 = arith.constant dense<0.000000e+00> : vector<256x128xf32>
    %dot_general3A_314 = tpu.matmul %slice3A_312, %convert_element_type3A_15, %dot_general3A_313 {dimension_numbers = #tpu.dot_dimension_numbers<[0], [0], [1], [1], [0, 1, 1, 1], [], []>, transpose_lhs_hint = false} : vector<128x256xf32>, vector<128x128xf32>, vector<256x128xf32> -> vector<256x128xf32>
    %add3A_315 = vector.broadcast %slice3A_311 : vector<256x1xf32> to vector<256x128xf32>
    %add3A_316 = arith.addf %dot_general3A_314, %add3A_315 : vector<256x128xf32>
    %slice3A_317 = vector.extract_strided_slice %add3A_316 {offsets = [0, 127], sizes = [256, 1], strides = [1, 1]} : vector<256x128xf32> to vector<256x1xf32>
    %slice3A_318 = vector.extract_strided_slice %select_n3A_237 {offsets = [1664, 0], sizes = [128, 256], strides = [1, 1]} : vector<4096x256xf32> to vector<128x256xf32>
    %dot_general3A_319 = arith.constant dense<0.000000e+00> : vector<256x128xf32>
    %dot_general3A_320 = tpu.matmul %slice3A_318, %convert_element_type3A_15, %dot_general3A_319 {dimension_numbers = #tpu.dot_dimension_numbers<[0], [0], [1], [1], [0, 1, 1, 1], [], []>, transpose_lhs_hint = false} : vector<128x256xf32>, vector<128x128xf32>, vector<256x128xf32> -> vector<256x128xf32>
    %add3A_321 = vector.broadcast %slice3A_317 : vector<256x1xf32> to vector<256x128xf32>
    %add3A_322 = arith.addf %dot_general3A_320, %add3A_321 : vector<256x128xf32>
    %slice3A_323 = vector.extract_strided_slice %add3A_322 {offsets = [0, 127], sizes = [256, 1], strides = [1, 1]} : vector<256x128xf32> to vector<256x1xf32>
    %slice3A_324 = vector.extract_strided_slice %select_n3A_237 {offsets = [1792, 0], sizes = [128, 256], strides = [1, 1]} : vector<4096x256xf32> to vector<128x256xf32>
    %dot_general3A_325 = arith.constant dense<0.000000e+00> : vector<256x128xf32>
    %dot_general3A_326 = tpu.matmul %slice3A_324, %convert_element_type3A_15, %dot_general3A_325 {dimension_numbers = #tpu.dot_dimension_numbers<[0], [0], [1], [1], [0, 1, 1, 1], [], []>, transpose_lhs_hint = false} : vector<128x256xf32>, vector<128x128xf32>, vector<256x128xf32> -> vector<256x128xf32>
    %add3A_327 = vector.broadcast %slice3A_323 : vector<256x1xf32> to vector<256x128xf32>
    %add3A_328 = arith.addf %dot_general3A_326, %add3A_327 : vector<256x128xf32>
    %slice3A_329 = vector.extract_strided_slice %add3A_328 {offsets = [0, 127], sizes = [256, 1], strides = [1, 1]} : vector<256x128xf32> to vector<256x1xf32>
    %slice3A_330 = vector.extract_strided_slice %select_n3A_237 {offsets = [1920, 0], sizes = [128, 256], strides = [1, 1]} : vector<4096x256xf32> to vector<128x256xf32>
    %dot_general3A_331 = arith.constant dense<0.000000e+00> : vector<256x128xf32>
    %dot_general3A_332 = tpu.matmul %slice3A_330, %convert_element_type3A_15, %dot_general3A_331 {dimension_numbers = #tpu.dot_dimension_numbers<[0], [0], [1], [1], [0, 1, 1, 1], [], []>, transpose_lhs_hint = false} : vector<128x256xf32>, vector<128x128xf32>, vector<256x128xf32> -> vector<256x128xf32>
    %add3A_333 = vector.broadcast %slice3A_329 : vector<256x1xf32> to vector<256x128xf32>
    %add3A_334 = arith.addf %dot_general3A_332, %add3A_333 : vector<256x128xf32>
    %slice3A_335 = vector.extract_strided_slice %add3A_334 {offsets = [0, 127], sizes = [256, 1], strides = [1, 1]} : vector<256x128xf32> to vector<256x1xf32>
    %slice3A_336 = vector.extract_strided_slice %select_n3A_237 {offsets = [2048, 0], sizes = [128, 256], strides = [1, 1]} : vector<4096x256xf32> to vector<128x256xf32>
    %dot_general3A_337 = arith.constant dense<0.000000e+00> : vector<256x128xf32>
    %dot_general3A_338 = tpu.matmul %slice3A_336, %convert_element_type3A_15, %dot_general3A_337 {dimension_numbers = #tpu.dot_dimension_numbers<[0], [0], [1], [1], [0, 1, 1, 1], [], []>, transpose_lhs_hint = false} : vector<128x256xf32>, vector<128x128xf32>, vector<256x128xf32> -> vector<256x128xf32>
    %add3A_339 = vector.broadcast %slice3A_335 : vector<256x1xf32> to vector<256x128xf32>
    %add3A_340 = arith.addf %dot_general3A_338, %add3A_339 : vector<256x128xf32>
    %slice3A_341 = vector.extract_strided_slice %add3A_340 {offsets = [0, 127], sizes = [256, 1], strides = [1, 1]} : vector<256x128xf32> to vector<256x1xf32>
    %slice3A_342 = vector.extract_strided_slice %select_n3A_237 {offsets = [2176, 0], sizes = [128, 256], strides = [1, 1]} : vector<4096x256xf32> to vector<128x256xf32>
    %dot_general3A_343 = arith.constant dense<0.000000e+00> : vector<256x128xf32>
    %dot_general3A_344 = tpu.matmul %slice3A_342, %convert_element_type3A_15, %dot_general3A_343 {dimension_numbers = #tpu.dot_dimension_numbers<[0], [0], [1], [1], [0, 1, 1, 1], [], []>, transpose_lhs_hint = false} : vector<128x256xf32>, vector<128x128xf32>, vector<256x128xf32> -> vector<256x128xf32>
    %add3A_345 = vector.broadcast %slice3A_341 : vector<256x1xf32> to vector<256x128xf32>
    %add3A_346 = arith.addf %dot_general3A_344, %add3A_345 : vector<256x128xf32>
    %slice3A_347 = vector.extract_strided_slice %add3A_346 {offsets = [0, 127], sizes = [256, 1], strides = [1, 1]} : vector<256x128xf32> to vector<256x1xf32>
    %slice3A_348 = vector.extract_strided_slice %select_n3A_237 {offsets = [2304, 0], sizes = [128, 256], strides = [1, 1]} : vector<4096x256xf32> to vector<128x256xf32>
    %dot_general3A_349 = arith.constant dense<0.000000e+00> : vector<256x128xf32>
    %dot_general3A_350 = tpu.matmul %slice3A_348, %convert_element_type3A_15, %dot_general3A_349 {dimension_numbers = #tpu.dot_dimension_numbers<[0], [0], [1], [1], [0, 1, 1, 1], [], []>, transpose_lhs_hint = false} : vector<128x256xf32>, vector<128x128xf32>, vector<256x128xf32> -> vector<256x128xf32>
    %add3A_351 = vector.broadcast %slice3A_347 : vector<256x1xf32> to vector<256x128xf32>
    %add3A_352 = arith.addf %dot_general3A_350, %add3A_351 : vector<256x128xf32>
    %slice3A_353 = vector.extract_strided_slice %add3A_352 {offsets = [0, 127], sizes = [256, 1], strides = [1, 1]} : vector<256x128xf32> to vector<256x1xf32>
    %slice3A_354 = vector.extract_strided_slice %select_n3A_237 {offsets = [2432, 0], sizes = [128, 256], strides = [1, 1]} : vector<4096x256xf32> to vector<128x256xf32>
    %dot_general3A_355 = arith.constant dense<0.000000e+00> : vector<256x128xf32>
    %dot_general3A_356 = tpu.matmul %slice3A_354, %convert_element_type3A_15, %dot_general3A_355 {dimension_numbers = #tpu.dot_dimension_numbers<[0], [0], [1], [1], [0, 1, 1, 1], [], []>, transpose_lhs_hint = false} : vector<128x256xf32>, vector<128x128xf32>, vector<256x128xf32> -> vector<256x128xf32>
    %add3A_357 = vector.broadcast %slice3A_353 : vector<256x1xf32> to vector<256x128xf32>
    %add3A_358 = arith.addf %dot_general3A_356, %add3A_357 : vector<256x128xf32>
    %slice3A_359 = vector.extract_strided_slice %add3A_358 {offsets = [0, 127], sizes = [256, 1], strides = [1, 1]} : vector<256x128xf32> to vector<256x1xf32>
    %slice3A_360 = vector.extract_strided_slice %select_n3A_237 {offsets = [2560, 0], sizes = [128, 256], strides = [1, 1]} : vector<4096x256xf32> to vector<128x256xf32>
    %dot_general3A_361 = arith.constant dense<0.000000e+00> : vector<256x128xf32>
    %dot_general3A_362 = tpu.matmul %slice3A_360, %convert_element_type3A_15, %dot_general3A_361 {dimension_numbers = #tpu.dot_dimension_numbers<[0], [0], [1], [1], [0, 1, 1, 1], [], []>, transpose_lhs_hint = false} : vector<128x256xf32>, vector<128x128xf32>, vector<256x128xf32> -> vector<256x128xf32>
    %add3A_363 = vector.broadcast %slice3A_359 : vector<256x1xf32> to vector<256x128xf32>
    %add3A_364 = arith.addf %dot_general3A_362, %add3A_363 : vector<256x128xf32>
    %slice3A_365 = vector.extract_strided_slice %add3A_364 {offsets = [0, 127], sizes = [256, 1], strides = [1, 1]} : vector<256x128xf32> to vector<256x1xf32>
    %slice3A_366 = vector.extract_strided_slice %select_n3A_237 {offsets = [2688, 0], sizes = [128, 256], strides = [1, 1]} : vector<4096x256xf32> to vector<128x256xf32>
    %dot_general3A_367 = arith.constant dense<0.000000e+00> : vector<256x128xf32>
    %dot_general3A_368 = tpu.matmul %slice3A_366, %convert_element_type3A_15, %dot_general3A_367 {dimension_numbers = #tpu.dot_dimension_numbers<[0], [0], [1], [1], [0, 1, 1, 1], [], []>, transpose_lhs_hint = false} : vector<128x256xf32>, vector<128x128xf32>, vector<256x128xf32> -> vector<256x128xf32>
    %add3A_369 = vector.broadcast %slice3A_365 : vector<256x1xf32> to vector<256x128xf32>
    %add3A_370 = arith.addf %dot_general3A_368, %add3A_369 : vector<256x128xf32>
    %slice3A_371 = vector.extract_strided_slice %add3A_370 {offsets = [0, 127], sizes = [256, 1], strides = [1, 1]} : vector<256x128xf32> to vector<256x1xf32>
    %slice3A_372 = vector.extract_strided_slice %select_n3A_237 {offsets = [2816, 0], sizes = [128, 256], strides = [1, 1]} : vector<4096x256xf32> to vector<128x256xf32>
    %dot_general3A_373 = arith.constant dense<0.000000e+00> : vector<256x128xf32>
    %dot_general3A_374 = tpu.matmul %slice3A_372, %convert_element_type3A_15, %dot_general3A_373 {dimension_numbers = #tpu.dot_dimension_numbers<[0], [0], [1], [1], [0, 1, 1, 1], [], []>, transpose_lhs_hint = false} : vector<128x256xf32>, vector<128x128xf32>, vector<256x128xf32> -> vector<256x128xf32>
    %add3A_375 = vector.broadcast %slice3A_371 : vector<256x1xf32> to vector<256x128xf32>
    %add3A_376 = arith.addf %dot_general3A_374, %add3A_375 : vector<256x128xf32>
    %slice3A_377 = vector.extract_strided_slice %add3A_376 {offsets = [0, 127], sizes = [256, 1], strides = [1, 1]} : vector<256x128xf32> to vector<256x1xf32>
    %slice3A_378 = vector.extract_strided_slice %select_n3A_237 {offsets = [2944, 0], sizes = [128, 256], strides = [1, 1]} : vector<4096x256xf32> to vector<128x256xf32>
    %dot_general3A_379 = arith.constant dense<0.000000e+00> : vector<256x128xf32>
    %dot_general3A_380 = tpu.matmul %slice3A_378, %convert_element_type3A_15, %dot_general3A_379 {dimension_numbers = #tpu.dot_dimension_numbers<[0], [0], [1], [1], [0, 1, 1, 1], [], []>, transpose_lhs_hint = false} : vector<128x256xf32>, vector<128x128xf32>, vector<256x128xf32> -> vector<256x128xf32>
    %add3A_381 = vector.broadcast %slice3A_377 : vector<256x1xf32> to vector<256x128xf32>
    %add3A_382 = arith.addf %dot_general3A_380, %add3A_381 : vector<256x128xf32>
    %slice3A_383 = vector.extract_strided_slice %add3A_382 {offsets = [0, 127], sizes = [256, 1], strides = [1, 1]} : vector<256x128xf32> to vector<256x1xf32>
    %slice3A_384 = vector.extract_strided_slice %select_n3A_237 {offsets = [3072, 0], sizes = [128, 256], strides = [1, 1]} : vector<4096x256xf32> to vector<128x256xf32>
    %dot_general3A_385 = arith.constant dense<0.000000e+00> : vector<256x128xf32>
    %dot_general3A_386 = tpu.matmul %slice3A_384, %convert_element_type3A_15, %dot_general3A_385 {dimension_numbers = #tpu.dot_dimension_numbers<[0], [0], [1], [1], [0, 1, 1, 1], [], []>, transpose_lhs_hint = false} : vector<128x256xf32>, vector<128x128xf32>, vector<256x128xf32> -> vector<256x128xf32>
    %add3A_387 = vector.broadcast %slice3A_383 : vector<256x1xf32> to vector<256x128xf32>
    %add3A_388 = arith.addf %dot_general3A_386, %add3A_387 : vector<256x128xf32>
    %slice3A_389 = vector.extract_strided_slice %add3A_388 {offsets = [0, 127], sizes = [256, 1], strides = [1, 1]} : vector<256x128xf32> to vector<256x1xf32>
    %slice3A_390 = vector.extract_strided_slice %select_n3A_237 {offsets = [3200, 0], sizes = [128, 256], strides = [1, 1]} : vector<4096x256xf32> to vector<128x256xf32>
    %dot_general3A_391 = arith.constant dense<0.000000e+00> : vector<256x128xf32>
    %dot_general3A_392 = tpu.matmul %slice3A_390, %convert_element_type3A_15, %dot_general3A_391 {dimension_numbers = #tpu.dot_dimension_numbers<[0], [0], [1], [1], [0, 1, 1, 1], [], []>, transpose_lhs_hint = false} : vector<128x256xf32>, vector<128x128xf32>, vector<256x128xf32> -> vector<256x128xf32>
    %add3A_393 = vector.broadcast %slice3A_389 : vector<256x1xf32> to vector<256x128xf32>
    %add3A_394 = arith.addf %dot_general3A_392, %add3A_393 : vector<256x128xf32>
    %slice3A_395 = vector.extract_strided_slice %add3A_394 {offsets = [0, 127], sizes = [256, 1], strides = [1, 1]} : vector<256x128xf32> to vector<256x1xf32>
    %slice3A_396 = vector.extract_strided_slice %select_n3A_237 {offsets = [3328, 0], sizes = [128, 256], strides = [1, 1]} : vector<4096x256xf32> to vector<128x256xf32>
    %dot_general3A_397 = arith.constant dense<0.000000e+00> : vector<256x128xf32>
    %dot_general3A_398 = tpu.matmul %slice3A_396, %convert_element_type3A_15, %dot_general3A_397 {dimension_numbers = #tpu.dot_dimension_numbers<[0], [0], [1], [1], [0, 1, 1, 1], [], []>, transpose_lhs_hint = false} : vector<128x256xf32>, vector<128x128xf32>, vector<256x128xf32> -> vector<256x128xf32>
    %add3A_399 = vector.broadcast %slice3A_395 : vector<256x1xf32> to vector<256x128xf32>
    %add3A_400 = arith.addf %dot_general3A_398, %add3A_399 : vector<256x128xf32>
    %slice3A_401 = vector.extract_strided_slice %add3A_400 {offsets = [0, 127], sizes = [256, 1], strides = [1, 1]} : vector<256x128xf32> to vector<256x1xf32>
    %slice3A_402 = vector.extract_strided_slice %select_n3A_237 {offsets = [3456, 0], sizes = [128, 256], strides = [1, 1]} : vector<4096x256xf32> to vector<128x256xf32>
    %dot_general3A_403 = arith.constant dense<0.000000e+00> : vector<256x128xf32>
    %dot_general3A_404 = tpu.matmul %slice3A_402, %convert_element_type3A_15, %dot_general3A_403 {dimension_numbers = #tpu.dot_dimension_numbers<[0], [0], [1], [1], [0, 1, 1, 1], [], []>, transpose_lhs_hint = false} : vector<128x256xf32>, vector<128x128xf32>, vector<256x128xf32> -> vector<256x128xf32>
    %add3A_405 = vector.broadcast %slice3A_401 : vector<256x1xf32> to vector<256x128xf32>
    %add3A_406 = arith.addf %dot_general3A_404, %add3A_405 : vector<256x128xf32>
    %slice3A_407 = vector.extract_strided_slice %add3A_406 {offsets = [0, 127], sizes = [256, 1], strides = [1, 1]} : vector<256x128xf32> to vector<256x1xf32>
    %slice3A_408 = vector.extract_strided_slice %select_n3A_237 {offsets = [3584, 0], sizes = [128, 256], strides = [1, 1]} : vector<4096x256xf32> to vector<128x256xf32>
    %dot_general3A_409 = arith.constant dense<0.000000e+00> : vector<256x128xf32>
    %dot_general3A_410 = tpu.matmul %slice3A_408, %convert_element_type3A_15, %dot_general3A_409 {dimension_numbers = #tpu.dot_dimension_numbers<[0], [0], [1], [1], [0, 1, 1, 1], [], []>, transpose_lhs_hint = false} : vector<128x256xf32>, vector<128x128xf32>, vector<256x128xf32> -> vector<256x128xf32>
    %add3A_411 = vector.broadcast %slice3A_407 : vector<256x1xf32> to vector<256x128xf32>
    %add3A_412 = arith.addf %dot_general3A_410, %add3A_411 : vector<256x128xf32>
    %slice3A_413 = vector.extract_strided_slice %add3A_412 {offsets = [0, 127], sizes = [256, 1], strides = [1, 1]} : vector<256x128xf32> to vector<256x1xf32>
    %slice3A_414 = vector.extract_strided_slice %select_n3A_237 {offsets = [3712, 0], sizes = [128, 256], strides = [1, 1]} : vector<4096x256xf32> to vector<128x256xf32>
    %dot_general3A_415 = arith.constant dense<0.000000e+00> : vector<256x128xf32>
    %dot_general3A_416 = tpu.matmul %slice3A_414, %convert_element_type3A_15, %dot_general3A_415 {dimension_numbers = #tpu.dot_dimension_numbers<[0], [0], [1], [1], [0, 1, 1, 1], [], []>, transpose_lhs_hint = false} : vector<128x256xf32>, vector<128x128xf32>, vector<256x128xf32> -> vector<256x128xf32>
    %add3A_417 = vector.broadcast %slice3A_413 : vector<256x1xf32> to vector<256x128xf32>
    %add3A_418 = arith.addf %dot_general3A_416, %add3A_417 : vector<256x128xf32>
    %slice3A_419 = vector.extract_strided_slice %add3A_418 {offsets = [0, 127], sizes = [256, 1], strides = [1, 1]} : vector<256x128xf32> to vector<256x1xf32>
    %slice3A_420 = vector.extract_strided_slice %select_n3A_237 {offsets = [3840, 0], sizes = [128, 256], strides = [1, 1]} : vector<4096x256xf32> to vector<128x256xf32>
    %dot_general3A_421 = arith.constant dense<0.000000e+00> : vector<256x128xf32>
    %dot_general3A_422 = tpu.matmul %slice3A_420, %convert_element_type3A_15, %dot_general3A_421 {dimension_numbers = #tpu.dot_dimension_numbers<[0], [0], [1], [1], [0, 1, 1, 1], [], []>, transpose_lhs_hint = false} : vector<128x256xf32>, vector<128x128xf32>, vector<256x128xf32> -> vector<256x128xf32>
    %add3A_423 = vector.broadcast %slice3A_419 : vector<256x1xf32> to vector<256x128xf32>
    %add3A_424 = arith.addf %dot_general3A_422, %add3A_423 : vector<256x128xf32>
    %slice3A_425 = vector.extract_strided_slice %add3A_424 {offsets = [0, 127], sizes = [256, 1], strides = [1, 1]} : vector<256x128xf32> to vector<256x1xf32>
    %slice3A_426 = vector.extract_strided_slice %select_n3A_237 {offsets = [3968, 0], sizes = [128, 256], strides = [1, 1]} : vector<4096x256xf32> to vector<128x256xf32>
    %dot_general3A_427 = arith.constant dense<0.000000e+00> : vector<256x128xf32>
    %dot_general3A_428 = tpu.matmul %slice3A_426, %convert_element_type3A_15, %dot_general3A_427 {dimension_numbers = #tpu.dot_dimension_numbers<[0], [0], [1], [1], [0, 1, 1, 1], [], []>, transpose_lhs_hint = false} : vector<128x256xf32>, vector<128x128xf32>, vector<256x128xf32> -> vector<256x128xf32>
    %add3A_429 = vector.broadcast %slice3A_425 : vector<256x1xf32> to vector<256x128xf32>
    %add3A_430 = arith.addf %dot_general3A_428, %add3A_429 : vector<256x128xf32>
    %slice3A_431 = vector.extract_strided_slice %add3A_430 {offsets = [0, 127], sizes = [256, 1], strides = [1, 1]} : vector<256x128xf32> to vector<256x1xf32>
    %concatenate3A_432 = tpu.concatenate %add3A_244, %add3A_250, %add3A_256, %add3A_262, %add3A_268, %add3A_274, %add3A_280, %add3A_286, %add3A_292, %add3A_298, %add3A_304, %add3A_310, %add3A_316, %add3A_322, %add3A_328, %add3A_334, %add3A_340, %add3A_346, %add3A_352, %add3A_358, %add3A_364, %add3A_370, %add3A_376, %add3A_382, %add3A_388, %add3A_394, %add3A_400, %add3A_406, %add3A_412, %add3A_418, %add3A_424, %add3A_430 in 1 : vector<256x128xf32>, vector<256x128xf32>, vector<256x128xf32>, vector<256x128xf32>, vector<256x128xf32>, vector<256x128xf32>, vector<256x128xf32>, vector<256x128xf32>, vector<256x128xf32>, vector<256x128xf32>, vector<256x128xf32>, vector<256x128xf32>, vector<256x128xf32>, vector<256x128xf32>, vector<256x128xf32>, vector<256x128xf32>, vector<256x128xf32>, vector<256x128xf32>, vector<256x128xf32>, vector<256x128xf32>, vector<256x128xf32>, vector<256x128xf32>, vector<256x128xf32>, vector<256x128xf32>, vector<256x128xf32>, vector<256x128xf32>, vector<256x128xf32>, vector<256x128xf32>, vector<256x128xf32>, vector<256x128xf32>, vector<256x128xf32>, vector<256x128xf32> -> vector<256x4096xf32>
    %reduce_sum3A_433 = arith.constant dense<0.000000e+00> : vector<256xf32>
    %reduce_sum3A_434 = vector.multi_reduction <add>, %concatenate3A_432, %reduce_sum3A_433 [1] : vector<256x4096xf32> to vector<256xf32>
    %broadcast_in_dim3A_435 = vector.shape_cast %reduce_sum3A_434 : vector<256xf32> to vector<256x1xf32>
    %sub3A_436 = arith.subf %broadcast_in_dim3A_435, %slice3A_431 : vector<256x1xf32>
    %div3A_437 = vector.broadcast %sub3A_436 : vector<256x1xf32> to vector<256x4096xf32>
    %div3A_438 = arith.divf %concatenate3A_432, %div3A_437 : vector<256x4096xf32>
    %jit3A_439 = arith.constant 0.000000e+00 : f32
    %broadcast_in_dim3A_440 = vector.broadcast %jit3A_439 : f32 to vector<256x4096xf32>
    %select_n3A_441 = arith.select %lt3A_19, %div3A_438, %broadcast_in_dim3A_440 : vector<256x4096xi1>, vector<256x4096xf32>
    %swap3A_442 = arith.constant 0 : index
    %swap3A_443 = arith.constant 0 : index
    %swap3A_444 = vector.load %arg4[%swap3A_442, %swap3A_443] : memref<256x4096xf32, #tpu.memory_space<vmem>>, vector<256x4096xf32>
    tpu.vector_store %arg4[%swap3A_442, %swap3A_443], %select_n3A_441 {strides = array<i32>} : memref<256x4096xf32, #tpu.memory_space<vmem>>, vector<256x4096xf32>,
    return
  }
  func.func @transform_0(%arg0: i32) -> (i32, i32) {
    %c0_i32 = arith.constant 0 : i32
    %c0_i32_0 = arith.constant 0 : i32
    return %c0_i32, %arg0 : i32, i32
  }
  func.func @transform_1(%arg0: i32) -> (i32, i32) {
    %c0_i32 = arith.constant 0 : i32
    %c0_i32_0 = arith.constant 0 : i32
    return %c0_i32, %arg0 : i32, i32
  }
  func.func @transform_2(%arg0: i32) -> (i32, i32) {
    %c0_i32 = arith.constant 0 : i32
    %c0_i32_0 = arith.constant 0 : i32
    return %arg0, %c0_i32 : i32, i32
  }
  func.func @transform_3(%arg0: i32) -> (i32, i32) {
    %c0_i32 = arith.constant 0 : i32
    %c0_i32_0 = arith.constant 0 : i32
    return %arg0, %c0_i32 : i32, i32
  }
}

</mosaic_0001>

<sc_bundles>
// kernel: kernel.4.cloned.1.call-start
scs
__scs_entry_jumppad:
0x0: {  	(pc) =	sbr.rel $0x88, $3  }
0x1: {  	(tag) =	ssettag $0x0;
	lr =	simm.s32 $0x1  }
0x2: {  	[smem:$0x3F9F] =	sst lr;
	_ =	strace $0xD0000000  }
0x3: {  	_ = 	snop  }
0x4: {  	_ = 	snop  }
0x5: {  	_ = 	snop  }
0x6: {  	_ = 	snop  }
0x7: {  	_ = 	snop  }
__scs_overlays_trampoline_lowered:
0x8: {  	[smem:$0x3FAE] =	sst s0  }
0x9: {  	[smem:$0x3FAF] =	sst s1  }
0xa: {  	[smem:$0x3FB0] =	sst s2  }
0xb: {  	[smem:$0x3FB1] =	sst s3  }
0xc: {  	[smem:$0x3FB2] =	sst s4  }
0xd: {  	[smem:$0x3FB3] =	sst s5  }
0xe: {  	[smem:$0x3FB4] =	sst s6  }
0xf: {  	[smem:$0x3FB5] =	sst s7  }
0x10: {  	[smem:$0x3FB6] =	sst s8  }
0x11: {  	[smem:$0x3FB7] =	sst s9;
	s0 =	simm.s32 @!p0 $0x0  }
0x12: {  	s1 =	sld [smem:$0x3F9D];
	s0 =	simm.s32 @p0 $0x1  }
0x13: {  	[smem:$0x3FB8] =	sst s0;
	s0 =	simm.s32 @!p1 $0x0  }
0x14: {  	s2 =	sld [smem:$0x3F9C];
	s0 =	simm.s32 @p1 $0x1  }
0x15: {  	[smem:$0x3FB9] =	sst s0;
	s0 =	simm.s32 @!p2 $0x0  }
0x16: {  	s3 =	sld [smem:$0x3FDB];
	s0 =	simm.s32 @p2 $0x1  }
0x17: {  	s4 =	simm.s32 $0x1BF5;
	[smem:$0x3FBB] =	sst s0  }
0x18: {  	s0 =	sld [smem:$0x3F9E];
	_ =	swait.ge [sflag:s4], $0x0  }
0x19: {  	s7 =	sld [smem:$0x3F9F]  }
0x1a: {  	s8 =	sadd.s32 $0xFFFFE003, lr  }
0x1b: {  	s9 =	sadd.s32 $0xFFFFFEF7, lr;
	s5 =	simm.s32 $0xFFFFFFFF;
	p2 =	slt.u32 s8, $0xFFFFF086  }
0x1c: {  	p1 =	slt.u32 s9, $0xF7A;
	s5 =	simm.s32 @!p2 $0x0  }
0x1d: {  	s5 =	simm.s32 @p1 $0x1;
	p0 =	seq.s32 s7, s2  }
0x1e: {  	s7 =	smul.u32 @!p0 $0xF7A, s2;
	p2 =	seq.s32 @!p0 s5, $0x0  }
0x1f: {  	s9 =	smul.u32 $0xF7A, s1;
	s8 =	simm.s32 @!p0 $0x1BF5;
	p2 =	por !p2, p0  }
0x20: {  	[sflag:s8] =	ssyncset.s32 @!p0 $0xFFFFF086;
	s6 =	sadd.s32 @!p0 s3, s7;
	s7 =	simm.s32 @!p0 $0x108  }
0x21: {  	s3 =	sadd.s32 s3, s9;
	s6 =	sadd.s32 @!p0 $0x88, s6;
	s7 =	simm.s32 @p2 $0x1082  }
0x22: {  	[simem:s7], [sflag:s8] =	dma.local @!p0 [hbm:s6], $0xF7A  }
0x23: {  	s9 =	sor.u32 $0xD0000000, s2;
	s6 =	simm.s32 $0x108;
	_ =	swait.ge @!p0 [sflag:s8], $0x0  }
0x24: {  	s3 =	sadd.s32 $0x88, s3;
	s6 =	simm.s32 @!p1 $0x1082;
	[sflag:s4] =	ssyncset.s32 $0xFFFFF086  }
0x25: {  	[simem:s6], [sflag:s4] =	dma.local [hbm:s3], $0xF7A  }
0x26: {  	[smem:$0x3F9F] =	sst s1;
	(tag) =	ssettag s2;
	_ =	strace s9  }
0x27: {  	s1 =	sld [smem:$0x3FAF]  }
0x28: {  	s2 =	sld [smem:$0x3FB0]  }
0x29: {  	s4 =	sld [smem:$0x3FB2]  }
0x2a: {  	p0 =	seq.s32 s5, $0x0;
	s5 =	sld [smem:$0x3FB3]  }
0x2b: {  	s6 =	sld [smem:$0x3FB4]  }
0x2c: {  	s7 =	sld [smem:$0x3FB5]  }
0x2d: {  	s3 =	simm.s32 $0x108;
	s8 =	sld [smem:$0x3FB6]  }
0x2e: {  	s3 =	simm.s32 @!p0 $0x1082;
	s9 =	sld [smem:$0x3FB7]  }
0x2f: {  	lr =	sadd.s32 s0, s3;
	s0 =	sld [smem:$0x3FAE]  }
0x30: {  	s3 =	sld [smem:$0x3FB1]  }
0x31: {  	[smem:$0x3FBA] =	sst s10  }
0x32: {  	s10 =	sld [smem:$0x3FB8];
	_ =	sdelay $0x3  }
0x33: {  	p0 =	seq.s32 s10, $0x1;
	s10 =	sld [smem:$0x3FBA];
	_ =	sdelay $0x3  }
0x34: {  	[smem:$0x3FBA] =	sst s10  }
0x35: {  	s10 =	sld [smem:$0x3FB9];
	_ =	sdelay $0x3  }
0x36: {  	p1 =	seq.s32 s10, $0x1;
	s10 =	sld [smem:$0x3FBA];
	_ =	sdelay $0x3  }
0x37: {  	[smem:$0x3FBA] =	sst s10  }
0x38: {  	s10 =	sld [smem:$0x3FBB]  }
0x39: {  	_ = 	snop;
	(pc) =	sbr.ind lr, $3  }
0x3a: {  	_ = 	snop  }
0x3b: {  	_ = 	snop  }
0x3c: {  	p2 =	seq.s32 s10, $0x1;
	s10 =	sld [smem:$0x3FBA]  }
0x3d: {  	_ =	shalt  }
0x3e: {  	_ =	shalt  }
0x3f: {  	_ =	shalt  }
0x40: {  	_ =	shalt  }
0x41: {  	_ =	shalt  }
0x42: {  	_ =	shalt  }
0x43: {  	_ =	shalt  }
0x44: {  	_ =	shalt  }
0x45: {  	_ =	shalt  }
0x46: {  	_ =	shalt  }
0x47: {  	_ =	shalt  }
0x48: {  	_ =	shalt  }
0x49: {  	_ =	shalt  }
0x4a: {  	_ =	shalt  }
0x4b: {  	_ =	shalt  }
0x4c: {  	_ =	shalt  }
0x4d: {  	_ =	shalt  }
0x4e: {  	_ =	shalt  }
0x4f: {  	_ =	shalt  }
0x50: {  	_ =	shalt  }
0x51: {  	_ =	shalt  }
0x52: {  	_ =	shalt  }
0x53: {  	_ =	shalt  }
0x54: {  	_ =	shalt  }
0x55: {  	_ =	shalt  }
0x56: {  	_ =	shalt  }
0x57: {  	_ =	shalt  }
0x58: {  	_ =	shalt  }
0x59: {  	_ =	shalt  }
0x5a: {  	_ =	shalt  }
0x5b: {  	_ =	shalt  }
0x5c: {  	_ =	shalt  }
0x5d: {  	_ =	shalt  }
0x5e: {  	_ =	shalt  }
0x5f: {  	_ =	shalt  }
0x60: {  	_ =	shalt  }
0x61: {  	_ =	shalt  }
0x62: {  	_ =	shalt  }
0x63: {  	_ =	shalt  }
0x64: {  	_ =	shalt  }
0x65: {  	_ =	shalt  }
0x66: {  	_ =	shalt  }
0x67: {  	_ =	shalt  }
0x68: {  	_ =	shalt  }
0x69: {  	_ =	shalt  }
0x6a: {  	_ =	shalt  }
0x6b: {  	_ =	shalt  }
0x6c: {  	_ =	shalt  }
0x6d: {  	_ =	shalt  }
0x6e: {  	_ =	shalt  }
0x6f: {  	_ =	shalt  }
0x70: {  	_ =	shalt  }
0x71: {  	_ =	shalt  }
0x72: {  	_ =	shalt  }
0x73: {  	_ =	shalt  }
0x74: {  	_ =	shalt  }
0x75: {  	_ =	shalt  }
0x76: {  	_ =	shalt  }
0x77: {  	_ =	shalt  }
0x78: {  	_ =	shalt  }
0x79: {  	_ =	shalt  }
0x7a: {  	_ =	shalt  }
0x7b: {  	_ =	shalt  }
0x7c: {  	_ =	shalt  }
0x7d: {  	_ =	shalt  }
0x7e: {  	_ =	shalt  }
0x7f: {  	_ =	shalt  }
0x80: {  	_ =	shalt  }
0x81: {  	_ =	shalt  }
0x82: {  	_ =	shalt  }
0x83: {  	_ =	shalt  }
0x84: {  	_ =	shalt  }
0x85: {  	_ =	shalt  }
0x86: {  	_ =	shalt  }
0x87: {  	_ =	shalt  }
.Lfunc_end0:
.L_simem_size_0:
called_computation_lowered:
.L_overlay_start_0:
0x88: {  	s2 =	sld [smem:$0x3FD9]  }
0x89: {  	s3 =	sld [smem:$0x3FFE];
	_ =	sdelay $0x1  }
0x8a: {  	s1 =	srdreg.scid  }
0x8b: {  	s0 =	sand.u32 $0x1, s1  }
0x8c: {  	s16 =	sshll.u32 s0, $0xA;
	s2 =	sadd.s32 s3, s2  }
0x8d: {  	s2 =	sadd.s32 s2, s16  }
0x8e: {  	[smem:$0x3FC6] =	sst s2  }
0x8f: {  	_ = 	snop  }
0x90: {  	(tm) =	ssettm $0x1  }
0x91: {  	s17 =	sld [smem:$0x3FFB];
	_ =	sdelay $0x3  }
0x92: {  	_ =	strace s17  }
0x93: {  	s2 =	sld [smem:$0x3FFC];
	_ =	sdelay $0x3  }
0x94: {  	_ =	strace s2  }
0x95: {  	s2 =	sld [smem:$0x3FFD];
	_ =	sdelay $0x3  }
0x96: {  	_ =	strace s2  }
0x97: {  	_ =	strace $0x8FFFFFFF  }
0x98: {  	s18 =	sld [smem:$0x3FDB];
	_ =	sdelay $0x1  }
0x99: {  	s19 =	simm.s32 $_scs_section_size  }
0x9a: {  	s4 =	simm.s32 $_size__tile_overlayer_lowered;
	s5 =	simm.s32 $_tile_overlayer_lowered  }
0x9b: {  	s22 =	simm.s32 $0x1BFF;
	s21 =	sshll.u32 s5, $0x1;
	s2 =	sadd.s32 s19, s18  }
0x9c: {  	s6 =	simm.s32 $0x0;
	s20 =	sshll.u32 s4, $0x1;
	s4 =	sadd.s32 s21, s2  }
0x9d: {  	[timem:s6], [sflag:s22] =	dma.local [hbm:s4], s20  }
0x9e: {  	_ =	swait.ge [sflag:s22], s20  }
0x9f: {  	s3 =	ssub.s32 $0x0, s20;
	[sflag:s22] =	ssyncset.done $0x0  }
0xa0: {  	[sflag:s22] =	ssyncadd.s32 s3;
	_ =	sdelay $0x1  }
0xa1: {  	s23 =	simm.s32 $0x1B8B  }
0xa2: {  	_ =	swait.ge [sflag:s23], $0x1  }
0xa3: {  	[sflag:s23] =	ssyncset.done $0x0  }
0xa4: {  	s25 =	simm.s32 $0x1B8E;
	s24 =	sld [smem:$0x3FFE];
	[sflag:s23] =	ssyncadd.s32 $0xFFFFFFFF  }
0xa5: {  	s26 =	simm.s32 $execute0_lowered;
	[smem:$0x3FD2] =	sst s25  }
0xa6: {  	s4 =	sshll.u32 s26, $0x1;
	_ =	strace $0x80000046;
	[dreg:$0x1] =	wrdreg $0xFFFFFFFF  }
0xa7: {  	s28 =	simm.s32 $_size_execute0_lowered;
	s2 =	sadd.s32 s2, s4;
	[dreg:$0x0] =	wrdreg $0x0  }
0xa8: {  	s4 =	sshll.u32 s28, $0x1;
	[dreg:$0x2] =	wrdreg s2  }
0xa9: {  	[dreg:$0x3] =	wrdreg s4  }
0xaa: {  	[dreg:$0x4] =	wrdreg $0xC0  }
0xab: {  	_ =	task [dreg:s6], $0x5FFFF  }
0xac: {  	[dreg:$0x1] =	wrdreg $0xFFFFFFFF  }
0xad: {  	[dreg:$0x0] =	wrdreg $0x60  }
0xae: {  	[dreg:$0x2] =	wrdreg s24  }
0xaf: {  	[dreg:$0x3] =	wrdreg $0x9  }
0xb0: {  	_ =	task.clear_ibuf [dreg:s6], $0x4FFFF;
	_ =	strace $0x90000046  }
0xb1: {  	s29 =	simm.s32 $0x9;
	_ =	strace $0x80000048  }
0xb2: {  	_ =	swait.ge [sflag:s29], $0x1  }
0xb3: {  	[sflag:s29] =	ssyncadd.s32 $0xFFFFFFFF  }
0xb4: {  	_ =	strace $0x90000048  }
0xb5: {  	_ =	sfence  }
0xb6: {  	s30 =	sld [smem:$0x0];
	_ =	sdelay $0x2  }
0xb7: {  	s31 =	sshll.u32 s1, $0xD;
	s1 =	sshrl.u32 s1, $0x2  }
0xb8: {  	s3 =	sand.u32 $0x4000, s31;
	s1 =	sadd.s32 s1, s30  }
0xb9: {  	s0 =	sor.u32 s3, s0;
	s1 =	sshll.u32 s1, $0x11  }
0xba: {  	s0 =	sor.u32 s1, s0  }
0xbb: {  	s0 =	sadd.s32 $0x8F2B, s0  }
0xbc: {  	[sflag:s0] =	ssyncadd.remote.s32 $0x1  }
0xbd: {  	_ =	sfence.sel $0xFFFF  }
0xbe: {  	[dreg:$0x0] =	wrdreg $0xFFFFFFFF;
	(pc) =	sbr.abs _section_cstart, $3  }
0xbf: {  	[dreg:$0x1] =	wrdreg $0xFFFFFFFF  }
0xc0: {  	_ =	task.clear_ibuf [dreg:s6], $0x2FFFF;
	_ =	strace $0x9FFFFFFF  }
0xc1: {  	(tm) =	ssettm $0x7FFFFFFF  }
tec
execute0_lowered:
.L_overlay_start_1:
0x0: {  	(tag) =	ssettag $0x1  }
0x1: {  	s6 =	rddreg [dreg:$0x0]  }
0x2: {  	s0 =	rddreg [dreg:$0x1];
	s2 =	simm.s32 $0x0;
	s3 =	srdreg.scid  }
0x3: {  	s1 =	stileid.u32;
	s13 =	simm.s32 $0x3;
	s14 =	simm.s32 $0x1000  }
0x4: {  	s15 =	simm.s32 $0x2000;
	s16 =	simm.s32 $0x3000;
	s17 =	simm.s32 $0x2  }
0x5: {  	s18 =	simm.s32 $0x1;
	s19 =	simm.s32 $0x4000;
	s20 =	simm.s32 $0x0  }
0x6: {  	[smem:$0x7FF] =	sst s2;
	s4 =	sand.u32 $0x1, s3;
	s31 =	sshll.u32 s1, $0x1  }
0x7: {  	s3 =	sadd.s32 $0x400, s6;
	_ =	strace $0x80000047;
	s5 =	sor.u32 s4, s31  }
0x8: {  	s7 =	ssub.s32 $0x2, s4;
	s4 =	smul.u32 $0x18, s5;
	s8 =	sshll.u32 s5, $0x4  }
0x9: {  	s9 =	sshrl.u32 s7, $0x1;
	s10 =	smul.u32 $0x3000, s5;
	s5 =	sadd.s32 $0xC0400, s6  }
0xa: {  	s11 =	sadd.s32 s8, s6;
	s12 =	ssub.s32 s7, s9;
	s6 =	sadd.s32 $0x17, s4  }
0xb: {  	s7 =	sadd.s32 s3, s10;
	s8 =	sadd.s32 s5, s10;
	s9 =	sadd.s32 $0x60400, s11  }
0xc: {  	v0 =	vimm.s32 $0x7FF;
	v1 =	vimm.s32 $0x0;
	v2 =	vlaneseq.u32;
	s10 =	smax.u32 s12, $0x1;
	s11 =	simm.s32 $0x80;
	s12 =	simm.s32 $0x400  }
.LBB2_1:
0xd: {  	[tilespmem:s2], [sflag:$0x3] =	stream.strided.gather [hbm4b:s7+s11], $0x1000, s12, s11, $0x38;
	[tilespmem:$0x4080] =	vst v63  }
0xe: {  	_ =	swait.ge [sflag:s13], $0x1000  }
0xf: {  	[sflag:s13] =	ssyncset.done $0x0  }
0x10: {  	[sflag:s13] =	ssyncadd.s32 $0xFFFFF000  }
0x11: {  	[tilespmem:s14], [sflag:$0x3] =	stream.strided.gather [hbm4b:s8+s11], $0x1000, s12, s11, $0x38;
	[tilespmem:$0x4080] =	vst v63  }
0x12: {  	_ =	swait.ge [sflag:s13], $0x1000  }
0x13: {  	[sflag:s13] =	ssyncset.done $0x0  }
0x14: {  	v14 =	vimm.f32 $0.0e+00;
	s21 =	simm.s32 $0x0;
	[sflag:s13] =	ssyncadd.s32 $0xFFFFF000  }
.LBB2_2:
0x15: {  	s22 =	sshll.u32 s21, $0x1  }
0x16: {  	s22 =	sadd.s32 s4, s22  }
0x17: {  	s23 =	sor.u32 $0x1, s22  }
0x18: {  	s23 =	smin.u32 s23, s6  }
0x19: {  	s24 =	sshll.u32 s23, $0x9;
	s23 =	sshll.u32 s23, $0x4  }
0x1a: {  	s24 =	sand.u32 $0xFF000, s24;
	s23 =	sand.u32 $0x70, s23  }
0x1b: {  	s23 =	sor.u32 s23, s24  }
0x1c: {  	s24 =	sadd.s32 s3, s23  }
0x1d: {  	[tilespmem:s15], [sflag:$0x2] =	stream.strided.gather [hbm4b:s24+s11], $0x1000, s12, s11, $0x38;
	[tilespmem:$0x4080] =	vst v63  }
0x1e: {  	s23 =	sadd.s32 s5, s23  }
0x1f: {  	[tilespmem:s16], [sflag:$0x2] =	stream.strided.gather [hbm4b:s23+s11], $0x1000, s12, s11, $0x38;
	[tilespmem:$0x4080] =	vst v63  }
0x20: {  	s30 =	simm.s32 $0x20;
	v4 =	vld.idx.msk [tilespmem:v0+s14+$0x0], $0xffff  }
0x21: {  	v7 =	vld [tilespmem:s30+$0x10]  }
0x22: {  	v9 =	vld [tilespmem:s30+$0x0]  }
0x23: {  	v15 =	vld [tilespmem:s30+$0xFFFFFFE0];
	_ =	sdelay $0x1  }
0x24: {  	v11 =	vld [tilespmem:s30+$0xFFFFFFF0]  }
0x25: {  	vm0 =	vlt.f32 v4, v7  }
0x26: {  	vm1 =	vlt.f32 v4, v9;
	v3 =	vsel vm0, $0x800, v1  }
0x27: {  	vm0 =	vlt.f32 v4, v15;
	v5 =	vsel vm1, $0x800, v1;
	v6 =	vor.u32 $0x3FF, v3  }
0x28: {  	v8 =	vsel vm0, $0x800, v1;
	v10 =	vor.u32 $0x3FF, v5  }
0x29: {  	vm0 =	vlt.f32 v4, v11;
	v12 =	vor.u32 $0x3FF, v8  }
0x2a: {  	v13 =	vsel vm0, $0x800, v1  }
0x2b: {  	v16 =	vor.u32 $0x3FF, v13  }
0x2c: {  	v6 =	vld.idx.msk [tilespmem:v6+s14+$0x0], $0xffff  }
0x2d: {  	v10 =	vld.idx.msk [tilespmem:v10+s14+$0x0], $0xffff  }
0x2e: {  	v12 =	vld.idx.msk [tilespmem:v12+s14+$0x0], $0xffff;
	_ =	sdelay $0x1  }
0x2f: {  	v16 =	vld.idx.msk [tilespmem:v16+s14+$0x0], $0xffff  }
0x30: {  	v17 =	vor.u32 $0x400, v5  }
0x31: {  	v18 =	vor.u32 $0x400, v3;
	vm0 =	vlt.f32 v10, v9;
	vm1 =	vlt.f32 v6, v7  }
0x32: {  	v6 =	vor.u32 $0x400, v8;
	v3 =	vsel vm1, v18, v3;
	vm1 =	vlt.f32 v12, v15  }
0x33: {  	v5 =	vsel vm0, v17, v5;
	v10 =	vor.u32 $0x1FF, v3;
	v6 =	vsel vm1, v6, v8  }
0x34: {  	vm0 =	vlt.f32 v16, v11;
	v8 =	vor.u32 $0x400, v13;
	v12 =	vor.u32 $0x1FF, v6  }
0x35: {  	v16 =	vor.u32 $0x1FF, v5;
	v8 =	vsel vm0, v8, v13  }
0x36: {  	v13 =	vor.u32 $0x1FF, v8;
	_ =	sdelay $0x1  }
0x37: {  	v10 =	vld.idx.msk [tilespmem:v10+s14+$0x0], $0xffff  }
0x38: {  	v12 =	vld.idx.msk [tilespmem:v12+s14+$0x0], $0xffff  }
0x39: {  	v16 =	vld.idx.msk [tilespmem:v16+s14+$0x0], $0xffff  }
0x3a: {  	v13 =	vld.idx.msk [tilespmem:v13+s14+$0x0], $0xffff  }
0x3b: {  	v17 =	vor.u32 $0x200, v5  }
0x3c: {  	v18 =	vor.u32 $0x200, v3;
	v19 =	vor.u32 $0x200, v6;
	vm0 =	vlt.f32 v10, v7  }
0x3d: {  	v10 =	vor.u32 $0x200, v8;
	v3 =	vsel vm0, v18, v3;
	vm0 =	vlt.f32 v12, v15  }
0x3e: {  	vm1 =	vlt.f32 v16, v9;
	v12 =	vor.u32 $0xFF, v3;
	v6 =	vsel vm0, v19, v6  }
0x3f: {  	v5 =	vsel vm1, v17, v5;
	vm0 =	vlt.f32 v13, v11;
	v13 =	vor.u32 $0xFF, v6  }
0x40: {  	v8 =	vsel vm0, v10, v8;
	v10 =	vor.u32 $0xFF, v5  }
0x41: {  	v16 =	vor.u32 $0xFF, v8;
	_ =	sdelay $0x1  }
0x42: {  	v12 =	vld.idx.msk [tilespmem:v12+s14+$0x0], $0xffff  }
0x43: {  	v13 =	vld.idx.msk [tilespmem:v13+s14+$0x0], $0xffff  }
0x44: {  	v10 =	vld.idx.msk [tilespmem:v10+s14+$0x0], $0xffff  }
0x45: {  	v16 =	vld.idx.msk [tilespmem:v16+s14+$0x0], $0xffff  }
0x46: {  	v17 =	vor.u32 $0x100, v3  }
0x47: {  	v19 =	vor.u32 $0x100, v5;
	v18 =	vor.u32 $0x100, v8;
	vm0 =	vlt.f32 v12, v7  }
0x48: {  	v12 =	vor.u32 $0x100, v6;
	v3 =	vsel vm0, v17, v3;
	vm0 =	vlt.f32 v13, v15  }
0x49: {  	vm1 =	vlt.f32 v10, v9;
	v10 =	vadd.s32 $0x7F, v3;
	v6 =	vsel vm0, v12, v6  }
0x4a: {  	vm0 =	vlt.f32 v16, v11;
	v5 =	vsel vm1, v19, v5;
	v12 =	vadd.s32 $0x7F, v6  }
0x4b: {  	v16 =	vsel vm0, v18, v8;
	v8 =	vadd.s32 $0x7F, v5  }
0x4c: {  	v13 =	vadd.s32 $0x7F, v16;
	_ =	sdelay $0x1  }
0x4d: {  	v10 =	vld.idx.msk [tilespmem:v10+s14+$0x0], $0xffff  }
0x4e: {  	v12 =	vld.idx.msk [tilespmem:v12+s14+$0x0], $0xffff  }
0x4f: {  	v17 =	vld.idx.msk [tilespmem:v8+s14+$0x0], $0xffff  }
0x50: {  	v19 =	vld.idx.msk [tilespmem:v13+s14+$0x0], $0xffff  }
0x51: {  	v20 =	vadd.s32 $0x80, v5  }
0x52: {  	s31 =	simm.s32 $0x60;
	v18 =	vadd.s32 $0x80, v6;
	v13 =	vadd.s32 $0x80, v3;
	vm0 =	vlt.f32 v10, v7  }
0x53: {  	v8 =	vld [tilespmem:s31+$0x10];
	v10 =	vadd.s32 $0x80, v16;
	v3 =	vsel vm0, v13, v3;
	vm0 =	vlt.f32 v12, v15  }
0x54: {  	v13 =	vld [tilespmem:s31+$0x0];
	vm1 =	vlt.f32 v17, v9;
	v12 =	vadd.s32 $0x3F, v3;
	v6 =	vsel vm0, v18, v6  }
0x55: {  	v18 =	vld [tilespmem:s31+$0xFFFFFFF0];
	vm0 =	vlt.f32 v19, v11;
	v5 =	vsel vm1, v20, v5;
	v19 =	vadd.s32 $0x3F, v6  }
0x56: {  	v17 =	vld [tilespmem:s31+$0xFFFFFFE0];
	v10 =	vsel vm0, v10, v16;
	v16 =	vadd.s32 $0x3F, v5  }
0x57: {  	v20 =	vadd.s32 $0x3F, v10  }
0x58: {  	vm0 =	vlt.f32 v4, v8  }
0x59: {  	v21 =	vsel vm0, $0x800, v1;
	vm1 =	vlt.f32 v4, v13;
	v12 =	vld.idx.msk [tilespmem:v12+s14+$0x0], $0xffff  }
0x5a: {  	v23 =	vor.u32 $0x3FF, v21;
	vm0 =	vlt.f32 v4, v18;
	v22 =	vsel vm1, $0x800, v1;
	v19 =	vld.idx.msk [tilespmem:v19+s14+$0x0], $0xffff  }
0x5b: {  	vm1 =	vlt.f32 v4, v17;
	v24 =	vsel vm0, $0x800, v1;
	v25 =	vor.u32 $0x3FF, v22;
	v16 =	vld.idx.msk [tilespmem:v16+s14+$0x0], $0xffff  }
0x5c: {  	v26 =	vsel vm1, $0x800, v1;
	v27 =	vor.u32 $0x3FF, v24;
	v20 =	vld.idx.msk [tilespmem:v20+s14+$0x0], $0xffff  }
0x5d: {  	v29 =	vadd.s32 $0x40, v3;
	v28 =	vor.u32 $0x3FF, v26  }
0x5e: {  	v31 =	vadd.s32 $0x40, v5;
	v30 =	vadd.s32 $0x40, v10;
	vm0 =	vlt.f32 v12, v7  }
0x5f: {  	v12 =	vld.idx.msk [tilespmem:v23+s14+$0x0], $0xffff;
	v23 =	vadd.s32 $0x40, v6;
	v3 =	vsel vm0, v29, v3;
	vm0 =	vlt.f32 v19, v15  }
0x60: {  	v19 =	vld.idx.msk [tilespmem:v25+s14+$0x0], $0xffff;
	vm1 =	vlt.f32 v16, v9;
	v16 =	vadd.s32 $0x1F, v3;
	v6 =	vsel vm0, v23, v6  }
0x61: {  	vm0 =	vlt.f32 v20, v11;
	v5 =	vsel vm1, v31, v5;
	v20 =	vld.idx.msk [tilespmem:v27+s14+$0x0], $0xffff;
	v23 =	vadd.s32 $0x1F, v6  }
0x62: {  	v27 =	vld.idx.msk [tilespmem:v28+s14+$0x0], $0xffff;
	v10 =	vsel vm0, v30, v10;
	v25 =	vadd.s32 $0x1F, v5  }
0x63: {  	v28 =	vadd.s32 $0x1F, v10  }
0x64: {  	v29 =	vor.u32 $0x400, v21;
	v31 =	vadd.s32 $0x20, v3  }
0x65: {  	vm0 =	vlt.f32 v12, v8;
	v12 =	vor.u32 $0x400, v22;
	vm1 =	vlt.f32 v19, v13;
	v16 =	vld.idx.msk [tilespmem:v16+s14+$0x0], $0xffff  }
0x66: {  	v19 =	vsel vm0, v29, v21;
	v12 =	vsel vm1, v12, v22;
	vm0 =	vlt.f32 v20, v18;
	v20 =	vld.idx.msk [tilespmem:v23+s14+$0x0], $0xffff  }
0x67: {  	v21 =	vor.u32 $0x1FF, v19;
	vm1 =	vlt.f32 v27, v17;
	v22 =	vld.idx.msk [tilespmem:v25+s14+$0x0], $0xffff;
	v23 =	vor.u32 $0x400, v24  }
0x68: {  	v25 =	vor.u32 $0x400, v26;
	v27 =	vor.u32 $0x1FF, v12;
	v28 =	vld.idx.msk [tilespmem:v28+s14+$0x0], $0xffff;
	v23 =	vsel vm0, v23, v24  }
0x69: {  	v30 =	vadd.s32 $0x20, v5;
	v24 =	vsel vm1, v25, v26;
	v25 =	vor.u32 $0x1FF, v23  }
0x6a: {  	v29 =	vadd.s32 $0x20, v10;
	v26 =	vor.u32 $0x1FF, v24;
	vm0 =	vlt.f32 v16, v7  }
0x6b: {  	v16 =	vadd.s32 $0x20, v6;
	vm1 =	vlt.f32 v20, v15;
	v20 =	vsel vm0, v31, v3  }
0x6c: {  	v3 =	vld.idx.msk [tilespmem:v21+s14+$0x0], $0xffff;
	vm0 =	vlt.f32 v22, v9;
	v6 =	vsel vm1, v16, v6;
	v16 =	vadd.s32 $0xF, v20  }
0x6d: {  	v21 =	vld.idx.msk [tilespmem:v27+s14+$0x0], $0xffff;
	vm1 =	vlt.f32 v28, v11;
	v22 =	vsel vm0, v30, v5;
	v5 =	vadd.s32 $0xF, v6  }
0x6e: {  	v27 =	vsel vm1, v29, v10;
	v10 =	vadd.s32 $0xF, v22;
	v25 =	vld.idx.msk [tilespmem:v25+s14+$0x0], $0xffff  }
0x6f: {  	v26 =	vld.idx.msk [tilespmem:v26+s14+$0x0], $0xffff;
	v28 =	vadd.s32 $0xF, v27  }
0x70: {  	v31 =	vor.u32 $0x200, v24;
	v30 =	vor.u32 $0x200, v19;
	v33 =	vadd.s32 $0x10, v20  }
0x71: {  	v29 =	vor.u32 $0x200, v12;
	v32 =	vadd.s32 $0x10, v22;
	vm0 =	vlt.f32 v3, v8;
	v16 =	vld.idx.msk [tilespmem:v16+s14+$0x0], $0xffff  }
0x72: {  	v3 =	vor.u32 $0x200, v23;
	vm1 =	vlt.f32 v21, v13;
	v21 =	vsel vm0, v30, v19;
	v19 =	vld.idx.msk [tilespmem:v5+s14+$0x0], $0xffff  }
0x73: {  	v12 =	vsel vm1, v29, v12;
	vm0 =	vlt.f32 v25, v18;
	v25 =	vor.u32 $0xFF, v21;
	v29 =	vld.idx.msk [tilespmem:v10+s14+$0x0], $0xffff  }
0x74: {  	s26 =	simm.s32 $0xA0;
	vm1 =	vlt.f32 v26, v17;
	v26 =	vor.u32 $0xFF, v12;
	v23 =	vsel vm0, v3, v23;
	v28 =	vld.idx.msk [tilespmem:v28+s14+$0x0], $0xffff  }
0x75: {  	v62 =	vor.u32 $0x100, v21;
	v24 =	vsel vm1, v31, v24;
	v3 =	vld [tilespmem:s26+$0x10];
	v30 =	vor.u32 $0xFF, v23  }
0x76: {  	v10 =	vld [tilespmem:s26+$0xFFFFFFF0];
	v35 =	vor.u32 $0x100, v12;
	v31 =	vor.u32 $0xFF, v24;
	v34 =	vor.u32 $0x100, v23  }
0x77: {  	v5 =	vld [tilespmem:s26+$0x0];
	vm0 =	vlt.f32 v16, v7;
	v16 =	vadd.s32 $0x10, v6;
	vm1 =	vlt.f32 v19, v15  }
0x78: {  	v19 =	vadd.s32 $0x10, v27;
	v25 =	vld.idx.msk [tilespmem:v25+s14+$0x0], $0xffff;
	v20 =	vsel vm0, v33, v20;
	vm0 =	vlt.f32 v29, v9  }
0x79: {  	v6 =	vsel vm1, v16, v6;
	v16 =	vld.idx.msk [tilespmem:v26+s14+$0x0], $0xffff;
	v26 =	vadd.s32 $0x7, v20;
	vm1 =	vlt.f32 v28, v11  }
0x7a: {  	v22 =	vsel vm0, v32, v22;
	vm2 =	vlt.f32 v4, v3;
	v28 =	vld.idx.msk [tilespmem:v30+s14+$0x0], $0xffff;
	v29 =	vadd.s32 $0x7, v6  }
0x7b: {  	vm0 =	vlt.f32 v4, v10;
	v27 =	vsel vm1, v19, v27;
	v30 =	vld.idx.msk [tilespmem:v31+s14+$0x0], $0xffff;
	v31 =	vadd.s32 $0x7, v22  }
0x7c: {  	v46 =	vadd.s32 $0x8, v20;
	vm1 =	vlt.f32 v4, v5;
	v61 =	vadd.s32 $0x7, v27  }
0x7d: {  	v63 =	vsel vm2, $0x800, v1;
	v36 =	vadd.s32 $0x8, v22;
	v47 =	vadd.s32 $0x8, v27  }
0x7e: {  	v48 =	vsel vm1, $0x800, v1;
	v38 =	vor.u32 $0x3FF, v63;
	vm3 =	vlt.f32 v25, v8;
	v25 =	vld.idx.msk [tilespmem:v26+s14+$0x0], $0xffff  }
0x7f: {  	v26 =	vor.u32 $0x100, v24;
	vm4 =	vlt.f32 v16, v13;
	v16 =	vsel vm3, v62, v21;
	v21 =	vld.idx.msk [tilespmem:v29+s14+$0x0], $0xffff  }
0x80: {  	vm3 =	vlt.f32 v28, v18;
	v12 =	vsel vm4, v35, v12;
	v28 =	vadd.s32 $0x7F, v16;
	v29 =	vld.idx.msk [tilespmem:v31+s14+$0x0], $0xffff  }
0x81: {  	vm13 =	vlt.f32 v30, v17;
	v23 =	vsel vm3, v34, v23;
	v30 =	vadd.s32 $0x7F, v12;
	v31 =	vld.idx.msk [tilespmem:v61+s14+$0x0], $0xffff  }
0x82: {  	v39 =	vor.u32 $0x400, v63;
	v24 =	vsel vm13, v26, v24;
	v26 =	vadd.s32 $0x7F, v23  }
0x83: {  	v19 =	vld [tilespmem:s26+$0xFFFFFFE0];
	v37 =	vor.u32 $0x400, v48;
	v45 =	vadd.s32 $0x7F, v24;
	vm2 =	vlt.f32 v25, v7  }
0x84: {  	vm14 =	vlt.f32 v21, v15;
	v21 =	vadd.s32 $0x8, v6;
	v25 =	vsel vm2, v46, v20  }
0x85: {  	v28 =	vld.idx.msk [tilespmem:v28+s14+$0x0], $0xffff;
	vm2 =	vlt.f32 v29, v9;
	v6 =	vsel vm14, v21, v6;
	v21 =	vadd.s32 $0x3, v25  }
0x86: {  	v29 =	vld.idx.msk [tilespmem:v30+s14+$0x0], $0xffff;
	vm15 =	vlt.f32 v31, v11;
	v31 =	vsel vm2, v36, v22;
	v30 =	vadd.s32 $0x3, v6  }
0x87: {  	v40 =	vor.u32 $0x3FF, v48;
	v26 =	vld.idx.msk [tilespmem:v26+s14+$0x0], $0xffff;
	v27 =	vsel vm15, v47, v27;
	v49 =	vadd.s32 $0x3, v31  }
0x88: {  	v42 =	vadd.s32 $0x80, v16;
	vm3 =	vlt.f32 v4, v19;
	v33 =	vld.idx.msk [tilespmem:v45+s14+$0x0], $0xffff;
	v50 =	vadd.s32 $0x3, v27  }
0x89: {  	v41 =	vadd.s32 $0x80, v12;
	v43 =	vadd.s32 $0x80, v24;
	v44 =	vadd.s32 $0x80, v23  }
0x8a: {  	v20 =	vsel vm3, $0x800, v1;
	v22 =	vsel vm0, $0x800, v1;
	v54 =	vadd.s32 $0x4, v25;
	v21 =	vld.idx.msk [tilespmem:v21+s14+$0x0], $0xffff  }
0x8b: {  	v58 =	vor.u32 $0x3FF, v20;
	v56 =	vadd.s32 $0x4, v31;
	vm0 =	vlt.f32 v28, v8;
	v28 =	vld.idx.msk [tilespmem:v30+s14+$0x0], $0xffff  }
0x8c: {  	vm2 =	vlt.f32 v29, v13;
	v16 =	vsel vm0, v42, v16;
	vm1 =	vlt.f32 v26, v18;
	v26 =	vld.idx.msk [tilespmem:v49+s14+$0x0], $0xffff  }
0x8d: {  	vm0 =	vlt.f32 v33, v17;
	v12 =	vsel vm2, v41, v12;
	v29 =	vadd.s32 $0x3F, v16;
	v30 =	vld.idx.msk [tilespmem:v50+s14+$0x0], $0xffff  }
0x8e: {  	v33 =	vsel vm0, v43, v24;
	v51 =	vsel vm1, v44, v23;
	v23 =	vadd.s32 $0x3F, v12  }
0x8f: {  	v40 =	vld.idx.msk [tilespmem:v40+s14+$0x0], $0xffff;
	v52 =	vadd.s32 $0x3F, v33;
	v53 =	vadd.s32 $0x3F, v51;
	vm0 =	vlt.f32 v21, v7  }
0x90: {  	v24 =	vld.idx.msk [tilespmem:v38+s14+$0x0], $0xffff;
	v21 =	vadd.s32 $0x4, v6;
	vm1 =	vlt.f32 v28, v15;
	v41 =	vsel vm0, v54, v25  }
0x91: {  	v55 =	vadd.s32 $0x4, v27;
	v6 =	vsel vm1, v21, v6;
	v21 =	vadd.s32 $0x1, v41  }
0x92: {  	vm0 =	vlt.f32 v26, v9;
	v26 =	vld.idx.msk [tilespmem:v29+s14+$0x0], $0xffff;
	vm1 =	vlt.f32 v30, v11;
	v30 =	vor.u32 $0x3FF, v22  }
0x93: {  	v60 =	vadd.s32 $0x40, v12;
	v31 =	vsel vm0, v56, v31;
	v29 =	vld.idx.msk [tilespmem:v23+s14+$0x0], $0xffff;
	v28 =	vadd.s32 $0x1, v6  }
0x94: {  	v59 =	vadd.s32 $0x40, v51;
	v42 =	vsel vm1, v55, v27;
	v27 =	vadd.s32 $0x1, v31;
	v38 =	vld.idx.msk [tilespmem:v53+s14+$0x0], $0xffff  }
0x95: {  	vm0 =	vlt.f32 v40, v5;
	vm1 =	vlt.f32 v24, v3;
	v36 =	vld.idx.msk [tilespmem:v52+s14+$0x0], $0xffff;
	v57 =	vadd.s32 $0x1, v42  }
0x96: {  	v23 =	vsel vm0, v37, v48;
	v24 =	vadd.s32 $0x40, v16;
	v25 =	vsel vm1, v39, v63;
	v21 =	vld.idx.msk [tilespmem:v21+s14+$0x0], $0xffff  }
0x97: {  	v34 =	vor.u32 $0x1FF, v23;
	v32 =	vor.u32 $0x1FF, v25;
	vm0 =	vlt.f32 v26, v8;
	v63 =	vld.idx.msk [tilespmem:v30+s14+$0x0], $0xffff  }
0x98: {  	vm1 =	vlt.f32 v29, v13;
	v26 =	vsel vm0, v24, v16;
	v61 =	vld.idx.msk [tilespmem:v28+s14+$0x0], $0xffff;
	v28 =	vadd.s32 $0x40, v33  }
0x99: {  	v16 =	vld.idx.msk [tilespmem:v27+s14+$0x0], $0xffff;
	vm0 =	vlt.f32 v38, v18;
	v24 =	vsel vm1, v60, v12;
	v29 =	vadd.s32 $0x1F, v26  }
0x9a: {  	vm1 =	vlt.f32 v36, v17;
	v62 =	vld.idx.msk [tilespmem:v57+s14+$0x0], $0xffff;
	v27 =	vsel vm0, v59, v51;
	v30 =	vadd.s32 $0x1F, v24  }
0x9b: {  	v35 =	vld.idx.msk [tilespmem:v58+s14+$0x0], $0xffff;
	v28 =	vsel vm1, v28, v33;
	v37 =	vadd.s32 $0x1F, v27  }
0x9c: {  	v12 =	vadd.s32 $0x2, v41;
	v33 =	vld.idx.msk [tilespmem:v32+s14+$0x0], $0xffff;
	v32 =	vadd.s32 $0x1F, v28;
	vm0 =	vlt.f32 v21, v7  }
0x9d: {  	v34 =	vld.idx.msk [tilespmem:v34+s14+$0x0], $0xffff;
	v21 =	vadd.s32 $0x2, v6;
	vm1 =	vlt.f32 v61, v15;
	v12 =	vsel vm0, v12, v41  }
0x9e: {  	v29 =	vld.idx.msk [tilespmem:v29+s14+$0x0], $0xffff;
	vm0 =	vlt.f32 v16, v9;
	v16 =	vadd.s32 $0x2, v31;
	v6 =	vsel vm1, v21, v6  }
0x9f: {  	s25 =	simm.s32 $0x31;
	v30 =	vld.idx.msk [tilespmem:v30+s14+$0x0], $0xffff;
	vm1 =	vlt.f32 v62, v11;
	v21 =	vadd.s32 $0x2, v42;
	v16 =	vsel vm0, v16, v31  }
0xa0: {  	s28 =	simm.s32 $0xF1;
	s24 =	simm.s32 $0x71;
	s23 =	simm.s32 $0xB1;
	v36 =	vor.u32 $0x400, v22;
	vm0 =	vlt.f32 v63, v10;
	v31 =	vld.idx.msk [tilespmem:v37+s14+$0x0], $0xffff;
	v21 =	vsel vm1, v21, v42  }
.LBB2_3:
0xa1: {  	p0 =	sne.s32 s28, $0xFF1;
	vm1 =	vlt.f32 v35, v19;
	v35 =	vor.u32 $0x400, v20;
	v22 =	vsel vm0, v36, v22;
	v32 =	vld.idx.msk [tilespmem:v32+s14+$0x0], $0xffff  }
0xa2: {  	v36 =	vor.u32 $0x200, v25;
	v20 =	vsel vm1, v35, v20;
	v35 =	vor.u32 $0x200, v23;
	v37 =	vld.idx.msk [tilespmem:v12+s14+$0x0], $0xffff  }
0xa3: {  	v39 =	vor.u32 $0x1FF, v22;
	v40 =	vor.u32 $0x200, v22;
	v38 =	vor.u32 $0x200, v20;
	v41 =	vld.idx.msk [tilespmem:v6+s14+$0x0], $0xffff  }
0xa4: {  	vm0 =	vlt.f32 v34, v5;
	vm1 =	vlt.f32 v33, v3;
	v42 =	vor.u32 $0x1FF, v20;
	v33 =	vld.idx.msk [tilespmem:v16+s14+$0x0], $0xffff  }
0xa5: {  	v43 =	vadd.s32 $0x20, v24;
	v44 =	vadd.s32 $0x20, v26;
	v34 =	vadd.s32 $0x20, v27;
	v45 =	vld.idx.msk [tilespmem:v21+s14+$0x0], $0xffff  }
0xa6: {  	v46 =	vadd.s32 $0x20, v28;
	vm3 =	vlt.f32 v29, v8;
	vm2 =	vlt.f32 v30, v13  }
0xa7: {  	v26 =	vsel vm3, v44, v26;
	vm5 =	vlt.f32 v31, v18;
	vm4 =	vlt.f32 v32, v17  }
0xa8: {  	v24 =	vsel vm2, v43, v24;
	v27 =	vsel vm5, v34, v27;
	v28 =	vsel vm4, v46, v28  }
0xa9: {  	v30 =	vadd.s32 $0xF, v26;
	v29 =	vadd.s32 $0xF, v24;
	vm2 =	vlt.f32 v41, v15  }
0xaa: {  	s29 =	sadd.s32 $0xFFFFFFD0, s25;
	v31 =	vadd.s32 $0xF, v28;
	v32 =	vsel vm2, $0xFFFFFFFF, v1;
	vm2 =	vlt.f32 v37, v7  }
0xab: {  	vm4 =	vlt.f32 v33, v9;
	v32 =	vadd.s32 s29, v32;
	vm3 =	vlt.f32 v45, v11  }
0xac: {  	s29 =	sadd.s32 $0xFFFFFFE0, s25;
	v33 =	vsel vm2, $0xFFFFFFFF, v1;
	v6 =	vsub.s32 v32, v6;
	v32 =	vsel vm3, $0xFFFFFFFF, v1  }
0xad: {  	v37 =	vsel vm4, $0xFFFFFFFF, v1;
	v6 =	vadd.s32 v2, v6;
	v32 =	vadd.s32 s29, v32;
	s29 =	sadd.s32 $0xFFFFFFF0, s25;
	v34 =	vld.idx.msk [tilespmem:v39+s14+$0x0], $0xffff  }
0xae: {  	v6 =	vcvt.s32.f32 v6;
	v21 =	vsub.s32 v32, v21;
	v32 =	vadd.s32 s29, v37  }
0xaf: {  	v21 =	vadd.s32 v2, v21;
	v16 =	vsub.s32 v32, v16;
	v32 =	vadd.s32 s25, v33;
	s25 =	smov.u32 s24;
	s24 =	smov.u32 s23;
	s23 =	smov.u32 s28;
	v37 =	vld.idx.msk [tilespmem:v42+s14+$0x0], $0xffff  }
0xb0: {  	v6 =	vmul.f32 v6, v6;
	v21 =	vcvt.s32.f32 v21;
	v16 =	vadd.s32 v2, v16  }
0xb1: {  	v33 =	vadd.s32 $0xF, v27;
	v12 =	vsub.s32 v32, v12;
	v16 =	vcvt.s32.f32 v16  }
0xb2: {  	v12 =	vadd.s32 v2, v12;
	v6 =	vmul.f32 v6, v15;
	v21 =	vmul.f32 v21, v21;
	v15 =	vmovc v17  }
0xb3: {  	v25 =	vsel vm1, v36, v25;
	v12 =	vcvt.s32.f32 v12;
	v17 =	vmovc v19;
	vm2 =	vlt.f32 v34, v10  }
0xb4: {  	v16 =	vmul.f32 v16, v16;
	v6 =	vadd.f32 v6, v14;
	v14 =	vmul.f32 v21, v11;
	v19 =	vld.idx.msk [tilespmem:v30+s14+$0x0], $0xffff  }
0xb5: {  	v21 =	vsel vm0, v35, v23;
	v23 =	vor.u32 $0xFF, v25;
	v11 =	vmovc v18;
	vm1 =	vlt.f32 v37, v17;
	v30 =	vld.idx.msk [tilespmem:v31+s14+$0x0], $0xffff  }
0xb6: {  	v12 =	vmul.f32 v12, v12;
	v6 =	vadd.f32 v14, v6;
	v14 =	vmul.f32 v16, v9;
	v29 =	vld.idx.msk [tilespmem:v29+s14+$0x0], $0xffff  }
0xb7: {  	s26 =	sadd.s32 $0x40, s26;
	v16 =	vsel vm1, v38, v20;
	v20 =	vsel vm2, v40, v22;
	v22 =	vor.u32 $0xFF, v21;
	v9 =	vmovc v13;
	v31 =	vld.idx.msk [tilespmem:v33+s14+$0x0], $0xffff  }
0xb8: {  	v12 =	vmul.f32 v12, v7;
	v7 =	vmovc v8;
	v8 =	vmovc v3;
	v32 =	vor.u32 $0xFF, v20;
	v6 =	vadd.f32 v14, v6;
	v3 =	vld [tilespmem:s26+$0x10]  }
0xb9: {  	v34 =	vadd.s32 $0x10, v24;
	v35 =	vadd.s32 $0x10, v26;
	v18 =	vmovc v10;
	v13 =	vmovc v5;
	v33 =	vor.u32 $0xFF, v16;
	v5 =	vld [tilespmem:s26+$0x0]  }
0xba: {  	v36 =	vadd.s32 $0x10, v27;
	vm0 =	vlt.f32 v19, v7;
	v14 =	vadd.f32 v12, v6;
	v10 =	vld [tilespmem:s26+$0xFFFFFFF0]  }
0xbb: {  	v12 =	vadd.s32 $0x10, v28;
	vm1 =	vlt.f32 v30, v15;
	v6 =	vld.idx.msk [tilespmem:v23+s14+$0x0], $0xffff;
	v23 =	vsel vm0, v35, v26  }
0xbc: {  	v12 =	vsel vm1, v12, v28;
	vm0 =	vlt.f32 v29, v9;
	v22 =	vld.idx.msk [tilespmem:v22+s14+$0x0], $0xffff;
	v26 =	vadd.s32 $0x7, v23  }
0xbd: {  	v29 =	vadd.s32 $0x7, v12;
	vm1 =	vlt.f32 v31, v11;
	v24 =	vsel vm0, v34, v24;
	v28 =	vld.idx.msk [tilespmem:v32+s14+$0x0], $0xffff  }
0xbe: {  	v27 =	vsel vm1, v36, v27;
	v31 =	vadd.s32 $0x7, v24;
	v30 =	vld.idx.msk [tilespmem:v33+s14+$0x0], $0xffff  }
0xbf: {  	vm2 =	vlt.f32 v4, v3;
	v32 =	vadd.s32 $0x7, v27  }
0xc0: {  	vm1 =	vlt.f32 v4, v5;
	v33 =	vor.u32 $0x100, v25;
	vm0 =	vlt.f32 v4, v10;
	v19 =	vld [tilespmem:s26+$0xFFFFFFE0]  }
0xc1: {  	v35 =	vor.u32 $0x100, v21;
	v34 =	vor.u32 $0x100, v20;
	vm3 =	vlt.f32 v6, v8;
	v6 =	vld.idx.msk [tilespmem:v26+s14+$0x0], $0xffff  }
0xc2: {  	v26 =	vor.u32 $0x100, v16;
	vm4 =	vlt.f32 v22, v13;
	v25 =	vsel vm3, v33, v25;
	v22 =	vld.idx.msk [tilespmem:v29+s14+$0x0], $0xffff  }
0xc3: {  	vm3 =	vlt.f32 v28, v18;
	v21 =	vsel vm4, v35, v21;
	v28 =	vadd.s32 $0x7F, v25;
	v29 =	vld.idx.msk [tilespmem:v31+s14+$0x0], $0xffff  }
0xc4: {  	vm4 =	vlt.f32 v30, v17;
	v30 =	vsel vm3, v34, v20;
	v20 =	vadd.s32 $0x7F, v21;
	v31 =	vld.idx.msk [tilespmem:v32+s14+$0x0], $0xffff  }
0xc5: {  	v16 =	vsel vm4, v26, v16;
	v26 =	vadd.s32 $0x7F, v30;
	vm3 =	vlt.f32 v4, v19  }
0xc6: {  	v34 =	vadd.s32 $0x8, v23;
	v32 =	vsel vm2, $0x800, v1;
	v33 =	vadd.s32 $0x7F, v16  }
0xc7: {  	v36 =	vadd.s32 $0x8, v24;
	v35 =	vadd.s32 $0x8, v27;
	vm2 =	vlt.f32 v6, v7  }
0xc8: {  	vm4 =	vlt.f32 v22, v15;
	v22 =	vadd.s32 $0x8, v12;
	v23 =	vsel vm2, v34, v23;
	v6 =	vld.idx.msk [tilespmem:v28+s14+$0x0], $0xffff  }
0xc9: {  	v12 =	vsel vm4, v22, v12;
	vm2 =	vlt.f32 v29, v9;
	v29 =	vadd.s32 $0x3, v23;
	v28 =	vld.idx.msk [tilespmem:v20+s14+$0x0], $0xffff  }
0xca: {  	v34 =	vadd.s32 $0x3, v12;
	vm4 =	vlt.f32 v31, v11;
	v24 =	vsel vm2, v36, v24;
	v26 =	vld.idx.msk [tilespmem:v26+s14+$0x0], $0xffff  }
0xcb: {  	v31 =	vsel vm1, $0x800, v1;
	v27 =	vsel vm4, v35, v27;
	v35 =	vadd.s32 $0x3, v24;
	v33 =	vld.idx.msk [tilespmem:v33+s14+$0x0], $0xffff  }
0xcc: {  	v22 =	vsel vm0, $0x800, v1;
	v20 =	vsel vm3, $0x800, v1;
	v36 =	vadd.s32 $0x3, v27  }
0xcd: {  	v38 =	vor.u32 $0x3FF, v32;
	v39 =	vor.u32 $0x400, v32;
	v37 =	vor.u32 $0x400, v31  }
0xce: {  	v42 =	vadd.s32 $0x80, v25;
	v41 =	vadd.s32 $0x80, v21;
	v40 =	vor.u32 $0x3FF, v31;
	v29 =	vld.idx.msk [tilespmem:v29+s14+$0x0], $0xffff  }
0xcf: {  	v44 =	vadd.s32 $0x80, v30;
	v43 =	vadd.s32 $0x80, v16;
	vm0 =	vlt.f32 v6, v8;
	v6 =	vld.idx.msk [tilespmem:v34+s14+$0x0], $0xffff  }
0xd0: {  	vm2 =	vlt.f32 v28, v13;
	vm1 =	vlt.f32 v26, v18;
	v26 =	vsel vm0, v42, v25;
	v25 =	vld.idx.msk [tilespmem:v35+s14+$0x0], $0xffff  }
0xd1: {  	v21 =	vsel vm2, v41, v21;
	vm0 =	vlt.f32 v33, v17;
	v28 =	vadd.s32 $0x3F, v26;
	v33 =	vld.idx.msk [tilespmem:v36+s14+$0x0], $0xffff  }
0xd2: {  	v30 =	vsel vm1, v44, v30;
	v35 =	vadd.s32 $0x3F, v21;
	v16 =	vsel vm0, v43, v16;
	v34 =	vld.idx.msk [tilespmem:v38+s14+$0x0], $0xffff  }
0xd3: {  	v41 =	vadd.s32 $0x4, v23;
	v38 =	vadd.s32 $0x3F, v16;
	v36 =	vld.idx.msk [tilespmem:v40+s14+$0x0], $0xffff;
	v40 =	vadd.s32 $0x3F, v30  }
0xd4: {  	v42 =	vadd.s32 $0x4, v27;
	v43 =	vadd.s32 $0x4, v24;
	vm0 =	vlt.f32 v29, v7  }
0xd5: {  	vm1 =	vlt.f32 v6, v15;
	v6 =	vadd.s32 $0x4, v12;
	v29 =	vsel vm0, v41, v23  }
0xd6: {  	v6 =	vsel vm1, v6, v12;
	vm0 =	vlt.f32 v25, v9;
	v12 =	vadd.s32 $0x1, v29;
	v28 =	vld.idx.msk [tilespmem:v28+s14+$0x0], $0xffff  }
0xd7: {  	v41 =	vadd.s32 $0x1, v6;
	vm1 =	vlt.f32 v33, v11;
	v43 =	vsel vm0, v43, v24;
	v35 =	vld.idx.msk [tilespmem:v35+s14+$0x0], $0xffff  }
0xd8: {  	v33 =	vor.u32 $0x3FF, v22;
	v24 =	vld.idx.msk [tilespmem:v40+s14+$0x0], $0xffff;
	v40 =	vsel vm1, v42, v27;
	v27 =	vadd.s32 $0x1, v43  }
0xd9: {  	vm0 =	vlt.f32 v36, v5;
	vm1 =	vlt.f32 v34, v3;
	v34 =	vld.idx.msk [tilespmem:v38+s14+$0x0], $0xffff;
	v36 =	vadd.s32 $0x1, v40  }
0xda: {  	v38 =	vor.u32 $0x3FF, v20;
	v23 =	vsel vm0, v37, v31;
	v25 =	vsel vm1, v39, v32  }
0xdb: {  	v37 =	vadd.s32 $0x40, v26;
	v31 =	vor.u32 $0x1FF, v23;
	v32 =	vor.u32 $0x1FF, v25;
	v12 =	vld.idx.msk [tilespmem:v12+s14+$0x0], $0xffff  }
0xdc: {  	v42 =	vadd.s32 $0x40, v21;
	v39 =	vadd.s32 $0x40, v30;
	vm0 =	vlt.f32 v28, v8;
	v41 =	vld.idx.msk [tilespmem:v41+s14+$0x0], $0xffff  }
0xdd: {  	v28 =	vadd.s32 $0x40, v16;
	vm1 =	vlt.f32 v35, v13;
	v26 =	vsel vm0, v37, v26;
	v37 =	vld.idx.msk [tilespmem:v27+s14+$0x0], $0xffff  }
0xde: {  	vm0 =	vlt.f32 v24, v18;
	v24 =	vsel vm1, v42, v21;
	v21 =	vadd.s32 $0x1F, v26;
	v36 =	vld.idx.msk [tilespmem:v36+s14+$0x0], $0xffff  }
0xdf: {  	vm1 =	vlt.f32 v34, v17;
	v27 =	vsel vm0, v39, v30;
	v30 =	vadd.s32 $0x1F, v24;
	v42 =	vld.idx.msk [tilespmem:v33+s14+$0x0], $0xffff  }
0xe0: {  	v28 =	vsel vm1, v28, v16;
	v35 =	vld.idx.msk [tilespmem:v38+s14+$0x0], $0xffff;
	v38 =	vadd.s32 $0x1F, v27  }
.Ltmp0:
0xe1: {  	vm0 =	vlt.f32 v12, v7;
	v12 =	vadd.s32 $0x2, v29;
	v33 =	vld.idx.msk [tilespmem:v32+s14+$0x0], $0xffff;
	v32 =	vadd.s32 $0x1F, v28;
	(pc) =	sbr.rel @p0 .LBB2_3-.Ltmp0, $4  }
0xe2: {  	v16 =	vadd.s32 $0x2, v6;
	vm1 =	vlt.f32 v41, v15;
	v12 =	vsel vm0, v12, v29;
	v34 =	vld.idx.msk [tilespmem:v31+s14+$0x0], $0xffff  }
0xe3: {  	v6 =	vsel vm1, v16, v6;
	vm0 =	vlt.f32 v37, v9;
	v16 =	vadd.s32 $0x2, v43;
	v29 =	vld.idx.msk [tilespmem:v21+s14+$0x0], $0xffff  }
0xe4: {  	vm1 =	vlt.f32 v36, v11;
	v21 =	vadd.s32 $0x2, v40;
	v16 =	vsel vm0, v16, v43;
	v30 =	vld.idx.msk [tilespmem:v30+s14+$0x0], $0xffff  }
0xe5: {  	s28 =	sadd.s32 $0x40, s28;
	v36 =	vor.u32 $0x400, v22;
	vm0 =	vlt.f32 v42, v10;
	v21 =	vsel vm1, v21, v40;
	v31 =	vld.idx.msk [tilespmem:v38+s14+$0x0], $0xffff  }
0xe6: {  	vm1 =	vlt.f32 v35, v19;
	v4 =	vor.u32 $0x400, v20  }
0xe7: {  	v4 =	vsel vm1, v4, v20  }
0xe8: {  	v20 =	vor.u32 $0x1FF, v4  }
0xe9: {  	v22 =	vsel vm0, v36, v22  }
0xea: {  	v43 =	vor.u32 $0x1FF, v22;
	_ =	sdelay $0x2  }
0xeb: {  	v20 =	vld.idx.msk [tilespmem:v20+s14+$0x0], $0xffff;
	_ =	sdelay $0x1  }
0xec: {  	v44 =	vor.u32 $0x200, v23;
	v35 =	vld.idx.msk [tilespmem:v43+s14+$0x0], $0xffff  }
0xed: {  	v37 =	vor.u32 $0x200, v25;
	vm0 =	vlt.f32 v33, v3;
	vm1 =	vlt.f32 v34, v5  }
0xee: {  	v25 =	vsel vm0, v37, v25;
	v23 =	vsel vm1, v44, v23  }
0xef: {  	v38 =	vor.u32 $0x200, v4;
	v47 =	vor.u32 $0xFF, v23;
	vm0 =	vlt.f32 v20, v19  }
0xf0: {  	v20 =	vor.u32 $0xFF, v25;
	v4 =	vsel vm0, v38, v4  }
0xf1: {  	v45 =	vor.u32 $0x200, v22;
	vm0 =	vlt.f32 v35, v10;
	v46 =	vor.u32 $0xFF, v4  }
0xf2: {  	v22 =	vsel vm0, v45, v22  }
0xf3: {  	v48 =	vor.u32 $0xFF, v22  }
0xf4: {  	v33 =	vld.idx.msk [tilespmem:v47+s14+$0x0], $0xffff  }
0xf5: {  	v20 =	vld.idx.msk [tilespmem:v20+s14+$0x0], $0xffff  }
0xf6: {  	v34 =	vld.idx.msk [tilespmem:v46+s14+$0x0], $0xffff;
	_ =	sdelay $0x1  }
0xf7: {  	v35 =	vld.idx.msk [tilespmem:v48+s14+$0x0], $0xffff  }
0xf8: {  	v49 =	vor.u32 $0x100, v25  }
0xf9: {  	v51 =	vor.u32 $0x100, v23;
	vm1 =	vlt.f32 v33, v5;
	vm0 =	vlt.f32 v20, v3  }
0xfa: {  	v20 =	vor.u32 $0x100, v4;
	v25 =	vsel vm0, v49, v25;
	vm0 =	vlt.f32 v34, v19  }
0xfb: {  	v50 =	vor.u32 $0x100, v22;
	v52 =	vadd.s32 $0x7F, v25;
	v4 =	vsel vm0, v20, v4  }
0xfc: {  	vm0 =	vlt.f32 v35, v10;
	v20 =	vsel vm1, v51, v23;
	v23 =	vadd.s32 $0x7F, v4  }
0xfd: {  	v22 =	vsel vm0, v50, v22;
	v53 =	vadd.s32 $0x7F, v20  }
0xfe: {  	v54 =	vadd.s32 $0x7F, v22;
	_ =	sdelay $0x1  }
0xff: {  	v33 =	vld.idx.msk [tilespmem:v52+s14+$0x0], $0xffff  }
0x100: {  	v23 =	vld.idx.msk [tilespmem:v23+s14+$0x0], $0xffff  }
0x101: {  	v34 =	vld.idx.msk [tilespmem:v53+s14+$0x0], $0xffff  }
0x102: {  	v35 =	vld.idx.msk [tilespmem:v54+s14+$0x0], $0xffff  }
0x103: {  	v56 =	vadd.s32 $0x80, v25  }
0x104: {  	v55 =	vadd.s32 $0x80, v20;
	v57 =	vadd.s32 $0x80, v4;
	vm0 =	vlt.f32 v33, v3  }
0x105: {  	v58 =	vadd.s32 $0x80, v22;
	v25 =	vsel vm0, v56, v25;
	vm0 =	vlt.f32 v23, v19  }
0x106: {  	vm1 =	vlt.f32 v34, v5;
	v23 =	vadd.s32 $0x3F, v25;
	v4 =	vsel vm0, v57, v4  }
0x107: {  	vm0 =	vlt.f32 v35, v10;
	v20 =	vsel vm1, v55, v20;
	v59 =	vadd.s32 $0x3F, v4  }
0x108: {  	v22 =	vsel vm0, v58, v22;
	v60 =	vadd.s32 $0x3F, v20  }
0x109: {  	v61 =	vadd.s32 $0x3F, v22;
	_ =	sdelay $0x1  }
0x10a: {  	v23 =	vld.idx.msk [tilespmem:v23+s14+$0x0], $0xffff  }
0x10b: {  	v34 =	vld.idx.msk [tilespmem:v59+s14+$0x0], $0xffff  }
0x10c: {  	v33 =	vld.idx.msk [tilespmem:v60+s14+$0x0], $0xffff  }
0x10d: {  	v35 =	vld.idx.msk [tilespmem:v61+s14+$0x0], $0xffff  }
0x10e: {  	v62 =	vadd.s32 $0x40, v25  }
0x10f: {  	v40 =	vadd.s32 $0x40, v20;
	v63 =	vadd.s32 $0x40, v22;
	vm0 =	vlt.f32 v23, v3  }
0x110: {  	v23 =	vadd.s32 $0x40, v4;
	v25 =	vsel vm0, v62, v25;
	vm0 =	vlt.f32 v34, v19  }
0x111: {  	v32 =	vld.idx.msk [tilespmem:v32+s14+$0x0], $0xffff;
	vm1 =	vlt.f32 v33, v5;
	v41 =	vadd.s32 $0x1F, v25;
	v4 =	vsel vm0, v23, v4  }
0x112: {  	vm0 =	vlt.f32 v35, v10;
	v20 =	vsel vm1, v40, v20;
	v23 =	vadd.s32 $0x1F, v4  }
0x113: {  	v22 =	vsel vm0, v63, v22;
	v42 =	vadd.s32 $0x1F, v20  }
0x114: {  	v44 =	vadd.s32 $0x1F, v22  }
0x115: {  	v46 =	vadd.s32 $0x20, v26;
	vm0 =	vlt.f32 v29, v8  }
0x116: {  	vm1 =	vlt.f32 v32, v17;
	v29 =	vadd.s32 $0x20, v28;
	v26 =	vsel vm0, v46, v26;
	v47 =	vld.idx.msk [tilespmem:v41+s14+$0x0], $0xffff  }
0x117: {  	v45 =	vadd.s32 $0x20, v24;
	v28 =	vsel vm1, v29, v28;
	v29 =	vadd.s32 $0xF, v26;
	v23 =	vld.idx.msk [tilespmem:v23+s14+$0x0], $0xffff  }
0x118: {  	vm0 =	vlt.f32 v30, v13;
	vm1 =	vlt.f32 v31, v18;
	v30 =	vadd.s32 $0xF, v28;
	v31 =	vld.idx.msk [tilespmem:v42+s14+$0x0], $0xffff  }
0x119: {  	v43 =	vadd.s32 $0x20, v27;
	v52 =	vadd.s32 $0x20, v25;
	v24 =	vsel vm0, v45, v24;
	v49 =	vld.idx.msk [tilespmem:v44+s14+$0x0], $0xffff  }
0x11a: {  	v51 =	vadd.s32 $0x20, v20;
	v27 =	vsel vm1, v43, v27;
	v48 =	vadd.s32 $0xF, v24  }
0x11b: {  	v53 =	vadd.s32 $0x20, v4;
	v35 =	vadd.s32 $0xF, v27;
	vm0 =	vlt.f32 v47, v3  }
0x11c: {  	v50 =	vadd.s32 $0x20, v22;
	v29 =	vld.idx.msk [tilespmem:v29+s14+$0x0], $0xffff;
	vm1 =	vlt.f32 v23, v19;
	v23 =	vsel vm0, v52, v25  }
0x11d: {  	v25 =	vld.idx.msk [tilespmem:v30+s14+$0x0], $0xffff;
	vm0 =	vlt.f32 v31, v5;
	v4 =	vsel vm1, v53, v4;
	v30 =	vadd.s32 $0xF, v23  }
0x11e: {  	vm1 =	vlt.f32 v49, v10;
	v20 =	vsel vm0, v51, v20;
	v32 =	vadd.s32 $0xF, v4  }
0x11f: {  	v31 =	vld.idx.msk [tilespmem:v48+s14+$0x0], $0xffff;
	v22 =	vsel vm1, v50, v22;
	v55 =	vadd.s32 $0xF, v20  }
0x120: {  	v54 =	vld.idx.msk [tilespmem:v35+s14+$0x0], $0xffff;
	v36 =	vadd.s32 $0xF, v22  }
0x121: {  	v57 =	vadd.s32 $0x10, v26;
	vm0 =	vlt.f32 v29, v8  }
0x122: {  	v26 =	vsel vm0, v57, v26;
	vm1 =	vlt.f32 v25, v17;
	v25 =	vadd.s32 $0x10, v28;
	v29 =	vld.idx.msk [tilespmem:v30+s14+$0x0], $0xffff  }
0x123: {  	v56 =	vadd.s32 $0x10, v24;
	v25 =	vsel vm1, v25, v28;
	v28 =	vadd.s32 $0x7, v26;
	v30 =	vld.idx.msk [tilespmem:v32+s14+$0x0], $0xffff  }
0x124: {  	v58 =	vadd.s32 $0x10, v27;
	vm0 =	vlt.f32 v31, v13;
	v31 =	vadd.s32 $0x7, v25;
	v59 =	vld.idx.msk [tilespmem:v55+s14+$0x0], $0xffff  }
0x125: {  	v40 =	vadd.s32 $0x10, v23;
	vm1 =	vlt.f32 v54, v18;
	v24 =	vsel vm0, v56, v24;
	v61 =	vld.idx.msk [tilespmem:v36+s14+$0x0], $0xffff  }
0x126: {  	v63 =	vadd.s32 $0x10, v20;
	v27 =	vsel vm1, v58, v27;
	v60 =	vadd.s32 $0x7, v24  }
0x127: {  	v41 =	vadd.s32 $0x10, v22;
	v62 =	vadd.s32 $0x7, v27;
	vm0 =	vlt.f32 v29, v3  }
0x128: {  	v28 =	vld.idx.msk [tilespmem:v28+s14+$0x0], $0xffff;
	v29 =	vadd.s32 $0x10, v4;
	vm1 =	vlt.f32 v30, v19;
	v23 =	vsel vm0, v40, v23  }
0x129: {  	v30 =	vld.idx.msk [tilespmem:v31+s14+$0x0], $0xffff;
	vm0 =	vlt.f32 v59, v5;
	v4 =	vsel vm1, v29, v4;
	v29 =	vadd.s32 $0x7, v23  }
0x12a: {  	vm1 =	vlt.f32 v61, v10;
	v20 =	vsel vm0, v63, v20;
	v42 =	vadd.s32 $0x7, v4  }
0x12b: {  	v31 =	vld.idx.msk [tilespmem:v60+s14+$0x0], $0xffff;
	v22 =	vsel vm1, v41, v22;
	v44 =	vadd.s32 $0x7, v20  }
0x12c: {  	v43 =	vld.idx.msk [tilespmem:v62+s14+$0x0], $0xffff;
	v46 =	vadd.s32 $0x7, v22  }
0x12d: {  	v45 =	vadd.s32 $0x8, v26;
	vm0 =	vlt.f32 v28, v8  }
0x12e: {  	v28 =	vadd.s32 $0x8, v25;
	vm1 =	vlt.f32 v30, v17;
	v26 =	vsel vm0, v45, v26;
	v29 =	vld.idx.msk [tilespmem:v29+s14+$0x0], $0xffff  }
0x12f: {  	v48 =	vadd.s32 $0x8, v24;
	v25 =	vsel vm1, v28, v25;
	v28 =	vadd.s32 $0x3, v26;
	v30 =	vld.idx.msk [tilespmem:v42+s14+$0x0], $0xffff  }
0x130: {  	v47 =	vadd.s32 $0x8, v27;
	vm0 =	vlt.f32 v31, v13;
	v31 =	vadd.s32 $0x3, v25;
	v49 =	vld.idx.msk [tilespmem:v44+s14+$0x0], $0xffff  }
0x131: {  	v53 =	vadd.s32 $0x8, v23;
	vm1 =	vlt.f32 v43, v18;
	v24 =	vsel vm0, v48, v24;
	v51 =	vld.idx.msk [tilespmem:v46+s14+$0x0], $0xffff  }
0x132: {  	v55 =	vadd.s32 $0x8, v20;
	v27 =	vsel vm1, v47, v27;
	v50 =	vadd.s32 $0x3, v24  }
0x133: {  	v54 =	vadd.s32 $0x8, v22;
	v52 =	vadd.s32 $0x3, v27;
	vm0 =	vlt.f32 v29, v3  }
0x134: {  	v28 =	vld.idx.msk [tilespmem:v28+s14+$0x0], $0xffff;
	v29 =	vadd.s32 $0x8, v4;
	vm1 =	vlt.f32 v30, v19;
	v23 =	vsel vm0, v53, v23  }
0x135: {  	v30 =	vld.idx.msk [tilespmem:v31+s14+$0x0], $0xffff;
	vm0 =	vlt.f32 v49, v5;
	v4 =	vsel vm1, v29, v4;
	v29 =	vadd.s32 $0x3, v23  }
0x136: {  	vm1 =	vlt.f32 v51, v10;
	v20 =	vsel vm0, v55, v20;
	v56 =	vadd.s32 $0x3, v4  }
0x137: {  	v31 =	vld.idx.msk [tilespmem:v50+s14+$0x0], $0xffff;
	v22 =	vsel vm1, v54, v22;
	v58 =	vadd.s32 $0x3, v20  }
0x138: {  	v57 =	vld.idx.msk [tilespmem:v52+s14+$0x0], $0xffff;
	v59 =	vadd.s32 $0x3, v22  }
0x139: {  	v60 =	vadd.s32 $0x4, v26;
	v61 =	vadd.s32 $0x4, v27  }
0x13a: {  	vm0 =	vlt.f32 v28, v8;
	v28 =	vadd.s32 $0x4, v25;
	vm1 =	vlt.f32 v30, v17;
	v29 =	vld.idx.msk [tilespmem:v29+s14+$0x0], $0xffff  }
0x13b: {  	v42 =	vadd.s32 $0x4, v23;
	v38 =	vadd.s32 $0x4, v20;
	v25 =	vsel vm1, v28, v25;
	v28 =	vld.idx.msk [tilespmem:v56+s14+$0x0], $0xffff  }
0x13c: {  	v30 =	vadd.s32 $0x4, v24;
	v26 =	vsel vm0, v60, v26;
	vm0 =	vlt.f32 v31, v13;
	v62 =	vld.idx.msk [tilespmem:v58+s14+$0x0], $0xffff  }
0x13d: {  	v31 =	vadd.s32 $0x1, v26;
	vm1 =	vlt.f32 v57, v18;
	v24 =	vsel vm0, v30, v24;
	v30 =	vld.idx.msk [tilespmem:v59+s14+$0x0], $0xffff  }
0x13e: {  	v43 =	vadd.s32 $0x4, v22;
	v63 =	vadd.s32 $0x1, v25;
	v27 =	vsel vm1, v61, v27  }
0x13f: {  	v40 =	vadd.s32 $0x1, v24;
	v41 =	vadd.s32 $0x1, v27;
	vm0 =	vlt.f32 v29, v3  }
0x140: {  	vm1 =	vlt.f32 v28, v19;
	v28 =	vadd.s32 $0x4, v4;
	v23 =	vsel vm0, v42, v23  }
0x141: {  	v39 =	vld.idx.msk [tilespmem:v21+s14+$0x0], $0xffff;
	vm0 =	vlt.f32 v62, v5;
	v4 =	vsel vm1, v28, v4;
	v28 =	vadd.s32 $0x1, v23  }
0x142: {  	v29 =	vld.idx.msk [tilespmem:v31+s14+$0x0], $0xffff;
	vm1 =	vlt.f32 v30, v10;
	v20 =	vsel vm0, v38, v20;
	v31 =	vadd.s32 $0x1, v4  }
0x143: {  	v30 =	vld.idx.msk [tilespmem:v63+s14+$0x0], $0xffff;
	v37 =	vsel vm1, v43, v22;
	v22 =	vadd.s32 $0x1, v20  }
0x144: {  	v45 =	vld.idx.msk [tilespmem:v40+s14+$0x0], $0xffff;
	v46 =	vadd.s32 $0x1, v37  }
0x145: {  	v35 =	vld.idx.msk [tilespmem:v41+s14+$0x0], $0xffff  }
0x146: {  	v28 =	vld.idx.msk [tilespmem:v28+s14+$0x0], $0xffff  }
0x147: {  	vm0 =	vlt.f32 v29, v8;
	v29 =	vadd.s32 $0x2, v26;
	v47 =	vld.idx.msk [tilespmem:v31+s14+$0x0], $0xffff  }
0x148: {  	vm1 =	vlt.f32 v30, v17;
	v30 =	vsel vm0, v29, v26;
	v31 =	vadd.s32 $0x2, v25;
	v26 =	vld.idx.msk [tilespmem:v22+s14+$0x0], $0xffff  }
0x149: {  	vm0 =	vlt.f32 v45, v13;
	v22 =	vadd.s32 $0x2, v24;
	v33 =	vsel vm1, v31, v25;
	v29 =	vld.idx.msk [tilespmem:v46+s14+$0x0], $0xffff  }
0x14a: {  	v48 =	vld.idx.msk [tilespmem:v6+s14+$0x0], $0xffff;
	vm1 =	vlt.f32 v35, v18;
	v25 =	vadd.s32 $0x2, v27;
	v31 =	vsel vm0, v22, v24  }
0x14b: {  	v44 =	vld.idx.msk [tilespmem:v12+s14+$0x0], $0xffff;
	v22 =	vadd.s32 $0x2, v23;
	v50 =	vsel vm1, v25, v27;
	vm0 =	vlt.f32 v28, v3  }
0x14c: {  	v49 =	vld.idx.msk [tilespmem:v16+s14+$0x0], $0xffff;
	v24 =	vadd.s32 $0x2, v4;
	vm1 =	vlt.f32 v47, v19;
	v22 =	vsel vm0, v22, v23  }
0x14d: {  	v51 =	vld.idx.msk [tilespmem:v30+s14+$0x0], $0xffff;
	vm0 =	vlt.f32 v26, v5;
	v25 =	vsel vm1, v24, v4;
	v4 =	vadd.s32 $0x2, v20  }
0x14e: {  	v40 =	vld.idx.msk [tilespmem:v33+s14+$0x0], $0xffff;
	vm1 =	vlt.f32 v29, v10;
	v24 =	vadd.s32 $0x2, v37;
	v23 =	vsel vm0, v4, v20  }
0x14f: {  	v41 =	vld.idx.msk [tilespmem:v31+s14+$0x0], $0xffff;
	v24 =	vsel vm1, v24, v37  }
0x150: {  	v52 =	vld.idx.msk [tilespmem:v50+s14+$0x0], $0xffff  }
0x151: {  	v27 =	vld.idx.msk [tilespmem:v22+s14+$0x0], $0xffff  }
0x152: {  	v29 =	vld.idx.msk [tilespmem:v25+s14+$0x0], $0xffff  }
0x153: {  	v26 =	vld.idx.msk [tilespmem:v23+s14+$0x0], $0xffff  }
0x154: {  	s22 =	sadd.s32 $0x2, s22;
	v28 =	vld.idx.msk [tilespmem:v24+s14+$0x0], $0xffff;
	_ =	swait.ge [sflag:s17], $0x1000  }
0x155: {  	s22 =	smin.u32 s22, s6;
	[sflag:s17] =	ssyncset.done $0x0  }
0x156: {  	s26 =	sshll.u32 s22, $0x9;
	s22 =	sshll.u32 s22, $0x4;
	[sflag:s17] =	ssyncadd.s32 $0xFFFFF000  }
0x157: {  	s26 =	sand.u32 $0xFF000, s26;
	s22 =	sand.u32 $0x70, s22;
	_ =	swait.ge [sflag:s17], $0x1000  }
0x158: {  	s22 =	sor.u32 s22, s26;
	[sflag:s17] =	ssyncset.done $0x0  }
0x159: {  	s26 =	sadd.s32 s3, s22;
	[sflag:s17] =	ssyncadd.s32 $0xFFFFF000  }
0x15a: {  	vm0 =	vlt.f32 v48, v15;
	[tilespmem:s2], [sflag:$0x1] =	stream.strided.gather [hbm4b:s26+s11], $0x1000, s12, s11, $0x38;
	[tilespmem:$0x4080] =	vst v63  }
0x15b: {  	s31 =	sadd.s32 $0xFFFFFFD0, s25;
	s30 =	sadd.s32 $0xFFFFFFF0, s25;
	s22 =	sadd.s32 s5, s22;
	vm2 =	vlt.f32 v49, v9;
	v4 =	vsel vm0, $0xFFFFFFFF, v1  }
0x15c: {  	v55 =	vsel vm2, $0xFFFFFFFF, v1;
	vm1 =	vlt.f32 v39, v11;
	v4 =	vadd.s32 s31, v4;
	[tilespmem:s14], [sflag:$0x1] =	stream.strided.gather [hbm4b:s22+s11], $0x1000, s12, s11, $0x38;
	[tilespmem:$0x4080] =	vst v63  }
0x15d: {  	s28 =	sadd.s32 $0xFFFFFFE0, s25;
	s29 =	simm.s32 $0x2020;
	v36 =	vadd.s32 s30, v55;
	v4 =	vsub.s32 v4, v6;
	v6 =	vsel vm1, $0xFFFFFFFF, v1;
	v20 =	vld.idx.msk [tilespmem:v0+s16+$0x0], $0xffff  }
0x15e: {  	vm0 =	vlt.f32 v44, v7;
	v54 =	vadd.s32 v2, v4;
	v6 =	vadd.s32 s28, v6;
	v4 =	vld [tilespmem:s29+$0x10]  }
0x15f: {  	v36 =	vsub.s32 v36, v16;
	v53 =	vsel vm0, $0xFFFFFFFF, v1;
	v21 =	vsub.s32 v6, v21;
	v6 =	vld [tilespmem:s29+$0x0]  }
0x160: {  	v36 =	vadd.s32 v2, v36;
	v34 =	vadd.s32 s25, v53;
	v35 =	vcvt.s32.f32 v54;
	v16 =	vld [tilespmem:s29+$0xFFFFFFE0]  }
0x161: {  	v36 =	vcvt.s32.f32 v36;
	v34 =	vsub.s32 v34, v12  }
0x162: {  	v34 =	vadd.s32 v2, v34;
	v21 =	vadd.s32 v2, v21;
	v35 =	vmul.f32 v35, v35;
	v12 =	vld [tilespmem:s29+$0xFFFFFFF0]  }
0x163: {  	v34 =	vcvt.s32.f32 v34;
	v21 =	vcvt.s32.f32 v21;
	vm0 =	vlt.f32 v20, v4  }
0x164: {  	v15 =	vmul.f32 v35, v15;
	vm1 =	vlt.f32 v20, v6;
	v56 =	vsel vm0, $0x800, v1  }
0x165: {  	vm0 =	vlt.f32 v20, v16;
	v57 =	vsel vm1, $0x800, v1;
	v42 =	vor.u32 $0x3FF, v56  }
0x166: {  	v21 =	vmul.f32 v21, v21;
	v43 =	vsel vm0, $0x800, v1;
	v44 =	vor.u32 $0x3FF, v57  }
0x167: {  	v14 =	vadd.f32 v15, v14;
	vm0 =	vlt.f32 v20, v12;
	v15 =	vor.u32 $0x3FF, v43  }
0x168: {  	v11 =	vmul.f32 v21, v11;
	v21 =	vmul.f32 v36, v36;
	v58 =	vsel vm0, $0x800, v1  }
0x169: {  	v45 =	vor.u32 $0x3FF, v58  }
0x16a: {  	v11 =	vadd.f32 v11, v14;
	v9 =	vmul.f32 v21, v9;
	v14 =	vmul.f32 v34, v34;
	v21 =	vld.idx.msk [tilespmem:v42+s16+$0x0], $0xffff  }
0x16b: {  	vm0 =	vlt.f32 v40, v17;
	v59 =	vld.idx.msk [tilespmem:v44+s16+$0x0], $0xffff  }
0x16c: {  	s31 =	sadd.s32 $0xFFFFFFD0, s24;
	v9 =	vadd.f32 v9, v11;
	v7 =	vmul.f32 v14, v7;
	v14 =	vsel vm0, $0xFFFFFFFF, v1;
	v11 =	vld.idx.msk [tilespmem:v15+s16+$0x0], $0xffff  }
0x16d: {  	v14 =	vadd.s32 s31, v14  }
0x16e: {  	v7 =	vadd.f32 v7, v9;
	vm0 =	vlt.f32 v51, v8;
	v14 =	vsub.s32 v14, v33;
	v9 =	vld.idx.msk [tilespmem:v45+s16+$0x0], $0xffff  }
0x16f: {  	v60 =	vor.u32 $0x400, v56;
	v42 =	vsel vm0, $0xFFFFFFFF, v1;
	v14 =	vadd.s32 v2, v14  }
0x170: {  	v15 =	vor.u32 $0x400, v57;
	vm1 =	vlt.f32 v59, v6;
	vm2 =	vlt.f32 v21, v4  }
0x171: {  	v21 =	vsel vm2, v60, v56;
	vm2 =	vlt.f32 v11, v16;
	v11 =	vor.u32 $0x400, v43  }
0x172: {  	v15 =	vsel vm1, v15, v57;
	v61 =	vor.u32 $0x1FF, v21;
	v11 =	vsel vm2, v11, v43  }
0x173: {  	vm1 =	vlt.f32 v9, v12;
	v9 =	vor.u32 $0x400, v58;
	v62 =	vor.u32 $0x1FF, v11  }
0x174: {  	v14 =	vcvt.s32.f32 v14;
	v63 =	vor.u32 $0x1FF, v15;
	v9 =	vsel vm1, v9, v58  }
0x175: {  	v45 =	vadd.s32 s24, v42;
	v36 =	vor.u32 $0x1FF, v9  }
0x176: {  	v14 =	vmul.f32 v14, v14;
	v30 =	vsub.s32 v45, v30  }
0x177: {  	v30 =	vadd.s32 v2, v30;
	v34 =	vld.idx.msk [tilespmem:v61+s16+$0x0], $0xffff  }
0x178: {  	v14 =	vmul.f32 v14, v17;
	vm2 =	vlt.f32 v41, v13;
	vm1 =	vlt.f32 v52, v18;
	v35 =	vld.idx.msk [tilespmem:v62+s16+$0x0], $0xffff  }
0x179: {  	s25 =	sadd.s32 $0xFFFFFFE0, s24;
	s26 =	sadd.s32 $0xFFFFFFF0, s24;
	v47 =	vor.u32 $0x200, v15;
	v43 =	vsel vm2, $0xFFFFFFFF, v1;
	v41 =	vsel vm1, $0xFFFFFFFF, v1;
	v46 =	vld.idx.msk [tilespmem:v63+s16+$0x0], $0xffff  }
0x17a: {  	v48 =	vor.u32 $0x200, v21;
	v44 =	vadd.s32 s26, v43;
	v33 =	vadd.s32 s25, v41;
	v36 =	vld.idx.msk [tilespmem:v36+s16+$0x0], $0xffff  }
0x17b: {  	v49 =	vor.u32 $0x200, v11;
	v31 =	vsub.s32 v44, v31;
	v32 =	vsub.s32 v33, v50  }
0x17c: {  	v50 =	vor.u32 $0x200, v9;
	v32 =	vadd.s32 v2, v32;
	vm0 =	vlt.f32 v34, v4  }
0x17d: {  	v32 =	vcvt.s32.f32 v32;
	v21 =	vsel vm0, v48, v21;
	vm0 =	vlt.f32 v35, v16  }
0x17e: {  	vm1 =	vlt.f32 v46, v6;
	v51 =	vor.u32 $0xFF, v21;
	v11 =	vsel vm0, v49, v11  }
0x17f: {  	v15 =	vsel vm1, v47, v15;
	vm0 =	vlt.f32 v36, v12;
	v52 =	vor.u32 $0xFF, v11  }
0x180: {  	v31 =	vadd.s32 v2, v31;
	v17 =	vor.u32 $0xFF, v15;
	v9 =	vsel vm0, v50, v9  }
0x181: {  	v31 =	vcvt.s32.f32 v31;
	v32 =	vmul.f32 v32, v32;
	v34 =	vor.u32 $0xFF, v9  }
0x182: {  	v30 =	vcvt.s32.f32 v30  }
0x183: {  	v7 =	vadd.f32 v14, v7;
	v14 =	vmul.f32 v32, v18;
	v18 =	vmul.f32 v31, v31;
	v31 =	vld.idx.msk [tilespmem:v51+s16+$0x0], $0xffff  }
0x184: {  	v53 =	vld.idx.msk [tilespmem:v52+s16+$0x0], $0xffff  }
0x185: {  	v7 =	vadd.f32 v14, v7;
	v13 =	vmul.f32 v18, v13;
	v14 =	vmul.f32 v30, v30;
	v17 =	vld.idx.msk [tilespmem:v17+s16+$0x0], $0xffff  }
0x186: {  	v18 =	vld.idx.msk [tilespmem:v34+s16+$0x0], $0xffff  }
0x187: {  	v30 =	vor.u32 $0x100, v15;
	v7 =	vadd.f32 v13, v7;
	v8 =	vmul.f32 v14, v8  }
0x188: {  	v13 =	vor.u32 $0x100, v21;
	v14 =	vor.u32 $0x100, v9;
	vm0 =	vlt.f32 v31, v4  }
0x189: {  	v31 =	vor.u32 $0x100, v11;
	v13 =	vsel vm0, v13, v21;
	vm0 =	vlt.f32 v53, v16  }
0x18a: {  	vm1 =	vlt.f32 v17, v6;
	v17 =	vadd.s32 $0x7F, v13;
	v11 =	vsel vm0, v31, v11  }
0x18b: {  	v15 =	vsel vm1, v30, v15;
	vm0 =	vlt.f32 v18, v12;
	v18 =	vadd.s32 $0x7F, v11  }
0x18c: {  	vm1 =	vlt.f32 v29, v19;
	v14 =	vsel vm0, v14, v9;
	v9 =	vadd.s32 $0x7F, v15  }
0x18d: {  	s28 =	sadd.s32 $0xFFFFFFD0, s23;
	v21 =	vadd.f32 v8, v7;
	v7 =	vsel vm1, $0xFFFFFFFF, v1;
	v8 =	vadd.s32 $0x7F, v14  }
0x18e: {  	vm1 =	vlt.f32 v28, v10;
	v7 =	vadd.s32 s28, v7  }
0x18f: {  	s29 =	sadd.s32 $0xFFFFFFE0, s23;
	vm2 =	vlt.f32 v26, v5;
	v7 =	vsub.s32 v7, v25;
	v25 =	vsel vm1, $0xFFFFFFFF, v1;
	v17 =	vld.idx.msk [tilespmem:v17+s16+$0x0], $0xffff  }
0x190: {  	s30 =	sadd.s32 $0xFFFFFFF0, s23;
	v26 =	vsel vm2, $0xFFFFFFFF, v1;
	v25 =	vadd.s32 s29, v25;
	v18 =	vld.idx.msk [tilespmem:v18+s16+$0x0], $0xffff  }
0x191: {  	v7 =	vadd.s32 v2, v7;
	v24 =	vsub.s32 v25, v24;
	v25 =	vadd.s32 s30, v26;
	v9 =	vld.idx.msk [tilespmem:v9+s16+$0x0], $0xffff  }
0x192: {  	vm0 =	vlt.f32 v27, v3;
	v7 =	vcvt.s32.f32 v7;
	v23 =	vsub.s32 v25, v23;
	v25 =	vld.idx.msk [tilespmem:v8+s16+$0x0], $0xffff  }
0x193: {  	v28 =	vadd.s32 $0x80, v15;
	v29 =	vadd.s32 $0x80, v11;
	v26 =	vsel vm0, $0xFFFFFFFF, v1  }
0x194: {  	s31 =	simm.s32 $0x2060;
	v27 =	vmul.f32 v7, v7;
	v8 =	vadd.s32 $0x80, v13;
	vm0 =	vlt.f32 v17, v4  }
0x195: {  	v7 =	vld [tilespmem:s31+$0x10];
	v17 =	vadd.s32 $0x80, v14;
	v13 =	vsel vm0, v8, v13;
	vm0 =	vlt.f32 v18, v16  }
0x196: {  	v8 =	vld [tilespmem:s31+$0x0];
	vm1 =	vlt.f32 v9, v6;
	v18 =	vadd.s32 $0x3F, v13;
	v29 =	vsel vm0, v29, v11  }
0x197: {  	v11 =	vld [tilespmem:s31+$0xFFFFFFF0];
	vm0 =	vlt.f32 v25, v12;
	v15 =	vsel vm1, v28, v15;
	v25 =	vadd.s32 $0x3F, v29  }
0x198: {  	v24 =	vadd.s32 v2, v24;
	v9 =	vld [tilespmem:s31+$0xFFFFFFE0];
	v14 =	vsel vm0, v17, v14;
	v17 =	vadd.s32 $0x3F, v15  }
0x199: {  	v26 =	vadd.s32 s23, v26;
	v23 =	vadd.s32 v2, v23;
	v28 =	vadd.s32 $0x3F, v14  }
0x19a: {  	v24 =	vcvt.s32.f32 v24;
	v22 =	vsub.s32 v26, v22;
	vm0 =	vlt.f32 v20, v7  }
0x19b: {  	v19 =	vmul.f32 v27, v19;
	v26 =	vsel vm0, $0x800, v1;
	vm1 =	vlt.f32 v20, v8;
	v18 =	vld.idx.msk [tilespmem:v18+s16+$0x0], $0xffff  }
0x19c: {  	v30 =	vor.u32 $0x3FF, v26;
	vm0 =	vlt.f32 v20, v11;
	v27 =	vsel vm1, $0x800, v1;
	v25 =	vld.idx.msk [tilespmem:v25+s16+$0x0], $0xffff  }
0x19d: {  	vm1 =	vlt.f32 v20, v9;
	v31 =	vsel vm0, $0x800, v1;
	v54 =	vor.u32 $0x3FF, v27;
	v17 =	vld.idx.msk [tilespmem:v17+s16+$0x0], $0xffff  }
0x19e: {  	v24 =	vmul.f32 v24, v24;
	v55 =	vsel vm1, $0x800, v1;
	v56 =	vor.u32 $0x3FF, v31;
	v28 =	vld.idx.msk [tilespmem:v28+s16+$0x0], $0xffff  }
0x19f: {  	v23 =	vcvt.s32.f32 v23;
	v19 =	vadd.f32 v19, v21;
	v21 =	vor.u32 $0x3FF, v55  }
0x1a0: {  	v22 =	vadd.s32 v2, v22;
	v10 =	vmul.f32 v24, v10;
	v57 =	vadd.s32 $0x40, v13  }
0x1a1: {  	v59 =	vadd.s32 $0x40, v15;
	vm0 =	vlt.f32 v18, v4;
	v18 =	vld.idx.msk [tilespmem:v30+s16+$0x0], $0xffff;
	v30 =	vadd.s32 $0x40, v29  }
0x1a2: {  	v13 =	vsel vm0, v57, v13;
	vm0 =	vlt.f32 v25, v16;
	v25 =	vld.idx.msk [tilespmem:v54+s16+$0x0], $0xffff;
	vm1 =	vlt.f32 v17, v6  }
0x1a3: {  	v17 =	vadd.s32 $0x1F, v13;
	v29 =	vsel vm0, v30, v29;
	vm0 =	vlt.f32 v28, v12;
	v28 =	vld.idx.msk [tilespmem:v56+s16+$0x0], $0xffff  }
0x1a4: {  	v58 =	vadd.s32 $0x40, v14;
	v15 =	vsel vm1, v59, v15;
	v21 =	vld.idx.msk [tilespmem:v21+s16+$0x0], $0xffff;
	v30 =	vadd.s32 $0x1F, v29  }
0x1a5: {  	v10 =	vadd.f32 v10, v19;
	v14 =	vsel vm0, v58, v14;
	v24 =	vadd.s32 $0x1F, v15  }
0x1a6: {  	v19 =	vor.u32 $0x400, v26;
	v60 =	vadd.s32 $0x1F, v14;
	vm0 =	vlt.f32 v18, v7  }
0x1a7: {  	v18 =	vor.u32 $0x400, v27;
	vm1 =	vlt.f32 v25, v8;
	v19 =	vsel vm0, v19, v26  }
0x1a8: {  	v23 =	vmul.f32 v23, v23;
	v17 =	vld.idx.msk [tilespmem:v17+s16+$0x0], $0xffff;
	v18 =	vsel vm1, v18, v27;
	v25 =	vor.u32 $0x1FF, v19  }
0x1a9: {  	vm0 =	vlt.f32 v28, v11;
	v27 =	vor.u32 $0x400, v31;
	vm1 =	vlt.f32 v21, v9;
	v26 =	vld.idx.msk [tilespmem:v30+s16+$0x0], $0xffff  }
0x1aa: {  	v21 =	vor.u32 $0x400, v55;
	v24 =	vld.idx.msk [tilespmem:v24+s16+$0x0], $0xffff;
	v28 =	vor.u32 $0x1FF, v18;
	v27 =	vsel vm0, v27, v31  }
0x1ab: {  	v22 =	vcvt.s32.f32 v22;
	v21 =	vsel vm1, v21, v55;
	v30 =	vld.idx.msk [tilespmem:v60+s16+$0x0], $0xffff;
	v31 =	vor.u32 $0x1FF, v27  }
0x1ac: {  	v5 =	vmul.f32 v23, v5;
	v35 =	vadd.s32 $0x20, v13;
	v61 =	vor.u32 $0x1FF, v21  }
0x1ad: {  	v63 =	vadd.s32 $0x20, v15;
	v62 =	vadd.s32 $0x20, v14;
	vm0 =	vlt.f32 v17, v4;
	v25 =	vld.idx.msk [tilespmem:v25+s16+$0x0], $0xffff  }
0x1ae: {  	v17 =	vadd.s32 $0x20, v29;
	vm1 =	vlt.f32 v26, v16;
	v13 =	vsel vm0, v35, v13  }
0x1af: {  	vm0 =	vlt.f32 v24, v6;
	v26 =	vld.idx.msk [tilespmem:v28+s16+$0x0], $0xffff;
	v17 =	vsel vm1, v17, v29;
	v24 =	vadd.s32 $0xF, v13  }
0x1b0: {  	vm1 =	vlt.f32 v30, v12;
	v28 =	vsel vm0, v63, v15;
	v30 =	vld.idx.msk [tilespmem:v31+s16+$0x0], $0xffff;
	v15 =	vadd.s32 $0xF, v17  }
0x1b1: {  	v22 =	vmul.f32 v22, v22;
	v31 =	vld.idx.msk [tilespmem:v61+s16+$0x0], $0xffff;
	v23 =	vsel vm1, v62, v14;
	v29 =	vadd.s32 $0xF, v28  }
0x1b2: {  	s24 =	simm.s32 $0x20A0;
	v14 =	vadd.f32 v5, v10;
	v10 =	vor.u32 $0x200, v19;
	vm0 =	vlt.f32 v25, v7  }
0x1b3: {  	v37 =	vor.u32 $0x200, v21;
	v36 =	vadd.s32 $0xF, v23;
	v19 =	vsel vm0, v10, v19;
	v10 =	vld [tilespmem:s24+$0xFFFFFFF0]  }
0x1b4: {  	v40 =	vadd.s32 $0x10, v13;
	v5 =	vor.u32 $0x200, v18;
	v39 =	vadd.s32 $0x10, v28;
	v24 =	vld.idx.msk [tilespmem:v24+s16+$0x0], $0xffff  }
0x1b5: {  	v25 =	vor.u32 $0x200, v27;
	vm1 =	vlt.f32 v26, v8;
	vm0 =	vlt.f32 v30, v11;
	v26 =	vld.idx.msk [tilespmem:v15+s16+$0x0], $0xffff  }
0x1b6: {  	v18 =	vsel vm1, v5, v18;
	v30 =	vor.u32 $0xFF, v19;
	vm1 =	vlt.f32 v31, v9;
	v29 =	vld.idx.msk [tilespmem:v29+s16+$0x0], $0xffff  }
0x1b7: {  	v25 =	vsel vm0, v25, v27;
	v27 =	vor.u32 $0xFF, v18;
	v15 =	vmul.f32 v22, v3;
	v3 =	vld [tilespmem:s24+$0x10]  }
0x1b8: {  	v42 =	vor.u32 $0x100, v19;
	v21 =	vsel vm1, v37, v21;
	v31 =	vld.idx.msk [tilespmem:v36+s16+$0x0], $0xffff;
	v22 =	vor.u32 $0xFF, v25  }
0x1b9: {  	v44 =	vor.u32 $0x100, v18;
	v38 =	vor.u32 $0xFF, v21;
	v43 =	vor.u32 $0x100, v25  }
0x1ba: {  	v5 =	vld [tilespmem:s24+$0x0];
	vm0 =	vlt.f32 v24, v4;
	v24 =	vadd.s32 $0x10, v17;
	vm1 =	vlt.f32 v26, v16  }
0x1bb: {  	v30 =	vld.idx.msk [tilespmem:v30+s16+$0x0], $0xffff;
	v26 =	vadd.s32 $0x10, v23;
	v34 =	vsel vm0, v40, v13;
	vm0 =	vlt.f32 v29, v6  }
0x1bc: {  	vm2 =	vlt.f32 v20, v3;
	v17 =	vsel vm1, v24, v17;
	v24 =	vld.idx.msk [tilespmem:v27+s16+$0x0], $0xffff;
	v27 =	vadd.s32 $0x7, v34  }
0x1bd: {  	vm1 =	vlt.f32 v31, v12;
	v22 =	vld.idx.msk [tilespmem:v22+s16+$0x0], $0xffff;
	v28 =	vsel vm0, v39, v28;
	vm0 =	vlt.f32 v20, v10  }
0x1be: {  	v32 =	vsel vm2, $0x800, v1;
	v29 =	vadd.s32 $0x7, v17;
	v23 =	vsel vm1, v26, v23;
	v26 =	vld.idx.msk [tilespmem:v38+s16+$0x0], $0xffff  }
0x1bf: {  	v46 =	vadd.s32 $0x8, v34;
	v31 =	vadd.s32 $0x7, v28;
	vm1 =	vlt.f32 v20, v5  }
0x1c0: {  	v48 =	vadd.s32 $0x8, v28;
	v41 =	vadd.s32 $0x7, v23;
	vm3 =	vlt.f32 v30, v7  }
0x1c1: {  	v13 =	vld [tilespmem:s24+$0xFFFFFFE0];
	v30 =	vor.u32 $0x100, v21;
	v19 =	vsel vm3, v42, v19;
	vm4 =	vlt.f32 v24, v8  }
0x1c2: {  	v27 =	vld.idx.msk [tilespmem:v27+s16+$0x0], $0xffff;
	vm3 =	vlt.f32 v22, v11;
	v22 =	vsel vm4, v44, v18;
	v18 =	vadd.s32 $0x7F, v19  }
0x1c3: {  	v24 =	vld.idx.msk [tilespmem:v29+s16+$0x0], $0xffff;
	vm13 =	vlt.f32 v26, v9;
	v25 =	vsel vm3, v43, v25;
	v26 =	vadd.s32 $0x7F, v22  }
0x1c4: {  	v53 =	vor.u32 $0x3FF, v32;
	v29 =	vld.idx.msk [tilespmem:v31+s16+$0x0], $0xffff;
	v21 =	vsel vm13, v30, v21;
	v30 =	vadd.s32 $0x7F, v25  }
0x1c5: {  	v40 =	vor.u32 $0x400, v32;
	v47 =	vadd.s32 $0x8, v23;
	v31 =	vld.idx.msk [tilespmem:v41+s16+$0x0], $0xffff;
	v45 =	vadd.s32 $0x7F, v21  }
0x1c6: {  	v56 =	vadd.s32 $0x80, v19;
	vm3 =	vlt.f32 v20, v13;
	v55 =	vadd.s32 $0x80, v22  }
0x1c7: {  	v58 =	vadd.s32 $0x80, v25;
	v57 =	vadd.s32 $0x80, v21;
	vm2 =	vlt.f32 v27, v4;
	v49 =	vld.idx.msk [tilespmem:v18+s16+$0x0], $0xffff  }
0x1c8: {  	vm14 =	vlt.f32 v24, v16;
	v24 =	vadd.s32 $0x8, v17;
	v27 =	vsel vm2, v46, v34;
	v26 =	vld.idx.msk [tilespmem:v26+s16+$0x0], $0xffff  }
0x1c9: {  	vm2 =	vlt.f32 v29, v6;
	v24 =	vsel vm14, v24, v17;
	v29 =	vadd.s32 $0x3, v27;
	v30 =	vld.idx.msk [tilespmem:v30+s16+$0x0], $0xffff  }
0x1ca: {  	vm15 =	vlt.f32 v31, v12;
	v28 =	vsel vm2, v48, v28;
	v50 =	vadd.s32 $0x3, v24;
	v33 =	vld.idx.msk [tilespmem:v45+s16+$0x0], $0xffff  }
0x1cb: {  	v18 =	vsel vm0, $0x800, v1;
	v23 =	vsel vm15, v47, v23;
	v51 =	vadd.s32 $0x3, v28  }
0x1cc: {  	v31 =	vsel vm1, $0x800, v1;
	v17 =	vsel vm3, $0x800, v1;
	v52 =	vadd.s32 $0x3, v23  }
0x1cd: {  	v48 =	vadd.s32 $0x4, v27;
	v38 =	vor.u32 $0x400, v31;
	v54 =	vor.u32 $0x3FF, v31  }
0x1ce: {  	vm0 =	vlt.f32 v49, v7;
	v49 =	vadd.s32 $0x4, v23;
	v29 =	vld.idx.msk [tilespmem:v29+s16+$0x0], $0xffff;
	vm1 =	vlt.f32 v30, v11  }
0x1cf: {  	vm2 =	vlt.f32 v26, v8;
	v19 =	vsel vm0, v56, v19;
	v59 =	vld.idx.msk [tilespmem:v50+s16+$0x0], $0xffff;
	vm0 =	vlt.f32 v33, v9  }
0x1d0: {  	v26 =	vld.idx.msk [tilespmem:v51+s16+$0x0], $0xffff;
	v30 =	vsel vm2, v55, v22;
	v22 =	vadd.s32 $0x3F, v19;
	v25 =	vsel vm1, v58, v25  }
0x1d1: {  	v50 =	vadd.s32 $0x4, v28;
	v60 =	vld.idx.msk [tilespmem:v52+s16+$0x0], $0xffff;
	v36 =	vsel vm0, v57, v21;
	v21 =	vadd.s32 $0x3F, v30  }
0x1d2: {  	v41 =	vld.idx.msk [tilespmem:v54+s16+$0x0], $0xffff;
	v51 =	vor.u32 $0x3FF, v18;
	v54 =	vor.u32 $0x3FF, v17;
	v63 =	vadd.s32 $0x3F, v25  }
0x1d3: {  	v61 =	vld.idx.msk [tilespmem:v53+s16+$0x0], $0xffff;
	v56 =	vadd.s32 $0x40, v19;
	v62 =	vadd.s32 $0x3F, v36;
	vm0 =	vlt.f32 v29, v4  }
0x1d4: {  	v29 =	vadd.s32 $0x4, v24;
	vm1 =	vlt.f32 v59, v16;
	v42 =	vsel vm0, v48, v27  }
0x1d5: {  	vm0 =	vlt.f32 v26, v6;
	v27 =	vld.idx.msk [tilespmem:v22+s16+$0x0], $0xffff;
	v24 =	vsel vm1, v29, v24;
	v26 =	vadd.s32 $0x1, v42  }
0x1d6: {  	vm1 =	vlt.f32 v60, v12;
	v44 =	vsel vm0, v50, v28;
	v28 =	vld.idx.msk [tilespmem:v21+s16+$0x0], $0xffff;
	v29 =	vadd.s32 $0x1, v24  }
0x1d7: {  	v57 =	vadd.s32 $0x40, v25;
	v52 =	vld.idx.msk [tilespmem:v63+s16+$0x0], $0xffff;
	v43 =	vsel vm1, v49, v23;
	v23 =	vadd.s32 $0x1, v44  }
0x1d8: {  	v58 =	vadd.s32 $0x40, v30;
	vm1 =	vlt.f32 v61, v3;
	v37 =	vld.idx.msk [tilespmem:v62+s16+$0x0], $0xffff;
	v53 =	vadd.s32 $0x1, v43  }
0x1d9: {  	v59 =	vadd.s32 $0x40, v36;
	v35 =	vld.idx.msk [tilespmem:v54+s16+$0x0], $0xffff;
	vm0 =	vlt.f32 v41, v5;
	v22 =	vsel vm1, v40, v32  }
0x1da: {  	v21 =	vsel vm0, v38, v31;
	v31 =	vor.u32 $0x1FF, v22;
	vm0 =	vlt.f32 v27, v7;
	v26 =	vld.idx.msk [tilespmem:v26+s16+$0x0], $0xffff  }
0x1db: {  	v55 =	vor.u32 $0x1FF, v21;
	vm1 =	vlt.f32 v28, v8;
	v27 =	vsel vm0, v56, v19;
	v29 =	vld.idx.msk [tilespmem:v29+s16+$0x0], $0xffff  }
0x1dc: {  	vm0 =	vlt.f32 v52, v11;
	v19 =	vld.idx.msk [tilespmem:v23+s16+$0x0], $0xffff;
	v23 =	vsel vm1, v58, v30;
	v30 =	vadd.s32 $0x1F, v27  }
0x1dd: {  	vm1 =	vlt.f32 v37, v9;
	v25 =	vsel vm0, v57, v25;
	v60 =	vld.idx.msk [tilespmem:v53+s16+$0x0], $0xffff;
	v62 =	vadd.s32 $0x1F, v23  }
0x1de: {  	v14 =	vadd.f32 v15, v14;
	v61 =	vld.idx.msk [tilespmem:v51+s16+$0x0], $0xffff;
	v28 =	vsel vm1, v59, v36;
	v63 =	vadd.s32 $0x1F, v25  }
0x1df: {  	v15 =	vadd.s32 $0x2, v42;
	v33 =	vld.idx.msk [tilespmem:v31+s16+$0x0], $0xffff;
	v31 =	vadd.s32 $0x1F, v28;
	vm0 =	vlt.f32 v26, v4  }
0x1e0: {  	v34 =	vld.idx.msk [tilespmem:v55+s16+$0x0], $0xffff;
	v26 =	vadd.s32 $0x2, v24;
	vm1 =	vlt.f32 v29, v16;
	v15 =	vsel vm0, v15, v42  }
0x1e1: {  	v29 =	vld.idx.msk [tilespmem:v30+s16+$0x0], $0xffff;
	vm0 =	vlt.f32 v19, v6;
	v19 =	vadd.s32 $0x2, v44;
	v26 =	vsel vm1, v26, v24  }
0x1e2: {  	s22 =	simm.s32 $0xB1;
	v30 =	vld.idx.msk [tilespmem:v62+s16+$0x0], $0xffff;
	vm1 =	vlt.f32 v60, v12;
	v24 =	vadd.s32 $0x2, v43;
	v19 =	vsel vm0, v19, v44  }
0x1e3: {  	s26 =	simm.s32 $0xF1;
	s25 =	simm.s32 $0x31;
	s23 =	simm.s32 $0x71;
	v36 =	vor.u32 $0x400, v18;
	vm0 =	vlt.f32 v61, v10;
	v32 =	vld.idx.msk [tilespmem:v63+s16+$0x0], $0xffff;
	v24 =	vsel vm1, v24, v43  }
.LBB2_5:
0x1e4: {  	p0 =	sne.s32 s26, $0xFF1;
	vm1 =	vlt.f32 v35, v13;
	v35 =	vor.u32 $0x400, v17;
	v18 =	vsel vm0, v36, v18;
	v31 =	vld.idx.msk [tilespmem:v31+s16+$0x0], $0xffff  }
0x1e5: {  	v36 =	vor.u32 $0x200, v22;
	v17 =	vsel vm1, v35, v17;
	v35 =	vor.u32 $0x200, v21;
	v37 =	vld.idx.msk [tilespmem:v15+s16+$0x0], $0xffff  }
0x1e6: {  	v39 =	vor.u32 $0x1FF, v18;
	v40 =	vor.u32 $0x200, v18;
	v38 =	vor.u32 $0x200, v17;
	v41 =	vld.idx.msk [tilespmem:v26+s16+$0x0], $0xffff  }
0x1e7: {  	vm0 =	vlt.f32 v34, v5;
	vm1 =	vlt.f32 v33, v3;
	v42 =	vor.u32 $0x1FF, v17;
	v33 =	vld.idx.msk [tilespmem:v19+s16+$0x0], $0xffff  }
0x1e8: {  	v43 =	vadd.s32 $0x20, v23;
	v44 =	vadd.s32 $0x20, v27;
	v34 =	vadd.s32 $0x20, v25;
	v45 =	vld.idx.msk [tilespmem:v24+s16+$0x0], $0xffff  }
0x1e9: {  	v46 =	vadd.s32 $0x20, v28;
	vm3 =	vlt.f32 v29, v7;
	vm2 =	vlt.f32 v30, v8  }
0x1ea: {  	v27 =	vsel vm3, v44, v27;
	vm5 =	vlt.f32 v32, v11;
	vm4 =	vlt.f32 v31, v9  }
0x1eb: {  	v23 =	vsel vm2, v43, v23;
	v25 =	vsel vm5, v34, v25;
	v28 =	vsel vm4, v46, v28  }
0x1ec: {  	v30 =	vadd.s32 $0xF, v27;
	v29 =	vadd.s32 $0xF, v23;
	vm2 =	vlt.f32 v41, v16  }
0x1ed: {  	s28 =	sadd.s32 $0xFFFFFFD0, s25;
	v31 =	vadd.s32 $0xF, v28;
	v32 =	vsel vm2, $0xFFFFFFFF, v1;
	vm2 =	vlt.f32 v37, v4  }
0x1ee: {  	vm4 =	vlt.f32 v33, v6;
	v32 =	vadd.s32 s28, v32;
	vm3 =	vlt.f32 v45, v12  }
0x1ef: {  	s28 =	sadd.s32 $0xFFFFFFE0, s25;
	v33 =	vsel vm2, $0xFFFFFFFF, v1;
	v26 =	vsub.s32 v32, v26;
	v32 =	vsel vm3, $0xFFFFFFFF, v1  }
0x1f0: {  	v37 =	vsel vm4, $0xFFFFFFFF, v1;
	v26 =	vadd.s32 v2, v26;
	v32 =	vadd.s32 s28, v32;
	s28 =	sadd.s32 $0xFFFFFFF0, s25;
	v34 =	vld.idx.msk [tilespmem:v39+s16+$0x0], $0xffff  }
0x1f1: {  	v26 =	vcvt.s32.f32 v26;
	v24 =	vsub.s32 v32, v24;
	v32 =	vadd.s32 s28, v37  }
0x1f2: {  	v24 =	vadd.s32 v2, v24;
	v19 =	vsub.s32 v32, v19;
	v32 =	vadd.s32 s25, v33;
	s25 =	smov.u32 s23;
	s23 =	smov.u32 s22;
	s22 =	smov.u32 s26;
	v37 =	vld.idx.msk [tilespmem:v42+s16+$0x0], $0xffff  }
0x1f3: {  	v26 =	vmul.f32 v26, v26;
	v24 =	vcvt.s32.f32 v24;
	v19 =	vadd.s32 v2, v19  }
0x1f4: {  	v33 =	vadd.s32 $0xF, v25;
	v15 =	vsub.s32 v32, v15;
	v19 =	vcvt.s32.f32 v19  }
0x1f5: {  	v15 =	vadd.s32 v2, v15;
	v26 =	vmul.f32 v26, v16;
	v24 =	vmul.f32 v24, v24;
	v16 =	vmovc v9  }
0x1f6: {  	v22 =	vsel vm1, v36, v22;
	v15 =	vcvt.s32.f32 v15;
	v9 =	vmovc v13;
	vm2 =	vlt.f32 v34, v10  }
0x1f7: {  	v19 =	vmul.f32 v19, v19;
	v14 =	vadd.f32 v26, v14;
	v24 =	vmul.f32 v24, v12;
	v13 =	vld.idx.msk [tilespmem:v30+s16+$0x0], $0xffff  }
0x1f8: {  	v21 =	vsel vm0, v35, v21;
	v26 =	vor.u32 $0xFF, v22;
	v12 =	vmovc v11;
	vm1 =	vlt.f32 v37, v9;
	v30 =	vld.idx.msk [tilespmem:v31+s16+$0x0], $0xffff  }
0x1f9: {  	v15 =	vmul.f32 v15, v15;
	v35 =	vadd.f32 v24, v14;
	v14 =	vmul.f32 v19, v6;
	v29 =	vld.idx.msk [tilespmem:v29+s16+$0x0], $0xffff  }
0x1fa: {  	s24 =	sadd.s32 $0x40, s24;
	v18 =	vsel vm2, v40, v18;
	v17 =	vsel vm1, v38, v17;
	v19 =	vor.u32 $0xFF, v21;
	v6 =	vmovc v8;
	v24 =	vld.idx.msk [tilespmem:v33+s16+$0x0], $0xffff  }
0x1fb: {  	v31 =	vor.u32 $0xFF, v18;
	v15 =	vmul.f32 v15, v4;
	v4 =	vmovc v7;
	v7 =	vmovc v3;
	v14 =	vadd.f32 v14, v35;
	v3 =	vld [tilespmem:s24+$0x10]  }
0x1fc: {  	v34 =	vadd.s32 $0x10, v27;
	v11 =	vmovc v10;
	v8 =	vmovc v5;
	v32 =	vor.u32 $0xFF, v17;
	v33 =	vadd.s32 $0x10, v23;
	v5 =	vld [tilespmem:s24+$0x0]  }
0x1fd: {  	v35 =	vadd.s32 $0x10, v25;
	vm0 =	vlt.f32 v13, v4;
	v14 =	vadd.f32 v15, v14;
	v10 =	vld [tilespmem:s24+$0xFFFFFFF0]  }
0x1fe: {  	v13 =	vadd.s32 $0x10, v28;
	vm1 =	vlt.f32 v30, v16;
	v15 =	vld.idx.msk [tilespmem:v26+s16+$0x0], $0xffff;
	v26 =	vsel vm0, v34, v27  }
0x1ff: {  	v27 =	vsel vm1, v13, v28;
	vm0 =	vlt.f32 v29, v6;
	v19 =	vld.idx.msk [tilespmem:v19+s16+$0x0], $0xffff;
	v28 =	vadd.s32 $0x7, v26  }
0x200: {  	v30 =	vadd.s32 $0x7, v27;
	vm1 =	vlt.f32 v24, v12;
	v23 =	vsel vm0, v33, v23;
	v29 =	vld.idx.msk [tilespmem:v31+s16+$0x0], $0xffff  }
0x201: {  	v25 =	vsel vm1, v35, v25;
	v31 =	vadd.s32 $0x7, v23;
	v24 =	vld.idx.msk [tilespmem:v32+s16+$0x0], $0xffff  }
0x202: {  	vm2 =	vlt.f32 v20, v3;
	v32 =	vadd.s32 $0x7, v25  }
0x203: {  	v33 =	vor.u32 $0x100, v22;
	vm1 =	vlt.f32 v20, v5;
	vm0 =	vlt.f32 v20, v10;
	v13 =	vld [tilespmem:s24+$0xFFFFFFE0]  }
0x204: {  	v34 =	vor.u32 $0x100, v18;
	v35 =	vor.u32 $0x100, v21;
	vm3 =	vlt.f32 v15, v7;
	v15 =	vld.idx.msk [tilespmem:v28+s16+$0x0], $0xffff  }
0x205: {  	v28 =	vor.u32 $0x100, v17;
	vm4 =	vlt.f32 v19, v8;
	v19 =	vsel vm3, v33, v22;
	v22 =	vld.idx.msk [tilespmem:v30+s16+$0x0], $0xffff  }
0x206: {  	vm3 =	vlt.f32 v29, v11;
	v21 =	vsel vm4, v35, v21;
	v29 =	vadd.s32 $0x7F, v19;
	v30 =	vld.idx.msk [tilespmem:v31+s16+$0x0], $0xffff  }
0x207: {  	vm4 =	vlt.f32 v24, v9;
	v24 =	vsel vm3, v34, v18;
	v18 =	vadd.s32 $0x7F, v21;
	v31 =	vld.idx.msk [tilespmem:v32+s16+$0x0], $0xffff  }
0x208: {  	v28 =	vsel vm4, v28, v17;
	v17 =	vadd.s32 $0x7F, v24;
	vm3 =	vlt.f32 v20, v13  }
0x209: {  	v34 =	vadd.s32 $0x8, v26;
	v32 =	vsel vm2, $0x800, v1;
	v33 =	vadd.s32 $0x7F, v28  }
0x20a: {  	v36 =	vadd.s32 $0x8, v23;
	v35 =	vadd.s32 $0x8, v25;
	vm2 =	vlt.f32 v15, v4  }
0x20b: {  	vm4 =	vlt.f32 v22, v16;
	v22 =	vadd.s32 $0x8, v27;
	v26 =	vsel vm2, v34, v26;
	v15 =	vld.idx.msk [tilespmem:v29+s16+$0x0], $0xffff  }
0x20c: {  	v22 =	vsel vm4, v22, v27;
	vm2 =	vlt.f32 v30, v6;
	v27 =	vadd.s32 $0x3, v26;
	v29 =	vld.idx.msk [tilespmem:v18+s16+$0x0], $0xffff  }
0x20d: {  	v34 =	vadd.s32 $0x3, v22;
	vm4 =	vlt.f32 v31, v12;
	v23 =	vsel vm2, v36, v23;
	v30 =	vld.idx.msk [tilespmem:v17+s16+$0x0], $0xffff  }
0x20e: {  	v31 =	vsel vm1, $0x800, v1;
	v25 =	vsel vm4, v35, v25;
	v35 =	vadd.s32 $0x3, v23;
	v33 =	vld.idx.msk [tilespmem:v33+s16+$0x0], $0xffff  }
0x20f: {  	v18 =	vsel vm0, $0x800, v1;
	v17 =	vsel vm3, $0x800, v1;
	v36 =	vadd.s32 $0x3, v25  }
0x210: {  	v38 =	vor.u32 $0x3FF, v32;
	v39 =	vor.u32 $0x400, v32;
	v37 =	vor.u32 $0x400, v31  }
0x211: {  	v42 =	vadd.s32 $0x80, v19;
	v41 =	vadd.s32 $0x80, v21;
	v40 =	vor.u32 $0x3FF, v31;
	v27 =	vld.idx.msk [tilespmem:v27+s16+$0x0], $0xffff  }
0x212: {  	v44 =	vadd.s32 $0x80, v24;
	v43 =	vadd.s32 $0x80, v28;
	vm0 =	vlt.f32 v15, v7;
	v15 =	vld.idx.msk [tilespmem:v34+s16+$0x0], $0xffff  }
0x213: {  	vm2 =	vlt.f32 v29, v8;
	v19 =	vsel vm0, v42, v19;
	vm1 =	vlt.f32 v30, v11;
	v29 =	vld.idx.msk [tilespmem:v35+s16+$0x0], $0xffff  }
0x214: {  	v30 =	vsel vm2, v41, v21;
	v21 =	vadd.s32 $0x3F, v19;
	vm0 =	vlt.f32 v33, v9;
	v33 =	vld.idx.msk [tilespmem:v36+s16+$0x0], $0xffff  }
0x215: {  	v24 =	vsel vm1, v44, v24;
	v35 =	vadd.s32 $0x3F, v30;
	v28 =	vsel vm0, v43, v28;
	v34 =	vld.idx.msk [tilespmem:v38+s16+$0x0], $0xffff  }
0x216: {  	v41 =	vadd.s32 $0x4, v26;
	v38 =	vadd.s32 $0x3F, v28;
	v36 =	vld.idx.msk [tilespmem:v40+s16+$0x0], $0xffff;
	v40 =	vadd.s32 $0x3F, v24  }
0x217: {  	v42 =	vadd.s32 $0x4, v25;
	v43 =	vadd.s32 $0x4, v23;
	vm0 =	vlt.f32 v27, v4  }
0x218: {  	vm1 =	vlt.f32 v15, v16;
	v15 =	vadd.s32 $0x4, v22;
	v26 =	vsel vm0, v41, v26  }
0x219: {  	v41 =	vsel vm1, v15, v22;
	vm0 =	vlt.f32 v29, v6;
	v15 =	vadd.s32 $0x1, v26;
	v27 =	vld.idx.msk [tilespmem:v21+s16+$0x0], $0xffff  }
0x21a: {  	vm1 =	vlt.f32 v33, v12;
	v43 =	vsel vm0, v43, v23;
	v29 =	vld.idx.msk [tilespmem:v35+s16+$0x0], $0xffff;
	v35 =	vadd.s32 $0x1, v41  }
0x21b: {  	v33 =	vor.u32 $0x3FF, v18;
	v23 =	vld.idx.msk [tilespmem:v40+s16+$0x0], $0xffff;
	v40 =	vsel vm1, v42, v25;
	v25 =	vadd.s32 $0x1, v43  }
0x21c: {  	vm0 =	vlt.f32 v36, v5;
	vm1 =	vlt.f32 v34, v3;
	v34 =	vld.idx.msk [tilespmem:v38+s16+$0x0], $0xffff;
	v36 =	vadd.s32 $0x1, v40  }
0x21d: {  	v38 =	vor.u32 $0x3FF, v17;
	v21 =	vsel vm0, v37, v31;
	v22 =	vsel vm1, v39, v32  }
0x21e: {  	v37 =	vadd.s32 $0x40, v19;
	v32 =	vor.u32 $0x1FF, v21;
	v31 =	vor.u32 $0x1FF, v22;
	v15 =	vld.idx.msk [tilespmem:v15+s16+$0x0], $0xffff  }
0x21f: {  	v42 =	vadd.s32 $0x40, v30;
	v39 =	vadd.s32 $0x40, v24;
	vm0 =	vlt.f32 v27, v7;
	v44 =	vld.idx.msk [tilespmem:v35+s16+$0x0], $0xffff  }
0x220: {  	v45 =	vadd.s32 $0x40, v28;
	vm1 =	vlt.f32 v29, v8;
	v27 =	vsel vm0, v37, v19;
	v19 =	vld.idx.msk [tilespmem:v25+s16+$0x0], $0xffff  }
0x221: {  	vm0 =	vlt.f32 v23, v11;
	v23 =	vsel vm1, v42, v30;
	v29 =	vadd.s32 $0x1F, v27;
	v36 =	vld.idx.msk [tilespmem:v36+s16+$0x0], $0xffff  }
0x222: {  	vm1 =	vlt.f32 v34, v9;
	v25 =	vsel vm0, v39, v24;
	v24 =	vadd.s32 $0x1F, v23;
	v37 =	vld.idx.msk [tilespmem:v33+s16+$0x0], $0xffff  }
0x223: {  	v28 =	vsel vm1, v45, v28;
	v35 =	vld.idx.msk [tilespmem:v38+s16+$0x0], $0xffff;
	v38 =	vadd.s32 $0x1F, v25  }
.Ltmp1:
0x224: {  	vm0 =	vlt.f32 v15, v4;
	v15 =	vadd.s32 $0x2, v26;
	v33 =	vld.idx.msk [tilespmem:v31+s16+$0x0], $0xffff;
	v31 =	vadd.s32 $0x1F, v28;
	(pc) =	sbr.rel @p0 .LBB2_5-.Ltmp1, $4  }
0x225: {  	v30 =	vadd.s32 $0x2, v41;
	vm1 =	vlt.f32 v44, v16;
	v15 =	vsel vm0, v15, v26;
	v34 =	vld.idx.msk [tilespmem:v32+s16+$0x0], $0xffff  }
0x226: {  	v26 =	vsel vm1, v30, v41;
	vm0 =	vlt.f32 v19, v6;
	v19 =	vadd.s32 $0x2, v43;
	v29 =	vld.idx.msk [tilespmem:v29+s16+$0x0], $0xffff  }
0x227: {  	vm1 =	vlt.f32 v36, v12;
	v19 =	vsel vm0, v19, v43;
	v30 =	vld.idx.msk [tilespmem:v24+s16+$0x0], $0xffff;
	v24 =	vadd.s32 $0x2, v40  }
0x228: {  	s26 =	sadd.s32 $0x40, s26;
	v36 =	vor.u32 $0x400, v18;
	vm0 =	vlt.f32 v37, v10;
	v32 =	vld.idx.msk [tilespmem:v38+s16+$0x0], $0xffff;
	v24 =	vsel vm1, v24, v40  }
0x229: {  	vm1 =	vlt.f32 v35, v13;
	v20 =	vor.u32 $0x400, v17  }
0x22a: {  	v17 =	vsel vm1, v20, v17  }
0x22b: {  	v20 =	vor.u32 $0x1FF, v17  }
0x22c: {  	v18 =	vsel vm0, v36, v18  }
0x22d: {  	v40 =	vor.u32 $0x1FF, v18;
	_ =	sdelay $0x2  }
0x22e: {  	v20 =	vld.idx.msk [tilespmem:v20+s16+$0x0], $0xffff;
	_ =	sdelay $0x1  }
0x22f: {  	v35 =	vld.idx.msk [tilespmem:v40+s16+$0x0], $0xffff  }
0x230: {  	v41 =	vor.u32 $0x200, v21  }
0x231: {  	v37 =	vor.u32 $0x200, v22;
	vm7 =	vlt.f32 v33, v3;
	v42 =	vor.u32 $0x200, v18  }
0x232: {  	v22 =	vsel vm7, v37, v22;
	v38 =	vor.u32 $0x200, v17;
	vm8 =	vlt.f32 v20, v13  }
0x233: {  	vm9 =	vlt.f32 v34, v5;
	v43 =	vor.u32 $0xFF, v22;
	v17 =	vsel vm8, v38, v17  }
0x234: {  	v21 =	vsel vm9, v41, v21;
	vm10 =	vlt.f32 v35, v10;
	v44 =	vor.u32 $0xFF, v17  }
0x235: {  	v45 =	vor.u32 $0xFF, v21;
	v18 =	vsel vm10, v42, v18  }
0x236: {  	v46 =	vor.u32 $0xFF, v18;
	_ =	sdelay $0x1  }
0x237: {  	v20 =	vld.idx.msk [tilespmem:v43+s16+$0x0], $0xffff  }
0x238: {  	v34 =	vld.idx.msk [tilespmem:v44+s16+$0x0], $0xffff  }
0x239: {  	v33 =	vld.idx.msk [tilespmem:v45+s16+$0x0], $0xffff  }
0x23a: {  	v35 =	vld.idx.msk [tilespmem:v46+s16+$0x0], $0xffff  }
0x23b: {  	v47 =	vor.u32 $0x100, v22  }
0x23c: {  	v49 =	vor.u32 $0x100, v21;
	v48 =	vor.u32 $0x100, v18;
	vm11 =	vlt.f32 v20, v3  }
0x23d: {  	v50 =	vor.u32 $0x100, v17;
	v22 =	vsel vm11, v47, v22;
	vm12 =	vlt.f32 v34, v13  }
0x23e: {  	vm13 =	vlt.f32 v33, v5;
	v51 =	vadd.s32 $0x7F, v22;
	v17 =	vsel vm12, v50, v17  }
0x23f: {  	v52 =	vsel vm13, v49, v21;
	vm14 =	vlt.f32 v35, v10;
	v53 =	vadd.s32 $0x7F, v17  }
0x240: {  	v31 =	vld.idx.msk [tilespmem:v31+s16+$0x0], $0xffff;
	v54 =	vadd.s32 $0x7F, v52;
	v18 =	vsel vm14, v48, v18  }
0x241: {  	v55 =	vadd.s32 $0x7F, v18;
	_ =	sdelay $0x1  }
0x242: {  	v33 =	vld.idx.msk [tilespmem:v51+s16+$0x0], $0xffff  }
0x243: {  	v57 =	vadd.s32 $0x20, v23;
	v58 =	vadd.s32 $0x20, v27;
	v21 =	vld.idx.msk [tilespmem:v53+s16+$0x0], $0xffff  }
0x244: {  	v39 =	vadd.s32 $0x20, v28;
	vm2 =	vlt.f32 v31, v9;
	vm8 =	vlt.f32 v29, v7;
	v34 =	vld.idx.msk [tilespmem:v54+s16+$0x0], $0xffff  }
0x245: {  	vm3 =	vlt.f32 v32, v11;
	v28 =	vsel vm2, v39, v28;
	v27 =	vsel vm8, v58, v27;
	v59 =	vld.idx.msk [tilespmem:v55+s16+$0x0], $0xffff  }
0x246: {  	v61 =	vld.idx.msk [tilespmem:v15+s16+$0x0], $0xffff;
	v60 =	vadd.s32 $0x80, v52;
	v47 =	vadd.s32 $0xF, v27;
	v62 =	vadd.s32 $0x80, v22  }
0x247: {  	v40 =	vld.idx.msk [tilespmem:v26+s16+$0x0], $0xffff;
	v48 =	vadd.s32 $0xF, v28;
	v41 =	vadd.s32 $0x80, v18;
	vm9 =	vlt.f32 v33, v3  }
0x248: {  	v42 =	vld.idx.msk [tilespmem:v19+s16+$0x0], $0xffff;
	v63 =	vadd.s32 $0x80, v17;
	v22 =	vsel vm9, v62, v22;
	vm10 =	vlt.f32 v21, v13  }
0x249: {  	v43 =	vld.idx.msk [tilespmem:v24+s16+$0x0], $0xffff;
	vm4 =	vlt.f32 v34, v5;
	v32 =	vadd.s32 $0x3F, v22;
	v17 =	vsel vm10, v63, v17  }
0x24a: {  	v20 =	vsel vm4, v60, v52;
	vm11 =	vlt.f32 v59, v10;
	v44 =	vadd.s32 $0x3F, v17  }
0x24b: {  	vm15 =	vlt.f32 v30, v8;
	v30 =	vadd.s32 $0x3F, v20;
	v18 =	vsel vm11, v41, v18  }
0x24c: {  	v56 =	vadd.s32 $0x20, v25;
	v23 =	vsel vm15, v57, v23;
	v58 =	vld.idx.msk [tilespmem:v48+s16+$0x0], $0xffff;
	v45 =	vadd.s32 $0x3F, v18  }
0x24d: {  	v25 =	vsel vm3, v56, v25;
	vm13 =	vlt.f32 v61, v4;
	vm15 =	vlt.f32 v42, v6;
	v60 =	vld.idx.msk [tilespmem:v47+s16+$0x0], $0xffff  }
0x24e: {  	v46 =	vadd.s32 $0xF, v23;
	vm14 =	vlt.f32 v43, v12;
	vm12 =	vlt.f32 v40, v16;
	v50 =	vld.idx.msk [tilespmem:v32+s16+$0x0], $0xffff  }
0x24f: {  	s24 =	sadd.s32 $0xFFFFFFD0, s25;
	s30 =	sadd.s32 $0xFFFFFFE0, s25;
	v56 =	vsel vm15, $0xFFFFFFFF, v1;
	v54 =	vsel vm14, $0xFFFFFFFF, v1;
	v49 =	vsel vm12, $0xFFFFFFFF, v1;
	v52 =	vld.idx.msk [tilespmem:v44+s16+$0x0], $0xffff  }
0x250: {  	s31 =	sadd.s32 $0xFFFFFFF0, s25;
	v29 =	vadd.s32 s30, v54;
	v51 =	vadd.s32 s24, v49;
	v48 =	vadd.s32 $0x10, v23;
	v30 =	vld.idx.msk [tilespmem:v30+s16+$0x0], $0xffff  }
0x251: {  	v55 =	vadd.s32 $0xF, v25;
	v47 =	vadd.s32 s31, v56;
	v53 =	vsub.s32 v51, v26;
	v35 =	vld.idx.msk [tilespmem:v45+s16+$0x0], $0xffff  }
0x252: {  	v57 =	vadd.s32 $0x40, v22;
	v51 =	vadd.s32 $0x10, v28;
	v19 =	vsub.s32 v47, v19  }
0x253: {  	v41 =	vadd.s32 $0x40, v20;
	v40 =	vadd.s32 $0x40, v18;
	vm4 =	vlt.f32 v50, v3  }
0x254: {  	v59 =	vadd.s32 $0x40, v17;
	v22 =	vsel vm4, v57, v22;
	vm5 =	vlt.f32 v52, v13  }
0x255: {  	vm6 =	vlt.f32 v30, v5;
	v61 =	vadd.s32 $0x1F, v22;
	v17 =	vsel vm5, v59, v17  }
0x256: {  	v62 =	vld.idx.msk [tilespmem:v55+s16+$0x0], $0xffff;
	v20 =	vsel vm6, v41, v20;
	vm7 =	vlt.f32 v35, v10;
	v63 =	vadd.s32 $0x1F, v17  }
0x257: {  	v26 =	vadd.s32 v2, v53;
	v45 =	vld.idx.msk [tilespmem:v46+s16+$0x0], $0xffff;
	v46 =	vadd.s32 $0x1F, v20;
	v18 =	vsel vm7, v40, v18  }
0x258: {  	v19 =	vadd.s32 v2, v19;
	vm8 =	vlt.f32 v58, v9;
	v49 =	vadd.s32 $0x1F, v18  }
0x259: {  	v26 =	vcvt.s32.f32 v26;
	vm9 =	vlt.f32 v60, v7;
	v21 =	vsel vm8, v51, v28  }
0x25a: {  	v32 =	vsel vm13, $0xFFFFFFFF, v1;
	v54 =	vadd.s32 $0x7, v21;
	v50 =	vadd.s32 $0x10, v27;
	v53 =	vld.idx.msk [tilespmem:v61+s16+$0x0], $0xffff  }
0x25b: {  	vm10 =	vlt.f32 v62, v11;
	v27 =	vsel vm9, v50, v27;
	v44 =	vsub.s32 v29, v24;
	v55 =	vld.idx.msk [tilespmem:v63+s16+$0x0], $0xffff  }
0x25c: {  	v56 =	vadd.s32 $0x7, v27;
	vm11 =	vlt.f32 v45, v8;
	v52 =	vadd.s32 $0x10, v25;
	v57 =	vld.idx.msk [tilespmem:v46+s16+$0x0], $0xffff  }
0x25d: {  	v62 =	vadd.s32 $0x20, v20;
	v23 =	vsel vm11, v48, v23;
	v25 =	vsel vm10, v52, v25;
	v59 =	vld.idx.msk [tilespmem:v49+s16+$0x0], $0xffff  }
0x25e: {  	v24 =	vadd.s32 v2, v44;
	v60 =	vadd.s32 $0x7, v23;
	v58 =	vadd.s32 $0x7, v25  }
0x25f: {  	v42 =	vld.idx.msk [tilespmem:v54+s16+$0x0], $0xffff;
	v61 =	vadd.s32 $0x20, v18;
	vm12 =	vlt.f32 v53, v3;
	v63 =	vadd.s32 $0x20, v22  }
0x260: {  	v43 =	vadd.s32 $0x20, v17;
	v22 =	vsel vm12, v63, v22;
	vm13 =	vlt.f32 v55, v13  }
0x261: {  	v29 =	vld.idx.msk [tilespmem:v56+s16+$0x0], $0xffff;
	vm14 =	vlt.f32 v57, v5;
	v44 =	vadd.s32 $0xF, v22;
	v17 =	vsel vm13, v43, v17  }
0x262: {  	v20 =	vsel vm14, v62, v20;
	vm15 =	vlt.f32 v59, v10;
	v46 =	vadd.s32 $0xF, v17  }
0x263: {  	v19 =	vcvt.s32.f32 v19;
	v45 =	vld.idx.msk [tilespmem:v58+s16+$0x0], $0xffff;
	v48 =	vadd.s32 $0xF, v20;
	v18 =	vsel vm15, v61, v18  }
0x264: {  	v51 =	vadd.s32 $0x8, v21;
	vm4 =	vlt.f32 v42, v9;
	v47 =	vld.idx.msk [tilespmem:v60+s16+$0x0], $0xffff;
	v37 =	vadd.s32 $0xF, v18  }
0x265: {  	v26 =	vmul.f32 v26, v26;
	v32 =	vadd.s32 s25, v32;
	v21 =	vsel vm4, v51, v21  }
0x266: {  	v54 =	vadd.s32 $0x3, v21;
	vm5 =	vlt.f32 v29, v7;
	v49 =	vadd.s32 $0x8, v27;
	v53 =	vld.idx.msk [tilespmem:v44+s16+$0x0], $0xffff  }
0x267: {  	v15 =	vsub.s32 v32, v15;
	v52 =	vadd.s32 $0x8, v23;
	v27 =	vsel vm5, v49, v27;
	v55 =	vld.idx.msk [tilespmem:v46+s16+$0x0], $0xffff  }
0x268: {  	v50 =	vadd.s32 $0x8, v25;
	v56 =	vadd.s32 $0x3, v27;
	vm6 =	vlt.f32 v45, v11;
	v57 =	vld.idx.msk [tilespmem:v48+s16+$0x0], $0xffff  }
0x269: {  	v62 =	vadd.s32 $0x10, v22;
	vm7 =	vlt.f32 v47, v8;
	v25 =	vsel vm6, v50, v25;
	v59 =	vld.idx.msk [tilespmem:v37+s16+$0x0], $0xffff  }
0x26a: {  	v23 =	vsel vm7, v52, v23;
	v61 =	vadd.s32 $0x10, v20;
	v58 =	vadd.s32 $0x3, v25  }
0x26b: {  	v40 =	vld.idx.msk [tilespmem:v54+s16+$0x0], $0xffff;
	v60 =	vadd.s32 $0x3, v23;
	v63 =	vadd.s32 $0x10, v18;
	vm8 =	vlt.f32 v53, v3  }
0x26c: {  	v41 =	vadd.s32 $0x10, v17;
	v22 =	vsel vm8, v62, v22;
	vm9 =	vlt.f32 v55, v13  }
0x26d: {  	v42 =	vld.idx.msk [tilespmem:v56+s16+$0x0], $0xffff;
	vm10 =	vlt.f32 v57, v5;
	v43 =	vadd.s32 $0x7, v22;
	v17 =	vsel vm9, v41, v17  }
0x26e: {  	v20 =	vsel vm10, v61, v20;
	vm11 =	vlt.f32 v59, v10;
	v45 =	vadd.s32 $0x7, v17  }
0x26f: {  	v15 =	vadd.s32 v2, v15;
	v44 =	vld.idx.msk [tilespmem:v58+s16+$0x0], $0xffff;
	v47 =	vadd.s32 $0x7, v20;
	v18 =	vsel vm11, v63, v18  }
0x270: {  	v51 =	vadd.s32 $0x4, v21;
	vm12 =	vlt.f32 v40, v9;
	v46 =	vld.idx.msk [tilespmem:v60+s16+$0x0], $0xffff;
	v49 =	vadd.s32 $0x7, v18  }
0x271: {  	v15 =	vcvt.s32.f32 v15;
	v24 =	vcvt.s32.f32 v24;
	v21 =	vsel vm12, v51, v21  }
0x272: {  	v48 =	vadd.s32 $0x4, v27;
	v54 =	vadd.s32 $0x1, v21;
	vm13 =	vlt.f32 v42, v7;
	v53 =	vld.idx.msk [tilespmem:v43+s16+$0x0], $0xffff  }
0x273: {  	v24 =	vmul.f32 v24, v24;
	v52 =	vadd.s32 $0x4, v23;
	v27 =	vsel vm13, v48, v27;
	v55 =	vld.idx.msk [tilespmem:v45+s16+$0x0], $0xffff  }
0x274: {  	v50 =	vadd.s32 $0x4, v25;
	v40 =	vadd.s32 $0x8, v20;
	v56 =	vadd.s32 $0x1, v27;
	v57 =	vld.idx.msk [tilespmem:v47+s16+$0x0], $0xffff  }
0x275: {  	v62 =	vadd.s32 $0x8, v22;
	vm14 =	vlt.f32 v44, v11;
	vm15 =	vlt.f32 v46, v8;
	v60 =	vld.idx.msk [tilespmem:v49+s16+$0x0], $0xffff  }
0x276: {  	v25 =	vsel vm14, v50, v25;
	v23 =	vsel vm15, v52, v23;
	v63 =	vadd.s32 $0x8, v18  }
0x277: {  	v41 =	vld.idx.msk [tilespmem:v54+s16+$0x0], $0xffff;
	v59 =	vadd.s32 $0x1, v25;
	v61 =	vadd.s32 $0x1, v23;
	vm4 =	vlt.f32 v53, v3  }
0x278: {  	v42 =	vadd.s32 $0x8, v17;
	v22 =	vsel vm4, v62, v22;
	vm5 =	vlt.f32 v55, v13  }
0x279: {  	vm6 =	vlt.f32 v57, v5;
	v44 =	vadd.s32 $0x3, v22;
	v17 =	vsel vm5, v42, v17  }
0x27a: {  	v43 =	vld.idx.msk [tilespmem:v56+s16+$0x0], $0xffff;
	v20 =	vsel vm6, v40, v20;
	vm7 =	vlt.f32 v60, v10;
	v45 =	vadd.s32 $0x3, v17  }
0x27b: {  	v58 =	vmul.f32 v26, v16;
	v47 =	vadd.s32 $0x3, v20;
	v18 =	vsel vm7, v63, v18  }
0x27c: {  	vm8 =	vlt.f32 v41, v9;
	v49 =	vadd.s32 $0x2, v21;
	v26 =	vld.idx.msk [tilespmem:v59+s16+$0x0], $0xffff;
	v48 =	vadd.s32 $0x3, v18  }
0x27d: {  	v12 =	vmul.f32 v24, v12;
	v14 =	vadd.f32 v58, v14;
	v46 =	vld.idx.msk [tilespmem:v61+s16+$0x0], $0xffff;
	v21 =	vsel vm8, v49, v21  }
0x27e: {  	v19 =	vmul.f32 v19, v19;
	v15 =	vmul.f32 v15, v15;
	v51 =	vld.idx.msk [tilespmem:v44+s16+$0x0], $0xffff  }
0x27f: {  	v12 =	vadd.f32 v12, v14;
	v50 =	vadd.s32 $0x2, v27;
	vm9 =	vlt.f32 v43, v7;
	v53 =	vld.idx.msk [tilespmem:v45+s16+$0x0], $0xffff  }
0x280: {  	v52 =	vadd.s32 $0x2, v25;
	v54 =	vadd.s32 $0x2, v23;
	v27 =	vsel vm9, v50, v27;
	v55 =	vld.idx.msk [tilespmem:v47+s16+$0x0], $0xffff  }
0x281: {  	v56 =	vmul.f32 v19, v6;
	v59 =	vadd.s32 $0x4, v20;
	vm10 =	vlt.f32 v26, v11;
	v16 =	vld.idx.msk [tilespmem:v48+s16+$0x0], $0xffff  }
0x282: {  	v14 =	vadd.s32 $0x4, v22;
	vm11 =	vlt.f32 v46, v8;
	v57 =	vld.idx.msk [tilespmem:v21+s16+$0x0], $0xffff;
	v25 =	vsel vm10, v52, v25  }
0x283: {  	v23 =	vsel vm11, v54, v23;
	v58 =	vadd.s32 $0x4, v18;
	vm12 =	vlt.f32 v51, v3  }
0x284: {  	v61 =	vadd.s32 $0x4, v17;
	v14 =	vsel vm12, v14, v22;
	vm13 =	vlt.f32 v53, v13  }
0x285: {  	v60 =	vld.idx.msk [tilespmem:v27+s16+$0x0], $0xffff;
	vm14 =	vlt.f32 v55, v5;
	v63 =	vadd.s32 $0x1, v14;
	v17 =	vsel vm13, v61, v17  }
0x286: {  	v35 =	vsel vm14, v59, v20;
	vm15 =	vlt.f32 v16, v10;
	v34 =	vadd.s32 $0x1, v17  }
0x287: {  	vm4 =	vlt.f32 v57, v9;
	v62 =	vld.idx.msk [tilespmem:v25+s16+$0x0], $0xffff;
	v20 =	vadd.s32 $0x1, v35;
	v18 =	vsel vm15, v58, v18  }
0x288: {  	s25 =	sadd.s32 $0xFFFFFFD0, s23;
	v6 =	vadd.f32 v56, v12;
	v33 =	vld.idx.msk [tilespmem:v23+s16+$0x0], $0xffff;
	v12 =	vsel vm4, $0xFFFFFFFF, v1;
	v36 =	vadd.s32 $0x1, v18  }
0x289: {  	v12 =	vadd.s32 s25, v12  }
0x28a: {  	v37 =	vmul.f32 v15, v4;
	vm5 =	vlt.f32 v60, v7;
	v12 =	vsub.s32 v12, v21;
	v15 =	vld.idx.msk [tilespmem:v63+s16+$0x0], $0xffff  }
0x28b: {  	v41 =	vsel vm5, $0xFFFFFFFF, v1;
	v12 =	vadd.s32 v2, v12;
	v39 =	vld.idx.msk [tilespmem:v34+s16+$0x0], $0xffff  }
0x28c: {  	v43 =	vadd.s32 $0x2, v35;
	v12 =	vcvt.s32.f32 v12;
	vm6 =	vlt.f32 v62, v11;
	v20 =	vld.idx.msk [tilespmem:v20+s16+$0x0], $0xffff  }
0x28d: {  	s26 =	sadd.s32 $0xFFFFFFE0, s23;
	v47 =	vadd.s32 s23, v41;
	vm7 =	vlt.f32 v33, v8;
	v38 =	vsel vm6, $0xFFFFFFFF, v1;
	v19 =	vld.idx.msk [tilespmem:v36+s16+$0x0], $0xffff  }
0x28e: {  	v40 =	vsel vm7, $0xFFFFFFFF, v1;
	v12 =	vmul.f32 v12, v12;
	v21 =	vadd.s32 s26, v38  }
0x28f: {  	v44 =	vadd.s32 $0x2, v18;
	v21 =	vsub.s32 v21, v25;
	v42 =	vadd.s32 $0x2, v17  }
0x290: {  	vm8 =	vlt.f32 v15, v3;
	v15 =	vadd.s32 $0x2, v14;
	vm9 =	vlt.f32 v39, v13  }
0x291: {  	vm10 =	vlt.f32 v20, v5;
	v14 =	vsel vm8, v15, v14;
	v15 =	vsel vm9, v42, v17  }
0x292: {  	s28 =	sadd.s32 $0xFFFFFFF0, s23;
	v21 =	vadd.s32 v2, v21;
	v16 =	vsel vm10, v43, v35;
	vm11 =	vlt.f32 v19, v10  }
0x293: {  	v24 =	vadd.s32 s28, v40;
	v45 =	vcvt.s32.f32 v21;
	v18 =	vsel vm11, v44, v18  }
0x294: {  	v4 =	vadd.f32 v37, v6;
	v6 =	vsub.s32 v47, v27;
	v23 =	vsub.s32 v24, v23  }
0x295: {  	v49 =	vmul.f32 v12, v9;
	v46 =	vadd.s32 v2, v23;
	v12 =	vmul.f32 v45, v45  }
0x296: {  	v6 =	vadd.s32 v2, v6;
	v48 =	vcvt.s32.f32 v46;
	v51 =	vld.idx.msk [tilespmem:v15+s16+$0x0], $0xffff  }
0x297: {  	v6 =	vcvt.s32.f32 v6;
	v52 =	vmul.f32 v12, v11;
	v12 =	vld.idx.msk [tilespmem:v16+s16+$0x0], $0xffff  }
0x298: {  	v4 =	vadd.f32 v49, v4;
	v53 =	vmul.f32 v48, v48;
	v54 =	vld.idx.msk [tilespmem:v18+s16+$0x0], $0xffff  }
0x299: {  	v6 =	vmul.f32 v6, v6;
	v50 =	vld.idx.msk [tilespmem:v14+s16+$0x0], $0xffff  }
0x29a: {  	v55 =	vmul.f32 v53, v8;
	v4 =	vadd.f32 v52, v4  }
0x29b: {  	v6 =	vmul.f32 v6, v7;
	vm12 =	vlt.f32 v51, v13  }
0x29c: {  	s29 =	sadd.s32 $0xFFFFFFD0, s22;
	v4 =	vadd.f32 v55, v4;
	vm15 =	vlt.f32 v12, v5;
	v56 =	vsel vm12, $0xFFFFFFFF, v1  }
0x29d: {  	v59 =	vsel vm15, $0xFFFFFFFF, v1;
	vm14 =	vlt.f32 v54, v10;
	v7 =	vadd.s32 s29, v56  }
0x29e: {  	s30 =	sadd.s32 $0xFFFFFFE0, s22;
	s31 =	sadd.s32 $0xFFFFFFF0, s22;
	vm13 =	vlt.f32 v50, v3;
	v57 =	vsel vm14, $0xFFFFFFFF, v1;
	v7 =	vsub.s32 v7, v15  }
0x29f: {  	v11 =	vadd.s32 s31, v59;
	v8 =	vadd.s32 s30, v57;
	v7 =	vadd.s32 v2, v7  }
0x2a0: {  	v58 =	vsel vm13, $0xFFFFFFFF, v1;
	v8 =	vsub.s32 v8, v18;
	v7 =	vcvt.s32.f32 v7  }
0x2a1: {  	v11 =	vsub.s32 v11, v16;
	v9 =	vadd.s32 s22, v58;
	v8 =	vadd.s32 v2, v8  }
0x2a2: {  	v11 =	vadd.s32 v2, v11;
	v8 =	vcvt.s32.f32 v8;
	v7 =	vmul.f32 v7, v7  }
0x2a3: {  	v4 =	vadd.f32 v6, v4;
	v60 =	vcvt.s32.f32 v11;
	v9 =	vsub.s32 v9, v14  }
0x2a4: {  	v9 =	vadd.s32 v2, v9;
	v8 =	vmul.f32 v8, v8;
	v7 =	vmul.f32 v7, v13  }
0x2a5: {  	v9 =	vcvt.s32.f32 v9  }
0x2a6: {  	s21 =	sadd.s32 $0x1, s21;
	v6 =	vmul.f32 v60, v60;
	v61 =	vmul.f32 v8, v10;
	v4 =	vadd.f32 v7, v4  }
0x2a7: {  	p0 =	sne.s32 s21, $0xC;
	_ =	swait.ge [sflag:s18], $0x1000  }
.Ltmp2:
0x2a8: {  	[sflag:s18] =	ssyncset.done $0x0;
	v62 =	vmul.f32 v6, v5;
	v63 =	vmul.f32 v9, v9;
	v4 =	vadd.f32 v61, v4;
	(pc) =	sbr.rel @p0 .LBB2_2-.Ltmp2, $4  }
0x2a9: {  	[sflag:s18] =	ssyncadd.s32 $0xFFFFF000  }
0x2aa: {  	_ =	swait.ge [sflag:s18], $0x1000;
	v3 =	vmul.f32 v63, v3;
	v4 =	vadd.f32 v62, v4  }
0x2ab: {  	[sflag:s18] =	ssyncset.done $0x0  }
0x2ac: {  	[sflag:s18] =	ssyncadd.s32 $0xFFFFF000;
	v14 =	vadd.f32 v3, v4  }
0x2ad: {  	s20 =	sadd.s32 $0x1, s20  }
0x2ae: {  	p0 =	sne.s32 s20, s10  }
.Ltmp3:
0x2af: {  	[tilespmem:$0x4000] =	vst v14;
	(pc) =	sbr.rel @p0 .LBB2_1-.Ltmp3, $4  }
0x2b0: {  	[hbm4b:s9+s2] =	stream.linear.scatter [tilespmem:s19], [sflag:$0x3], $0x80, $0x38;
	[tilespmem:$0x4080] =	vst v63  }
0x2b1: {  	_ =	swait.ge [sflag:s13], $0x80  }
0x2b2: {  	[sflag:s13] =	ssyncset.done $0x0  }
0x2b3: {  	[sflag:s13] =	ssyncadd.s32 $0xFFFFFF80  }
0x2b4: {  	_ =	sfence.sel $0x180000  }
0x2b5: {  	[bflag:$0x0] =	sbarrier.arrive $0xFFFF  }
0x2b6: {  	p0 =	sne.s32 s1, $0x0;
	_ =	strace $0x90000047  }
0x2b7: {  	s0 =	sadd.s32 @!p0 $0x100000, s0;
	[bflag:$0x2] =	sbarrier.arrive $0xFFFF  }
0x2b8: {  	[sflag:s0] =	ssyncadd.tile.s32 @!p0 $0x1;
	_ =	shalt  }
.Lfunc_end2:
_tile_overlayer_lowered:
.L_overlay_start_2:
0x2b9: {  	(tag) =	ssettag $0x2  }
0x2ba: {  	s0 =	rddreg [dreg:$0x0];
	s2 =	stileid.u32  }
0x2bb: {  	s1 =	rddreg [dreg:$0x1];
	p0 =	sne.s32 s2, $0x0  }
0x2bc: {  	s3 =	rddreg [dreg:$0x2];
	[bflag:$0x3] =	sbarrier.arrive $0xFFFF;
	s2 =	simm.s32 @!p0 $0x1C03  }
0x2bd: {  	[timem:s3], [sflag:s2] =	dma.local @!p0 [hbm:s0], s1  }
0x2be: {  	s0 =	simm.s32 @!p0 $0x3  }
0x2bf: {  	_ =	swait.ge @!p0 [sflag:s0], s1  }
0x2c0: {  	s1 =	ssub.s32 @!p0 $0x0, s1;
	[sflag:s0] =	ssyncset.done @!p0 $0x0  }
0x2c1: {  	[sflag:s0] =	ssyncadd.s32 @!p0 s1  }
0x2c2: {  	[bflag:$0x3] =	sbarrier.arrive $0xFFFF  }
0x2c3: {  	_ =	shalt  }

</sc_bundles>
